<compile_context>
chip_gen: v7x
topology: tpu7x:2x2x1
jax: 0.10.2.dev20260603
libtpu: 0.0.44.dev20260713+nightly
codegen_flags: <defaults>
</compile_context>

<pallas_src>
import functools

import jax
import jax.numpy as jnp
from jax import lax
from jax.experimental import pallas as pl
from jax.experimental.pallas import tpu as pltpu
from jax.experimental.pallas import tpu_sc as plsc

N = 10000
E = 320000
D = 128
DG = 16
NC = 2
NS = 16
NW = NC * NS
C = 80
NCHUNK = E // (NW * C)
ROWS_PER_TILE = N // NS
OROWS = 125
IH = 63
QD = 32
NBUF = 3

_mesh = plsc.VectorSubcoreMesh(
    core_axis_name="c", subcore_axis_name="s", num_cores=NC, num_subcores=NS
)


@functools.partial(
    pl.kernel,
    out_type=(
        jax.ShapeDtypeStruct((NC, N, D), jnp.float32),
        jax.ShapeDtypeStruct((NC, N, DG), jnp.float32),
    ),
    mesh=_mesh,
    scratch_types=[
        pltpu.VMEM((IH, C), jnp.int32),
        pltpu.VMEM((QD, C), jnp.int32),
        pltpu.VMEM((NBUF, C, D), jnp.float32),
        pltpu.VMEM((C, DG), jnp.float32),
        pltpu.VMEM_SHARED((N, D), jnp.float32),
        pltpu.VMEM_SHARED((N, DG), jnp.float32),
        pltpu.SemaphoreType.DMA((NBUF,)),
        pltpu.SemaphoreType.DMA((NBUF,)),
        pltpu.SemaphoreType.DMA((NBUF,)),
    ],
    compiler_params=pltpu.CompilerParams(use_tc_tiling_on_sc=False),
)
def _sc_aggregate(x_hbm, edge_hbm, ones_hbm,
                  out_hbm, deg_hbm,
                  src_v, dst_v, rows_v, ones_v, acc, dacc,
                  sem, sem_s, sem_d):
    cid = lax.axis_index("c")
    sid = lax.axis_index("s")
    wid = cid * NS + sid
    src_hbm = edge_hbm.at[0]
    dst_hbm = edge_hbm.at[1]

    def _zrow(i, _):
        r = i // (D // 16)
        f = i % (D // 16)
        rows_v[2, r, pl.ds(f * 16, 16)] = jnp.zeros((16,), jnp.float32)
        return 0
    lax.fori_loop(0, C * (D // 16), _zrow, 0)
    zpage = rows_v.at[2]
    zcopies = []
    for kz in range(7):
        zcopies.append((zpage, acc.at[pl.ds(sid * ROWS_PER_TILE + kz * C, C)]))
    zcopies.append((zpage.at[pl.ds(0, 65)],
                    acc.at[pl.ds(sid * ROWS_PER_TILE + 7 * C, 65)]))
    for kz in range(7):
        zcopies.append((zpage.at[:, pl.ds(0, DG)],
                        dacc.at[pl.ds(sid * ROWS_PER_TILE + kz * C, C)]))
    zcopies.append((zpage.at[pl.ds(0, 65)].at[:, pl.ds(0, DG)],
                    dacc.at[pl.ds(sid * ROWS_PER_TILE + 7 * C, 65)]))
    for s_, d_ in zcopies:
        pltpu.async_copy(s_, d_, sem_s.at[0])
    pltpu.async_copy(ones_hbm, ones_v, sem_s.at[2])

    pltpu.sync_copy(src_hbm.at[wid].at[pl.ds(0, IH)], src_v)
    pltpu.sync_copy(dst_hbm.at[wid].at[pl.ds(0, QD)], dst_v)

    def _gather(j, buf):
        row = jnp.where(j < IH, j, j - IH)
        pltpu.async_copy(x_hbm.at[src_v.at[row].at[pl.ds(0, C // 2)]],
                         rows_v.at[buf].at[pl.ds(0, C // 2)], sem.at[buf])
        pltpu.async_copy(x_hbm.at[src_v.at[row].at[pl.ds(C // 2, C // 2)]],
                         rows_v.at[buf].at[pl.ds(C // 2, C // 2)], sem.at[buf])

    def _gather_wait(buf):
        pltpu.make_async_copy(
            x_hbm.at[src_v.at[0]], rows_v.at[buf], sem.at[buf]).wait()

    def _scatter_wait(buf):
        pltpu.make_async_copy(
            rows_v.at[buf], acc.at[dst_v.at[0]], sem_s.at[buf]).wait()

    def _dscatter_wait(buf):
        pltpu.make_async_copy(
            ones_v, dacc.at[dst_v.at[0]], sem_d.at[buf]).wait()

    _gather(0, 0)
    _gather(1, 1)
    for s_, d_ in zcopies:
        pltpu.make_async_copy(s_, d_, sem_s.at[0]).wait()
    pltpu.make_async_copy(ones_hbm, ones_v, sem_s.at[2]).wait()
    plsc.subcore_barrier()


    def _edge_chunk(j, _):
        buf = lax.rem(j, NBUF)
        _gather_wait(buf)

        @pl.when(j >= 1)
        def _():
            _scatter_wait(lax.rem(j - 1, NBUF))
            _dscatter_wait(lax.rem(j - 1, NBUF))

        @pl.when(j == IH - 2)
        def _():
            pltpu.sync_copy(src_hbm.at[wid].at[pl.ds(IH, NCHUNK - IH)],
                            src_v.at[pl.ds(0, NCHUNK - IH)])

        for jq, qn in ((QD, QD), (2 * QD, QD), (3 * QD, NCHUNK - 3 * QD)):
            @pl.when(j == jq)
            def _(jq=jq, qn=qn):
                pltpu.sync_copy(dst_hbm.at[wid].at[pl.ds(jq, qn)],
                                dst_v.at[pl.ds(0, qn)])

        @pl.when(j + 2 < NCHUNK)
        def _():
            _gather(j + 2, lax.rem(j + 2, NBUF))

        drow = lax.rem(j, QD)
        pltpu.async_copy(rows_v.at[buf], acc.at[dst_v.at[drow]],
                         sem_s.at[buf], add=True)
        pltpu.async_copy(ones_v, dacc.at[dst_v.at[drow]],
                         sem_d.at[buf], add=True)
        return 0
    lax.fori_loop(0, NCHUNK, _edge_chunk, 0)
    _scatter_wait((NCHUNK - 1) % NBUF)
    _dscatter_wait((NCHUNK - 1) % NBUF)

    plsc.subcore_barrier()
    for kz in range(ROWS_PER_TILE // OROWS):
        r0 = sid * ROWS_PER_TILE + kz * OROWS
        pltpu.async_copy(acc.at[pl.ds(r0, OROWS)],
                         out_hbm.at[cid].at[pl.ds(r0, OROWS)], sem.at[0])
    pltpu.async_copy(dacc.at[pl.ds(sid * ROWS_PER_TILE, ROWS_PER_TILE)],
                     deg_hbm.at[cid].at[pl.ds(sid * ROWS_PER_TILE, ROWS_PER_TILE)],
                     sem.at[1])
    for kz in range(ROWS_PER_TILE // OROWS):
        r0 = sid * ROWS_PER_TILE + kz * OROWS
        pltpu.make_async_copy(acc.at[pl.ds(r0, OROWS)],
                              out_hbm.at[cid].at[pl.ds(r0, OROWS)], sem.at[0]).wait()
    pltpu.make_async_copy(dacc.at[pl.ds(sid * ROWS_PER_TILE, ROWS_PER_TILE)],
                          deg_hbm.at[cid].at[pl.ds(sid * ROWS_PER_TILE, ROWS_PER_TILE)],
                          sem.at[1]).wait()


def _tc_finish(p_ref, d_ref, x_ref, w_ref, b_ref, o_ref):
    agg = p_ref[0] + p_ref[1]
    deg16 = d_ref[0] + d_ref[1]
    deg = jnp.maximum(deg16[:, 0:1], 1.0)
    h = agg / deg + x_ref[...]
    y = jnp.dot(h, w_ref[...], preferred_element_type=jnp.float32) + b_ref[...]
    o_ref[...] = jnp.maximum(y, 0.0)


def kernel(x, edge_index, W, b):
    ei = edge_index.astype(jnp.int32).reshape(2, NW, NCHUNK, C)
    ones16 = jnp.ones((C, DG), jnp.float32)
    partials, degs = _sc_aggregate(x, ei, ones16)

    BN = 2000
    out = pl.pallas_call(
        _tc_finish,
        grid=(N // BN,),
        in_specs=[
            pl.BlockSpec((NC, BN, D), lambda i: (0, i, 0)),
            pl.BlockSpec((NC, BN, DG), lambda i: (0, i, 0)),
            pl.BlockSpec((BN, D), lambda i: (i, 0)),
            pl.BlockSpec((D, D), lambda i: (0, 0)),
            pl.BlockSpec((1, D), lambda i: (0, 0)),
        ],
        out_specs=pl.BlockSpec((BN, D), lambda i: (i, 0)),
        out_shape=jax.ShapeDtypeStruct((N, D), jnp.float32),
    )(partials, degs, x, W, b.reshape(1, D))
    return out

# --- scband reference (transcript-rebuilt; emitter-appended) ---
"""Pipeline reference for scband-simple-gcnlayer-13374528159917 (READ-ONLY COPY).

The authoritative reference and input builder live on the scoring server;
editing this copy changes nothing except your own understanding.
"""

import jax, jax.numpy as jnp
import numpy as np

N_NODES = 10000
N_EDGES = 320000
D_IN = 128
D_OUT = 128


def setup_inputs(seed: int = 0) -> dict:
    key = jax.random.key(seed)
    k1, k2, k3, k4 = jax.random.split(key, 4)
    x = jax.random.normal(k1, (N_NODES, D_IN), dtype=jnp.float32)
    edge_index = jax.random.randint(k2, (2, N_EDGES), 0, N_NODES, dtype=jnp.int64)
    # Linear layer parameters (stored as [in_dim, out_dim] for x @ W + b)
    W = jax.random.normal(k3, (D_IN, D_OUT), dtype=jnp.float32) * (1.0 / np.sqrt(D_IN))
    b = jax.random.normal(k4, (D_OUT,), dtype=jnp.float32) * 0.01
    return {"x": x, "edge_index": edge_index, "W": W, "b": b}


def reference(x, edge_index, W, b):
    src = edge_index[0]
    dst = edge_index[1]
    # 1. Aggregate: scatter-add messages from src into dst, then mean via degree
    msg = x[src]  # gather [E, D_IN]
    out = jnp.zeros((x.shape[0], x.shape[1]), dtype=x.dtype).at[dst].add(msg)
    ones = jnp.ones((src.shape[0], 1), dtype=x.dtype)
    deg = jnp.zeros((x.shape[0], 1), dtype=x.dtype).at[dst].add(ones)
    deg = jnp.clip(deg, 1.0, None)
    out = out / deg
    # 2. Residual
    out = out + x
    # 3. Update: Linear -> ReLU (dropout p=0.0 is identity)
    out = out @ W + b
    out = jax.nn.relu(out)
    return out

if __name__ == "__main__":
    import jax
    _d = setup_inputs()
    print(jax.jit(kernel)(*tuple(_d.values())))

</pallas_src>

<mosaic_0001>
#map = affine_map<(d0, d1) -> (0, 0)>
#map1 = affine_map<(d0, d1) -> (0, 0, 0, 0)>
#map2 = affine_map<(d0, d1) -> (0, 0, 0)>
module attributes {stable_mosaic.version = 14 : i64} {
  func.func @_sc_aggregate(%arg0: i32, %arg1: i32, %arg2: memref<10000x128xf32, #tpu.memory_space<hbm>>, %arg3: memref<2x32x125x80xi32, #tpu.memory_space<hbm>>, %arg4: memref<80x16xf32, #tpu.memory_space<hbm>>, %arg5: memref<2x10000x128xf32, #tpu.memory_space<hbm>>, %arg6: memref<2x10000x16xf32, #tpu.memory_space<hbm>>, %arg7: memref<63x80xi32, #tpu.memory_space<vmem>>, %arg8: memref<32x80xi32, #tpu.memory_space<vmem>>, %arg9: memref<3x80x128xf32, #tpu.memory_space<vmem>>, %arg10: memref<80x16xf32, #tpu.memory_space<vmem>>, %arg11: memref<10000x128xf32, #tpu.memory_space<vmem_shared>>, %arg12: memref<10000x16xf32, #tpu.memory_space<vmem_shared>>, %arg13: memref<3x!tpu.dma_semaphore, #tpu.memory_space<semaphore_mem>>, %arg14: memref<3x!tpu.dma_semaphore, #tpu.memory_space<semaphore_mem>>, %arg15: memref<3x!tpu.dma_semaphore, #tpu.memory_space<semaphore_mem>>) attributes {dimension_semantics = [#tpu.dimension_semantics<core_parallel>, #tpu.dimension_semantics<subcore_parallel>], iteration_bounds = array<i64: 2, 16>, scalar_prefetch = 0 : i64, scratch_operands = 9 : i64, tpu.core_type = #tpu.core_type<sc_vector_subcore>, window_params = [{transform_indices = #map}, {transform_indices = #map1}, {transform_indices = #map}, {transform_indices = #map2}, {transform_indices = #map2}]} {
    %mul3A = arith.constant 16 : i32
    %mul3A_0 = arith.muli %arg0, %mul3A : i32
    %add3A = arith.addi %mul3A_0, %arg1 : i32
    %scan3A = arith.constant 0 : i32
    %scan3A_1 = arith.constant 0 : i32
    %scan3A_2 = arith.constant 640 : i32
    %scan3A_3 = arith.addi %scan3A_1, %scan3A_2 : i32
    %scan3A_4 = arith.constant 1 : i32
    %scan3A_5 = scf.for %scan3A_1005 = %scan3A_1 to %scan3A_3 step %scan3A_4 iter_args(%scan3A_1006 = %scan3A) -> (i32)  : i32 {
      %jit3A_1007 = arith.constant 8 : i32
      %div3A = arith.divsi %scan3A_1005, %jit3A_1007 : i32
      %sign3A = arith.constant 0 : i32
      %sign3A_1008 = arith.cmpi sgt, %scan3A_1005, %sign3A : i32
      %sign3A_1009 = arith.extui %sign3A_1008 : i1 to i32
      %sign3A_1010 = arith.constant 0 : i32
      %sign3A_1011 = arith.cmpi slt, %scan3A_1005, %sign3A_1010 : i32
      %sign3A_1012 = arith.extui %sign3A_1011 : i1 to i32
      %sign3A_1013 = arith.subi %sign3A_1009, %sign3A_1012 : i32
      %sign3A_1014 = arith.constant 0 : i32
      %sign3A_1015 = arith.cmpi sgt, %jit3A_1007, %sign3A_1014 : i32
      %sign3A_1016 = arith.extui %sign3A_1015 : i1 to i32
      %sign3A_1017 = arith.constant 0 : i32
      %sign3A_1018 = arith.cmpi slt, %jit3A_1007, %sign3A_1017 : i32
      %sign3A_1019 = arith.extui %sign3A_1018 : i1 to i32
      %sign3A_1020 = arith.subi %sign3A_1016, %sign3A_1019 : i32
      %ne3A = arith.cmpi ne, %sign3A_1013, %sign3A_1020 : i32
      %rem3A = arith.remsi %scan3A_1005, %jit3A_1007 : i32
      %ne3A_1021 = arith.constant 0 : i32
      %ne3A_1022 = arith.cmpi ne, %rem3A, %ne3A_1021 : i32
      %and3A = arith.andi %ne3A, %ne3A_1022 : i1
      %sub3A = arith.constant 1 : i32
      %sub3A_1023 = arith.subi %div3A, %sub3A : i32
      %select_n3A_1024 = arith.select %and3A, %sub3A_1023, %div3A : i32
      %jit3A_1025 = arith.constant 8 : i32
      %eq3A = arith.constant 0 : i32
      %eq3A_1026 = arith.cmpi eq, %jit3A_1025, %eq3A : i32
      %jit3A_1027 = arith.constant 1 : i32
      %select_n3A_1028 = arith.select %eq3A_1026, %jit3A_1027, %jit3A_1025 : i32
      %rem3A_1029 = arith.remsi %scan3A_1005, %select_n3A_1028 : i32
      %ne3A_1030 = arith.constant 0 : i32
      %ne3A_1031 = arith.cmpi ne, %rem3A_1029, %ne3A_1030 : i32
      %lt3A = arith.constant 0 : i32
      %lt3A_1032 = arith.cmpi slt, %rem3A_1029, %lt3A : i32
      %lt3A_1033 = arith.constant 0 : i32
      %lt3A_1034 = arith.cmpi slt, %select_n3A_1028, %lt3A_1033 : i32
      %ne3A_1035 = arith.xori %lt3A_1032, %lt3A_1034 : i1
      %and3A_1036 = arith.andi %ne3A_1035, %ne3A_1031 : i1
      %add3A_1037 = arith.addi %rem3A_1029, %select_n3A_1028 : i32
      %select_n3A_1038 = arith.select %and3A_1036, %add3A_1037, %rem3A_1029 : i32
      %broadcast_in_dim3A = arith.constant 0.000000e+00 : f32
      %broadcast_in_dim3A_1039 = vector.broadcast %broadcast_in_dim3A : f32 to vector<16xf32>
      %mul3A_1040 = arith.constant 16 : i32
      %mul3A_1041 = arith.muli %select_n3A_1038, %mul3A_1040 : i32
      %swap3A = arith.constant 2 : i32
      %swap3A_1042 = arith.index_cast %swap3A : i32 to index
      %swap3A_1043 = arith.index_cast %select_n3A_1024 : i32 to index
      %swap3A_1044 = arith.index_cast %mul3A_1041 : i32 to index
      %swap3A_1045 = tpu.vector_load %arg9[%swap3A_1042, %swap3A_1043, %swap3A_1044] {strides = array<i32>} : memref<3x80x128xf32, #tpu.memory_space<vmem>>, vector<1x1x16xf32>,
      %swap3A_1046 = vector.shape_cast %swap3A_1045 : vector<1x1x16xf32> to vector<16xf32>
      %swap3A_1047 = vector.shape_cast %broadcast_in_dim3A_1039 : vector<16xf32> to vector<1x1x16xf32>
      tpu.vector_store %arg9[%swap3A_1042, %swap3A_1043, %swap3A_1044], %swap3A_1047 {strides = array<i32>} : memref<3x80x128xf32, #tpu.memory_space<vmem>>, vector<1x1x16xf32>,
      %scan3A_1048 = arith.constant 0 : i32
      scf.yield %scan3A_1048 : i32
    }
    %scan3A_6 = arith.constant 640 : i32
    %mul3A_7 = arith.constant 625 : i32
    %mul3A_8 = arith.muli %arg1, %mul3A_7 : i32
    %add3A_9 = arith.constant 0 : i32
    %add3A_10 = arith.addi %mul3A_8, %add3A_9 : i32
    %mul3A_11 = arith.constant 625 : i32
    %mul3A_12 = arith.muli %arg1, %mul3A_11 : i32
    %add3A_13 = arith.constant 80 : i32
    %add3A_14 = arith.addi %mul3A_12, %add3A_13 : i32
    %mul3A_15 = arith.constant 625 : i32
    %mul3A_16 = arith.muli %arg1, %mul3A_15 : i32
    %add3A_17 = arith.constant 160 : i32
    %add3A_18 = arith.addi %mul3A_16, %add3A_17 : i32
    %mul3A_19 = arith.constant 625 : i32
    %mul3A_20 = arith.muli %arg1, %mul3A_19 : i32
    %add3A_21 = arith.constant 240 : i32
    %add3A_22 = arith.addi %mul3A_20, %add3A_21 : i32
    %mul3A_23 = arith.constant 625 : i32
    %mul3A_24 = arith.muli %arg1, %mul3A_23 : i32
    %add3A_25 = arith.constant 320 : i32
    %add3A_26 = arith.addi %mul3A_24, %add3A_25 : i32
    %mul3A_27 = arith.constant 625 : i32
    %mul3A_28 = arith.muli %arg1, %mul3A_27 : i32
    %add3A_29 = arith.constant 400 : i32
    %add3A_30 = arith.addi %mul3A_28, %add3A_29 : i32
    %mul3A_31 = arith.constant 625 : i32
    %mul3A_32 = arith.muli %arg1, %mul3A_31 : i32
    %add3A_33 = arith.constant 480 : i32
    %add3A_34 = arith.addi %mul3A_32, %add3A_33 : i32
    %mul3A_35 = arith.constant 625 : i32
    %mul3A_36 = arith.muli %arg1, %mul3A_35 : i32
    %add3A_37 = arith.constant 560 : i32
    %add3A_38 = arith.addi %mul3A_36, %add3A_37 : i32
    %mul3A_39 = arith.constant 625 : i32
    %mul3A_40 = arith.muli %arg1, %mul3A_39 : i32
    %add3A_41 = arith.constant 0 : i32
    %add3A_42 = arith.addi %mul3A_40, %add3A_41 : i32
    %mul3A_43 = arith.constant 625 : i32
    %mul3A_44 = arith.muli %arg1, %mul3A_43 : i32
    %add3A_45 = arith.constant 80 : i32
    %add3A_46 = arith.addi %mul3A_44, %add3A_45 : i32
    %mul3A_47 = arith.constant 625 : i32
    %mul3A_48 = arith.muli %arg1, %mul3A_47 : i32
    %add3A_49 = arith.constant 160 : i32
    %add3A_50 = arith.addi %mul3A_48, %add3A_49 : i32
    %mul3A_51 = arith.constant 625 : i32
    %mul3A_52 = arith.muli %arg1, %mul3A_51 : i32
    %add3A_53 = arith.constant 240 : i32
    %add3A_54 = arith.addi %mul3A_52, %add3A_53 : i32
    %mul3A_55 = arith.constant 625 : i32
    %mul3A_56 = arith.muli %arg1, %mul3A_55 : i32
    %add3A_57 = arith.constant 320 : i32
    %add3A_58 = arith.addi %mul3A_56, %add3A_57 : i32
    %mul3A_59 = arith.constant 625 : i32
    %mul3A_60 = arith.muli %arg1, %mul3A_59 : i32
    %add3A_61 = arith.constant 400 : i32
    %add3A_62 = arith.addi %mul3A_60, %add3A_61 : i32
    %mul3A_63 = arith.constant 625 : i32
    %mul3A_64 = arith.muli %arg1, %mul3A_63 : i32
    %add3A_65 = arith.constant 480 : i32
    %add3A_66 = arith.addi %mul3A_64, %add3A_65 : i32
    %mul3A_67 = arith.constant 625 : i32
    %mul3A_68 = arith.muli %arg1, %mul3A_67 : i32
    %add3A_69 = arith.constant 560 : i32
    %add3A_70 = arith.addi %mul3A_68, %add3A_69 : i32
    %dma_start3A = arith.constant 2 : i32
    %dma_start3A_71 = arith.constant 0 : i32
    %dma_start3A_72 = arith.constant 0 : i32
    %dma_start3A_73 = arith.constant 0 : i32
    %dma_start3A_74 = tpu.memref_slice %arg9[%dma_start3A, %dma_start3A_72, %dma_start3A_73] : memref<3x80x128xf32, #tpu.memory_space<vmem>> -> memref<1x80x128xf32, #tpu.memory_space<vmem>>
    %dma_start3A_75 = tpu.memref_squeeze %dma_start3A_74 : memref<1x80x128xf32, #tpu.memory_space<vmem>> -> memref<80x128xf32, #tpu.memory_space<vmem>>
    %dma_start3A_76 = arith.constant 0 : i32
    %dma_start3A_77 = tpu.memref_slice %arg11[%add3A_10, %dma_start3A_76] : memref<10000x128xf32, #tpu.memory_space<vmem_shared>> -> memref<80x128xf32, #tpu.memory_space<vmem_shared>>
    %dma_start3A_78 = tpu.memref_slice %arg14[%dma_start3A_71] : memref<3x!tpu.dma_semaphore, #tpu.memory_space<semaphore_mem>> -> memref<1x!tpu.dma_semaphore, #tpu.memory_space<semaphore_mem>>
    %dma_start3A_79 = tpu.memref_squeeze %dma_start3A_78 : memref<1x!tpu.dma_semaphore, #tpu.memory_space<semaphore_mem>> -> memref<!tpu.dma_semaphore, #tpu.memory_space<semaphore_mem>>
    %dma_start3A_80 = arith.constant 0 : i32
    %dma_start3A_81 = tpu.memref_slice %arg11[%add3A_10, %dma_start3A_80] : memref<10000x128xf32, #tpu.memory_space<vmem_shared>> -> memref<80x128xf32, #tpu.memory_space<vmem_shared>>
    %dma_start3A_82 = arith.constant 0 : i32
    %dma_start3A_83 = arith.constant 0 : i32
    %dma_start3A_84 = tpu.memref_slice %arg9[%dma_start3A, %dma_start3A_82, %dma_start3A_83] : memref<3x80x128xf32, #tpu.memory_space<vmem>> -> memref<1x80x128xf32, #tpu.memory_space<vmem>>
    %dma_start3A_85 = tpu.memref_squeeze %dma_start3A_84 : memref<1x80x128xf32, #tpu.memory_space<vmem>> -> memref<80x128xf32, #tpu.memory_space<vmem>>
    tpu.enqueue_dma source(%dma_start3A_85 : memref<80x128xf32, #tpu.memory_space<vmem>>) target(%dma_start3A_81 : memref<80x128xf32, #tpu.memory_space<vmem_shared>>) target_semaphore(%dma_start3A_79 : memref<!tpu.dma_semaphore, #tpu.memory_space<semaphore_mem>>)
    %dma_start3A_86 = arith.constant 2 : i32
    %dma_start3A_87 = arith.constant 0 : i32
    %dma_start3A_88 = arith.constant 0 : i32
    %dma_start3A_89 = arith.constant 0 : i32
    %dma_start3A_90 = tpu.memref_slice %arg9[%dma_start3A_86, %dma_start3A_88, %dma_start3A_89] : memref<3x80x128xf32, #tpu.memory_space<vmem>> -> memref<1x80x128xf32, #tpu.memory_space<vmem>>
    %dma_start3A_91 = tpu.memref_squeeze %dma_start3A_90 : memref<1x80x128xf32, #tpu.memory_space<vmem>> -> memref<80x128xf32, #tpu.memory_space<vmem>>
    %dma_start3A_92 = arith.constant 0 : i32
    %dma_start3A_93 = tpu.memref_slice %arg11[%add3A_14, %dma_start3A_92] : memref<10000x128xf32, #tpu.memory_space<vmem_shared>> -> memref<80x128xf32, #tpu.memory_space<vmem_shared>>
    %dma_start3A_94 = tpu.memref_slice %arg14[%dma_start3A_87] : memref<3x!tpu.dma_semaphore, #tpu.memory_space<semaphore_mem>> -> memref<1x!tpu.dma_semaphore, #tpu.memory_space<semaphore_mem>>
    %dma_start3A_95 = tpu.memref_squeeze %dma_start3A_94 : memref<1x!tpu.dma_semaphore, #tpu.memory_space<semaphore_mem>> -> memref<!tpu.dma_semaphore, #tpu.memory_space<semaphore_mem>>
    %dma_start3A_96 = arith.constant 0 : i32
    %dma_start3A_97 = tpu.memref_slice %arg11[%add3A_14, %dma_start3A_96] : memref<10000x128xf32, #tpu.memory_space<vmem_shared>> -> memref<80x128xf32, #tpu.memory_space<vmem_shared>>
    %dma_start3A_98 = arith.constant 0 : i32
    %dma_start3A_99 = arith.constant 0 : i32
    %dma_start3A_100 = tpu.memref_slice %arg9[%dma_start3A_86, %dma_start3A_98, %dma_start3A_99] : memref<3x80x128xf32, #tpu.memory_space<vmem>> -> memref<1x80x128xf32, #tpu.memory_space<vmem>>
    %dma_start3A_101 = tpu.memref_squeeze %dma_start3A_100 : memref<1x80x128xf32, #tpu.memory_space<vmem>> -> memref<80x128xf32, #tpu.memory_space<vmem>>
    tpu.enqueue_dma source(%dma_start3A_101 : memref<80x128xf32, #tpu.memory_space<vmem>>) target(%dma_start3A_97 : memref<80x128xf32, #tpu.memory_space<vmem_shared>>) target_semaphore(%dma_start3A_95 : memref<!tpu.dma_semaphore, #tpu.memory_space<semaphore_mem>>)
    %dma_start3A_102 = arith.constant 2 : i32
    %dma_start3A_103 = arith.constant 0 : i32
    %dma_start3A_104 = arith.constant 0 : i32
    %dma_start3A_105 = arith.constant 0 : i32
    %dma_start3A_106 = tpu.memref_slice %arg9[%dma_start3A_102, %dma_start3A_104, %dma_start3A_105] : memref<3x80x128xf32, #tpu.memory_space<vmem>> -> memref<1x80x128xf32, #tpu.memory_space<vmem>>
    %dma_start3A_107 = tpu.memref_squeeze %dma_start3A_106 : memref<1x80x128xf32, #tpu.memory_space<vmem>> -> memref<80x128xf32, #tpu.memory_space<vmem>>
    %dma_start3A_108 = arith.constant 0 : i32
    %dma_start3A_109 = tpu.memref_slice %arg11[%add3A_18, %dma_start3A_108] : memref<10000x128xf32, #tpu.memory_space<vmem_shared>> -> memref<80x128xf32, #tpu.memory_space<vmem_shared>>
    %dma_start3A_110 = tpu.memref_slice %arg14[%dma_start3A_103] : memref<3x!tpu.dma_semaphore, #tpu.memory_space<semaphore_mem>> -> memref<1x!tpu.dma_semaphore, #tpu.memory_space<semaphore_mem>>
    %dma_start3A_111 = tpu.memref_squeeze %dma_start3A_110 : memref<1x!tpu.dma_semaphore, #tpu.memory_space<semaphore_mem>> -> memref<!tpu.dma_semaphore, #tpu.memory_space<semaphore_mem>>
    %dma_start3A_112 = arith.constant 0 : i32
    %dma_start3A_113 = tpu.memref_slice %arg11[%add3A_18, %dma_start3A_112] : memref<10000x128xf32, #tpu.memory_space<vmem_shared>> -> memref<80x128xf32, #tpu.memory_space<vmem_shared>>
    %dma_start3A_114 = arith.constant 0 : i32
    %dma_start3A_115 = arith.constant 0 : i32
    %dma_start3A_116 = tpu.memref_slice %arg9[%dma_start3A_102, %dma_start3A_114, %dma_start3A_115] : memref<3x80x128xf32, #tpu.memory_space<vmem>> -> memref<1x80x128xf32, #tpu.memory_space<vmem>>
    %dma_start3A_117 = tpu.memref_squeeze %dma_start3A_116 : memref<1x80x128xf32, #tpu.memory_space<vmem>> -> memref<80x128xf32, #tpu.memory_space<vmem>>
    tpu.enqueue_dma source(%dma_start3A_117 : memref<80x128xf32, #tpu.memory_space<vmem>>) target(%dma_start3A_113 : memref<80x128xf32, #tpu.memory_space<vmem_shared>>) target_semaphore(%dma_start3A_111 : memref<!tpu.dma_semaphore, #tpu.memory_space<semaphore_mem>>)
    %dma_start3A_118 = arith.constant 2 : i32
    %dma_start3A_119 = arith.constant 0 : i32
    %dma_start3A_120 = arith.constant 0 : i32
    %dma_start3A_121 = arith.constant 0 : i32
    %dma_start3A_122 = tpu.memref_slice %arg9[%dma_start3A_118, %dma_start3A_120, %dma_start3A_121] : memref<3x80x128xf32, #tpu.memory_space<vmem>> -> memref<1x80x128xf32, #tpu.memory_space<vmem>>
    %dma_start3A_123 = tpu.memref_squeeze %dma_start3A_122 : memref<1x80x128xf32, #tpu.memory_space<vmem>> -> memref<80x128xf32, #tpu.memory_space<vmem>>
    %dma_start3A_124 = arith.constant 0 : i32
    %dma_start3A_125 = tpu.memref_slice %arg11[%add3A_22, %dma_start3A_124] : memref<10000x128xf32, #tpu.memory_space<vmem_shared>> -> memref<80x128xf32, #tpu.memory_space<vmem_shared>>
    %dma_start3A_126 = tpu.memref_slice %arg14[%dma_start3A_119] : memref<3x!tpu.dma_semaphore, #tpu.memory_space<semaphore_mem>> -> memref<1x!tpu.dma_semaphore, #tpu.memory_space<semaphore_mem>>
    %dma_start3A_127 = tpu.memref_squeeze %dma_start3A_126 : memref<1x!tpu.dma_semaphore, #tpu.memory_space<semaphore_mem>> -> memref<!tpu.dma_semaphore, #tpu.memory_space<semaphore_mem>>
    %dma_start3A_128 = arith.constant 0 : i32
    %dma_start3A_129 = tpu.memref_slice %arg11[%add3A_22, %dma_start3A_128] : memref<10000x128xf32, #tpu.memory_space<vmem_shared>> -> memref<80x128xf32, #tpu.memory_space<vmem_shared>>
    %dma_start3A_130 = arith.constant 0 : i32
    %dma_start3A_131 = arith.constant 0 : i32
    %dma_start3A_132 = tpu.memref_slice %arg9[%dma_start3A_118, %dma_start3A_130, %dma_start3A_131] : memref<3x80x128xf32, #tpu.memory_space<vmem>> -> memref<1x80x128xf32, #tpu.memory_space<vmem>>
    %dma_start3A_133 = tpu.memref_squeeze %dma_start3A_132 : memref<1x80x128xf32, #tpu.memory_space<vmem>> -> memref<80x128xf32, #tpu.memory_space<vmem>>
    tpu.enqueue_dma source(%dma_start3A_133 : memref<80x128xf32, #tpu.memory_space<vmem>>) target(%dma_start3A_129 : memref<80x128xf32, #tpu.memory_space<vmem_shared>>) target_semaphore(%dma_start3A_127 : memref<!tpu.dma_semaphore, #tpu.memory_space<semaphore_mem>>)
    %dma_start3A_134 = arith.constant 2 : i32
    %dma_start3A_135 = arith.constant 0 : i32
    %dma_start3A_136 = arith.constant 0 : i32
    %dma_start3A_137 = arith.constant 0 : i32
    %dma_start3A_138 = tpu.memref_slice %arg9[%dma_start3A_134, %dma_start3A_136, %dma_start3A_137] : memref<3x80x128xf32, #tpu.memory_space<vmem>> -> memref<1x80x128xf32, #tpu.memory_space<vmem>>
    %dma_start3A_139 = tpu.memref_squeeze %dma_start3A_138 : memref<1x80x128xf32, #tpu.memory_space<vmem>> -> memref<80x128xf32, #tpu.memory_space<vmem>>
    %dma_start3A_140 = arith.constant 0 : i32
    %dma_start3A_141 = tpu.memref_slice %arg11[%add3A_26, %dma_start3A_140] : memref<10000x128xf32, #tpu.memory_space<vmem_shared>> -> memref<80x128xf32, #tpu.memory_space<vmem_shared>>
    %dma_start3A_142 = tpu.memref_slice %arg14[%dma_start3A_135] : memref<3x!tpu.dma_semaphore, #tpu.memory_space<semaphore_mem>> -> memref<1x!tpu.dma_semaphore, #tpu.memory_space<semaphore_mem>>
    %dma_start3A_143 = tpu.memref_squeeze %dma_start3A_142 : memref<1x!tpu.dma_semaphore, #tpu.memory_space<semaphore_mem>> -> memref<!tpu.dma_semaphore, #tpu.memory_space<semaphore_mem>>
    %dma_start3A_144 = arith.constant 0 : i32
    %dma_start3A_145 = tpu.memref_slice %arg11[%add3A_26, %dma_start3A_144] : memref<10000x128xf32, #tpu.memory_space<vmem_shared>> -> memref<80x128xf32, #tpu.memory_space<vmem_shared>>
    %dma_start3A_146 = arith.constant 0 : i32
    %dma_start3A_147 = arith.constant 0 : i32
    %dma_start3A_148 = tpu.memref_slice %arg9[%dma_start3A_134, %dma_start3A_146, %dma_start3A_147] : memref<3x80x128xf32, #tpu.memory_space<vmem>> -> memref<1x80x128xf32, #tpu.memory_space<vmem>>
    %dma_start3A_149 = tpu.memref_squeeze %dma_start3A_148 : memref<1x80x128xf32, #tpu.memory_space<vmem>> -> memref<80x128xf32, #tpu.memory_space<vmem>>
    tpu.enqueue_dma source(%dma_start3A_149 : memref<80x128xf32, #tpu.memory_space<vmem>>) target(%dma_start3A_145 : memref<80x128xf32, #tpu.memory_space<vmem_shared>>) target_semaphore(%dma_start3A_143 : memref<!tpu.dma_semaphore, #tpu.memory_space<semaphore_mem>>)
    %dma_start3A_150 = arith.constant 2 : i32
    %dma_start3A_151 = arith.constant 0 : i32
    %dma_start3A_152 = arith.constant 0 : i32
    %dma_start3A_153 = arith.constant 0 : i32
    %dma_start3A_154 = tpu.memref_slice %arg9[%dma_start3A_150, %dma_start3A_152, %dma_start3A_153] : memref<3x80x128xf32, #tpu.memory_space<vmem>> -> memref<1x80x128xf32, #tpu.memory_space<vmem>>
    %dma_start3A_155 = tpu.memref_squeeze %dma_start3A_154 : memref<1x80x128xf32, #tpu.memory_space<vmem>> -> memref<80x128xf32, #tpu.memory_space<vmem>>
    %dma_start3A_156 = arith.constant 0 : i32
    %dma_start3A_157 = tpu.memref_slice %arg11[%add3A_30, %dma_start3A_156] : memref<10000x128xf32, #tpu.memory_space<vmem_shared>> -> memref<80x128xf32, #tpu.memory_space<vmem_shared>>
    %dma_start3A_158 = tpu.memref_slice %arg14[%dma_start3A_151] : memref<3x!tpu.dma_semaphore, #tpu.memory_space<semaphore_mem>> -> memref<1x!tpu.dma_semaphore, #tpu.memory_space<semaphore_mem>>
    %dma_start3A_159 = tpu.memref_squeeze %dma_start3A_158 : memref<1x!tpu.dma_semaphore, #tpu.memory_space<semaphore_mem>> -> memref<!tpu.dma_semaphore, #tpu.memory_space<semaphore_mem>>
    %dma_start3A_160 = arith.constant 0 : i32
    %dma_start3A_161 = tpu.memref_slice %arg11[%add3A_30, %dma_start3A_160] : memref<10000x128xf32, #tpu.memory_space<vmem_shared>> -> memref<80x128xf32, #tpu.memory_space<vmem_shared>>
    %dma_start3A_162 = arith.constant 0 : i32
    %dma_start3A_163 = arith.constant 0 : i32
    %dma_start3A_164 = tpu.memref_slice %arg9[%dma_start3A_150, %dma_start3A_162, %dma_start3A_163] : memref<3x80x128xf32, #tpu.memory_space<vmem>> -> memref<1x80x128xf32, #tpu.memory_space<vmem>>
    %dma_start3A_165 = tpu.memref_squeeze %dma_start3A_164 : memref<1x80x128xf32, #tpu.memory_space<vmem>> -> memref<80x128xf32, #tpu.memory_space<vmem>>
    tpu.enqueue_dma source(%dma_start3A_165 : memref<80x128xf32, #tpu.memory_space<vmem>>) target(%dma_start3A_161 : memref<80x128xf32, #tpu.memory_space<vmem_shared>>) target_semaphore(%dma_start3A_159 : memref<!tpu.dma_semaphore, #tpu.memory_space<semaphore_mem>>)
    %dma_start3A_166 = arith.constant 2 : i32
    %dma_start3A_167 = arith.constant 0 : i32
    %dma_start3A_168 = arith.constant 0 : i32
    %dma_start3A_169 = arith.constant 0 : i32
    %dma_start3A_170 = tpu.memref_slice %arg9[%dma_start3A_166, %dma_start3A_168, %dma_start3A_169] : memref<3x80x128xf32, #tpu.memory_space<vmem>> -> memref<1x80x128xf32, #tpu.memory_space<vmem>>
    %dma_start3A_171 = tpu.memref_squeeze %dma_start3A_170 : memref<1x80x128xf32, #tpu.memory_space<vmem>> -> memref<80x128xf32, #tpu.memory_space<vmem>>
    %dma_start3A_172 = arith.constant 0 : i32
    %dma_start3A_173 = tpu.memref_slice %arg11[%add3A_34, %dma_start3A_172] : memref<10000x128xf32, #tpu.memory_space<vmem_shared>> -> memref<80x128xf32, #tpu.memory_space<vmem_shared>>
    %dma_start3A_174 = tpu.memref_slice %arg14[%dma_start3A_167] : memref<3x!tpu.dma_semaphore, #tpu.memory_space<semaphore_mem>> -> memref<1x!tpu.dma_semaphore, #tpu.memory_space<semaphore_mem>>
    %dma_start3A_175 = tpu.memref_squeeze %dma_start3A_174 : memref<1x!tpu.dma_semaphore, #tpu.memory_space<semaphore_mem>> -> memref<!tpu.dma_semaphore, #tpu.memory_space<semaphore_mem>>
    %dma_start3A_176 = arith.constant 0 : i32
    %dma_start3A_177 = tpu.memref_slice %arg11[%add3A_34, %dma_start3A_176] : memref<10000x128xf32, #tpu.memory_space<vmem_shared>> -> memref<80x128xf32, #tpu.memory_space<vmem_shared>>
    %dma_start3A_178 = arith.constant 0 : i32
    %dma_start3A_179 = arith.constant 0 : i32
    %dma_start3A_180 = tpu.memref_slice %arg9[%dma_start3A_166, %dma_start3A_178, %dma_start3A_179] : memref<3x80x128xf32, #tpu.memory_space<vmem>> -> memref<1x80x128xf32, #tpu.memory_space<vmem>>
    %dma_start3A_181 = tpu.memref_squeeze %dma_start3A_180 : memref<1x80x128xf32, #tpu.memory_space<vmem>> -> memref<80x128xf32, #tpu.memory_space<vmem>>
    tpu.enqueue_dma source(%dma_start3A_181 : memref<80x128xf32, #tpu.memory_space<vmem>>) target(%dma_start3A_177 : memref<80x128xf32, #tpu.memory_space<vmem_shared>>) target_semaphore(%dma_start3A_175 : memref<!tpu.dma_semaphore, #tpu.memory_space<semaphore_mem>>)
    %dma_start3A_182 = arith.constant 2 : i32
    %dma_start3A_183 = arith.constant 0 : i32
    %dma_start3A_184 = arith.constant 0 : i32
    %dma_start3A_185 = arith.constant 0 : i32
    %dma_start3A_186 = tpu.memref_slice %arg9[%dma_start3A_182, %dma_start3A_184, %dma_start3A_185] : memref<3x80x128xf32, #tpu.memory_space<vmem>> -> memref<1x80x128xf32, #tpu.memory_space<vmem>>
    %dma_start3A_187 = tpu.memref_squeeze %dma_start3A_186 : memref<1x80x128xf32, #tpu.memory_space<vmem>> -> memref<80x128xf32, #tpu.memory_space<vmem>>
    %dma_start3A_188 = arith.constant 0 : i32
    %dma_start3A_189 = arith.constant 0 : i32
    %dma_start3A_190 = tpu.memref_slice %dma_start3A_187[%dma_start3A_188, %dma_start3A_189] : memref<80x128xf32, #tpu.memory_space<vmem>> -> memref<65x128xf32, #tpu.memory_space<vmem>>
    %dma_start3A_191 = arith.constant 0 : i32
    %dma_start3A_192 = tpu.memref_slice %arg11[%add3A_38, %dma_start3A_191] : memref<10000x128xf32, #tpu.memory_space<vmem_shared>> -> memref<65x128xf32, #tpu.memory_space<vmem_shared>>
    %dma_start3A_193 = tpu.memref_slice %arg14[%dma_start3A_183] : memref<3x!tpu.dma_semaphore, #tpu.memory_space<semaphore_mem>> -> memref<1x!tpu.dma_semaphore, #tpu.memory_space<semaphore_mem>>
    %dma_start3A_194 = tpu.memref_squeeze %dma_start3A_193 : memref<1x!tpu.dma_semaphore, #tpu.memory_space<semaphore_mem>> -> memref<!tpu.dma_semaphore, #tpu.memory_space<semaphore_mem>>
    %dma_start3A_195 = arith.constant 0 : i32
    %dma_start3A_196 = tpu.memref_slice %arg11[%add3A_38, %dma_start3A_195] : memref<10000x128xf32, #tpu.memory_space<vmem_shared>> -> memref<65x128xf32, #tpu.memory_space<vmem_shared>>
    %dma_start3A_197 = arith.constant 0 : i32
    %dma_start3A_198 = arith.constant 0 : i32
    %dma_start3A_199 = tpu.memref_slice %arg9[%dma_start3A_182, %dma_start3A_197, %dma_start3A_198] : memref<3x80x128xf32, #tpu.memory_space<vmem>> -> memref<1x80x128xf32, #tpu.memory_space<vmem>>
    %dma_start3A_200 = tpu.memref_squeeze %dma_start3A_199 : memref<1x80x128xf32, #tpu.memory_space<vmem>> -> memref<80x128xf32, #tpu.memory_space<vmem>>
    %dma_start3A_201 = arith.constant 0 : i32
    %dma_start3A_202 = arith.constant 0 : i32
    %dma_start3A_203 = tpu.memref_slice %dma_start3A_200[%dma_start3A_201, %dma_start3A_202] : memref<80x128xf32, #tpu.memory_space<vmem>> -> memref<65x128xf32, #tpu.memory_space<vmem>>
    tpu.enqueue_dma source(%dma_start3A_203 : memref<65x128xf32, #tpu.memory_space<vmem>>) target(%dma_start3A_196 : memref<65x128xf32, #tpu.memory_space<vmem_shared>>) target_semaphore(%dma_start3A_194 : memref<!tpu.dma_semaphore, #tpu.memory_space<semaphore_mem>>)
    %dma_start3A_204 = arith.constant 2 : i32
    %dma_start3A_205 = arith.constant 0 : i32
    %dma_start3A_206 = arith.constant 0 : i32
    %dma_start3A_207 = arith.constant 0 : i32
    %dma_start3A_208 = tpu.memref_slice %arg9[%dma_start3A_204, %dma_start3A_206, %dma_start3A_207] : memref<3x80x128xf32, #tpu.memory_space<vmem>> -> memref<1x80x128xf32, #tpu.memory_space<vmem>>
    %dma_start3A_209 = tpu.memref_squeeze %dma_start3A_208 : memref<1x80x128xf32, #tpu.memory_space<vmem>> -> memref<80x128xf32, #tpu.memory_space<vmem>>
    %dma_start3A_210 = arith.constant 0 : i32
    %dma_start3A_211 = arith.constant 0 : i32
    %dma_start3A_212 = tpu.memref_slice %dma_start3A_209[%dma_start3A_210, %dma_start3A_211] : memref<80x128xf32, #tpu.memory_space<vmem>> -> memref<80x16xf32, #tpu.memory_space<vmem>>
    %dma_start3A_213 = arith.constant 0 : i32
    %dma_start3A_214 = tpu.memref_slice %arg12[%add3A_42, %dma_start3A_213] : memref<10000x16xf32, #tpu.memory_space<vmem_shared>> -> memref<80x16xf32, #tpu.memory_space<vmem_shared>>
    %dma_start3A_215 = tpu.memref_slice %arg14[%dma_start3A_205] : memref<3x!tpu.dma_semaphore, #tpu.memory_space<semaphore_mem>> -> memref<1x!tpu.dma_semaphore, #tpu.memory_space<semaphore_mem>>
    %dma_start3A_216 = tpu.memref_squeeze %dma_start3A_215 : memref<1x!tpu.dma_semaphore, #tpu.memory_space<semaphore_mem>> -> memref<!tpu.dma_semaphore, #tpu.memory_space<semaphore_mem>>
    %dma_start3A_217 = arith.constant 0 : i32
    %dma_start3A_218 = tpu.memref_slice %arg12[%add3A_42, %dma_start3A_217] : memref<10000x16xf32, #tpu.memory_space<vmem_shared>> -> memref<80x16xf32, #tpu.memory_space<vmem_shared>>
    %dma_start3A_219 = arith.constant 0 : i32
    %dma_start3A_220 = arith.constant 0 : i32
    %dma_start3A_221 = tpu.memref_slice %arg9[%dma_start3A_204, %dma_start3A_219, %dma_start3A_220] : memref<3x80x128xf32, #tpu.memory_space<vmem>> -> memref<1x80x128xf32, #tpu.memory_space<vmem>>
    %dma_start3A_222 = tpu.memref_squeeze %dma_start3A_221 : memref<1x80x128xf32, #tpu.memory_space<vmem>> -> memref<80x128xf32, #tpu.memory_space<vmem>>
    %dma_start3A_223 = arith.constant 0 : i32
    %dma_start3A_224 = arith.constant 0 : i32
    %dma_start3A_225 = tpu.memref_slice %dma_start3A_222[%dma_start3A_223, %dma_start3A_224] : memref<80x128xf32, #tpu.memory_space<vmem>> -> memref<80x16xf32, #tpu.memory_space<vmem>>
    tpu.enqueue_dma source(%dma_start3A_225 : memref<80x16xf32, #tpu.memory_space<vmem>>) target(%dma_start3A_218 : memref<80x16xf32, #tpu.memory_space<vmem_shared>>) target_semaphore(%dma_start3A_216 : memref<!tpu.dma_semaphore, #tpu.memory_space<semaphore_mem>>)
    %dma_start3A_226 = arith.constant 2 : i32
    %dma_start3A_227 = arith.constant 0 : i32
    %dma_start3A_228 = arith.constant 0 : i32
    %dma_start3A_229 = arith.constant 0 : i32
    %dma_start3A_230 = tpu.memref_slice %arg9[%dma_start3A_226, %dma_start3A_228, %dma_start3A_229] : memref<3x80x128xf32, #tpu.memory_space<vmem>> -> memref<1x80x128xf32, #tpu.memory_space<vmem>>
    %dma_start3A_231 = tpu.memref_squeeze %dma_start3A_230 : memref<1x80x128xf32, #tpu.memory_space<vmem>> -> memref<80x128xf32, #tpu.memory_space<vmem>>
    %dma_start3A_232 = arith.constant 0 : i32
    %dma_start3A_233 = arith.constant 0 : i32
    %dma_start3A_234 = tpu.memref_slice %dma_start3A_231[%dma_start3A_232, %dma_start3A_233] : memref<80x128xf32, #tpu.memory_space<vmem>> -> memref<80x16xf32, #tpu.memory_space<vmem>>
    %dma_start3A_235 = arith.constant 0 : i32
    %dma_start3A_236 = tpu.memref_slice %arg12[%add3A_46, %dma_start3A_235] : memref<10000x16xf32, #tpu.memory_space<vmem_shared>> -> memref<80x16xf32, #tpu.memory_space<vmem_shared>>
    %dma_start3A_237 = tpu.memref_slice %arg14[%dma_start3A_227] : memref<3x!tpu.dma_semaphore, #tpu.memory_space<semaphore_mem>> -> memref<1x!tpu.dma_semaphore, #tpu.memory_space<semaphore_mem>>
    %dma_start3A_238 = tpu.memref_squeeze %dma_start3A_237 : memref<1x!tpu.dma_semaphore, #tpu.memory_space<semaphore_mem>> -> memref<!tpu.dma_semaphore, #tpu.memory_space<semaphore_mem>>
    %dma_start3A_239 = arith.constant 0 : i32
    %dma_start3A_240 = tpu.memref_slice %arg12[%add3A_46, %dma_start3A_239] : memref<10000x16xf32, #tpu.memory_space<vmem_shared>> -> memref<80x16xf32, #tpu.memory_space<vmem_shared>>
    %dma_start3A_241 = arith.constant 0 : i32
    %dma_start3A_242 = arith.constant 0 : i32
    %dma_start3A_243 = tpu.memref_slice %arg9[%dma_start3A_226, %dma_start3A_241, %dma_start3A_242] : memref<3x80x128xf32, #tpu.memory_space<vmem>> -> memref<1x80x128xf32, #tpu.memory_space<vmem>>
    %dma_start3A_244 = tpu.memref_squeeze %dma_start3A_243 : memref<1x80x128xf32, #tpu.memory_space<vmem>> -> memref<80x128xf32, #tpu.memory_space<vmem>>
    %dma_start3A_245 = arith.constant 0 : i32
    %dma_start3A_246 = arith.constant 0 : i32
    %dma_start3A_247 = tpu.memref_slice %dma_start3A_244[%dma_start3A_245, %dma_start3A_246] : memref<80x128xf32, #tpu.memory_space<vmem>> -> memref<80x16xf32, #tpu.memory_space<vmem>>
    tpu.enqueue_dma source(%dma_start3A_247 : memref<80x16xf32, #tpu.memory_space<vmem>>) target(%dma_start3A_240 : memref<80x16xf32, #tpu.memory_space<vmem_shared>>) target_semaphore(%dma_start3A_238 : memref<!tpu.dma_semaphore, #tpu.memory_space<semaphore_mem>>)
    %dma_start3A_248 = arith.constant 2 : i32
    %dma_start3A_249 = arith.constant 0 : i32
    %dma_start3A_250 = arith.constant 0 : i32
    %dma_start3A_251 = arith.constant 0 : i32
    %dma_start3A_252 = tpu.memref_slice %arg9[%dma_start3A_248, %dma_start3A_250, %dma_start3A_251] : memref<3x80x128xf32, #tpu.memory_space<vmem>> -> memref<1x80x128xf32, #tpu.memory_space<vmem>>
    %dma_start3A_253 = tpu.memref_squeeze %dma_start3A_252 : memref<1x80x128xf32, #tpu.memory_space<vmem>> -> memref<80x128xf32, #tpu.memory_space<vmem>>
    %dma_start3A_254 = arith.constant 0 : i32
    %dma_start3A_255 = arith.constant 0 : i32
    %dma_start3A_256 = tpu.memref_slice %dma_start3A_253[%dma_start3A_254, %dma_start3A_255] : memref<80x128xf32, #tpu.memory_space<vmem>> -> memref<80x16xf32, #tpu.memory_space<vmem>>
    %dma_start3A_257 = arith.constant 0 : i32
    %dma_start3A_258 = tpu.memref_slice %arg12[%add3A_50, %dma_start3A_257] : memref<10000x16xf32, #tpu.memory_space<vmem_shared>> -> memref<80x16xf32, #tpu.memory_space<vmem_shared>>
    %dma_start3A_259 = tpu.memref_slice %arg14[%dma_start3A_249] : memref<3x!tpu.dma_semaphore, #tpu.memory_space<semaphore_mem>> -> memref<1x!tpu.dma_semaphore, #tpu.memory_space<semaphore_mem>>
    %dma_start3A_260 = tpu.memref_squeeze %dma_start3A_259 : memref<1x!tpu.dma_semaphore, #tpu.memory_space<semaphore_mem>> -> memref<!tpu.dma_semaphore, #tpu.memory_space<semaphore_mem>>
    %dma_start3A_261 = arith.constant 0 : i32
    %dma_start3A_262 = tpu.memref_slice %arg12[%add3A_50, %dma_start3A_261] : memref<10000x16xf32, #tpu.memory_space<vmem_shared>> -> memref<80x16xf32, #tpu.memory_space<vmem_shared>>
    %dma_start3A_263 = arith.constant 0 : i32
    %dma_start3A_264 = arith.constant 0 : i32
    %dma_start3A_265 = tpu.memref_slice %arg9[%dma_start3A_248, %dma_start3A_263, %dma_start3A_264] : memref<3x80x128xf32, #tpu.memory_space<vmem>> -> memref<1x80x128xf32, #tpu.memory_space<vmem>>
    %dma_start3A_266 = tpu.memref_squeeze %dma_start3A_265 : memref<1x80x128xf32, #tpu.memory_space<vmem>> -> memref<80x128xf32, #tpu.memory_space<vmem>>
    %dma_start3A_267 = arith.constant 0 : i32
    %dma_start3A_268 = arith.constant 0 : i32
    %dma_start3A_269 = tpu.memref_slice %dma_start3A_266[%dma_start3A_267, %dma_start3A_268] : memref<80x128xf32, #tpu.memory_space<vmem>> -> memref<80x16xf32, #tpu.memory_space<vmem>>
    tpu.enqueue_dma source(%dma_start3A_269 : memref<80x16xf32, #tpu.memory_space<vmem>>) target(%dma_start3A_262 : memref<80x16xf32, #tpu.memory_space<vmem_shared>>) target_semaphore(%dma_start3A_260 : memref<!tpu.dma_semaphore, #tpu.memory_space<semaphore_mem>>)
    %dma_start3A_270 = arith.constant 2 : i32
    %dma_start3A_271 = arith.constant 0 : i32
    %dma_start3A_272 = arith.constant 0 : i32
    %dma_start3A_273 = arith.constant 0 : i32
    %dma_start3A_274 = tpu.memref_slice %arg9[%dma_start3A_270, %dma_start3A_272, %dma_start3A_273] : memref<3x80x128xf32, #tpu.memory_space<vmem>> -> memref<1x80x128xf32, #tpu.memory_space<vmem>>
    %dma_start3A_275 = tpu.memref_squeeze %dma_start3A_274 : memref<1x80x128xf32, #tpu.memory_space<vmem>> -> memref<80x128xf32, #tpu.memory_space<vmem>>
    %dma_start3A_276 = arith.constant 0 : i32
    %dma_start3A_277 = arith.constant 0 : i32
    %dma_start3A_278 = tpu.memref_slice %dma_start3A_275[%dma_start3A_276, %dma_start3A_277] : memref<80x128xf32, #tpu.memory_space<vmem>> -> memref<80x16xf32, #tpu.memory_space<vmem>>
    %dma_start3A_279 = arith.constant 0 : i32
    %dma_start3A_280 = tpu.memref_slice %arg12[%add3A_54, %dma_start3A_279] : memref<10000x16xf32, #tpu.memory_space<vmem_shared>> -> memref<80x16xf32, #tpu.memory_space<vmem_shared>>
    %dma_start3A_281 = tpu.memref_slice %arg14[%dma_start3A_271] : memref<3x!tpu.dma_semaphore, #tpu.memory_space<semaphore_mem>> -> memref<1x!tpu.dma_semaphore, #tpu.memory_space<semaphore_mem>>
    %dma_start3A_282 = tpu.memref_squeeze %dma_start3A_281 : memref<1x!tpu.dma_semaphore, #tpu.memory_space<semaphore_mem>> -> memref<!tpu.dma_semaphore, #tpu.memory_space<semaphore_mem>>
    %dma_start3A_283 = arith.constant 0 : i32
    %dma_start3A_284 = tpu.memref_slice %arg12[%add3A_54, %dma_start3A_283] : memref<10000x16xf32, #tpu.memory_space<vmem_shared>> -> memref<80x16xf32, #tpu.memory_space<vmem_shared>>
    %dma_start3A_285 = arith.constant 0 : i32
    %dma_start3A_286 = arith.constant 0 : i32
    %dma_start3A_287 = tpu.memref_slice %arg9[%dma_start3A_270, %dma_start3A_285, %dma_start3A_286] : memref<3x80x128xf32, #tpu.memory_space<vmem>> -> memref<1x80x128xf32, #tpu.memory_space<vmem>>
    %dma_start3A_288 = tpu.memref_squeeze %dma_start3A_287 : memref<1x80x128xf32, #tpu.memory_space<vmem>> -> memref<80x128xf32, #tpu.memory_space<vmem>>
    %dma_start3A_289 = arith.constant 0 : i32
    %dma_start3A_290 = arith.constant 0 : i32
    %dma_start3A_291 = tpu.memref_slice %dma_start3A_288[%dma_start3A_289, %dma_start3A_290] : memref<80x128xf32, #tpu.memory_space<vmem>> -> memref<80x16xf32, #tpu.memory_space<vmem>>
    tpu.enqueue_dma source(%dma_start3A_291 : memref<80x16xf32, #tpu.memory_space<vmem>>) target(%dma_start3A_284 : memref<80x16xf32, #tpu.memory_space<vmem_shared>>) target_semaphore(%dma_start3A_282 : memref<!tpu.dma_semaphore, #tpu.memory_space<semaphore_mem>>)
    %dma_start3A_292 = arith.constant 2 : i32
    %dma_start3A_293 = arith.constant 0 : i32
    %dma_start3A_294 = arith.constant 0 : i32
    %dma_start3A_295 = arith.constant 0 : i32
    %dma_start3A_296 = tpu.memref_slice %arg9[%dma_start3A_292, %dma_start3A_294, %dma_start3A_295] : memref<3x80x128xf32, #tpu.memory_space<vmem>> -> memref<1x80x128xf32, #tpu.memory_space<vmem>>
    %dma_start3A_297 = tpu.memref_squeeze %dma_start3A_296 : memref<1x80x128xf32, #tpu.memory_space<vmem>> -> memref<80x128xf32, #tpu.memory_space<vmem>>
    %dma_start3A_298 = arith.constant 0 : i32
    %dma_start3A_299 = arith.constant 0 : i32
    %dma_start3A_300 = tpu.memref_slice %dma_start3A_297[%dma_start3A_298, %dma_start3A_299] : memref<80x128xf32, #tpu.memory_space<vmem>> -> memref<80x16xf32, #tpu.memory_space<vmem>>
    %dma_start3A_301 = arith.constant 0 : i32
    %dma_start3A_302 = tpu.memref_slice %arg12[%add3A_58, %dma_start3A_301] : memref<10000x16xf32, #tpu.memory_space<vmem_shared>> -> memref<80x16xf32, #tpu.memory_space<vmem_shared>>
    %dma_start3A_303 = tpu.memref_slice %arg14[%dma_start3A_293] : memref<3x!tpu.dma_semaphore, #tpu.memory_space<semaphore_mem>> -> memref<1x!tpu.dma_semaphore, #tpu.memory_space<semaphore_mem>>
    %dma_start3A_304 = tpu.memref_squeeze %dma_start3A_303 : memref<1x!tpu.dma_semaphore, #tpu.memory_space<semaphore_mem>> -> memref<!tpu.dma_semaphore, #tpu.memory_space<semaphore_mem>>
    %dma_start3A_305 = arith.constant 0 : i32
    %dma_start3A_306 = tpu.memref_slice %arg12[%add3A_58, %dma_start3A_305] : memref<10000x16xf32, #tpu.memory_space<vmem_shared>> -> memref<80x16xf32, #tpu.memory_space<vmem_shared>>
    %dma_start3A_307 = arith.constant 0 : i32
    %dma_start3A_308 = arith.constant 0 : i32
    %dma_start3A_309 = tpu.memref_slice %arg9[%dma_start3A_292, %dma_start3A_307, %dma_start3A_308] : memref<3x80x128xf32, #tpu.memory_space<vmem>> -> memref<1x80x128xf32, #tpu.memory_space<vmem>>
    %dma_start3A_310 = tpu.memref_squeeze %dma_start3A_309 : memref<1x80x128xf32, #tpu.memory_space<vmem>> -> memref<80x128xf32, #tpu.memory_space<vmem>>
    %dma_start3A_311 = arith.constant 0 : i32
    %dma_start3A_312 = arith.constant 0 : i32
    %dma_start3A_313 = tpu.memref_slice %dma_start3A_310[%dma_start3A_311, %dma_start3A_312] : memref<80x128xf32, #tpu.memory_space<vmem>> -> memref<80x16xf32, #tpu.memory_space<vmem>>
    tpu.enqueue_dma source(%dma_start3A_313 : memref<80x16xf32, #tpu.memory_space<vmem>>) target(%dma_start3A_306 : memref<80x16xf32, #tpu.memory_space<vmem_shared>>) target_semaphore(%dma_start3A_304 : memref<!tpu.dma_semaphore, #tpu.memory_space<semaphore_mem>>)
    %dma_start3A_314 = arith.constant 2 : i32
    %dma_start3A_315 = arith.constant 0 : i32
    %dma_start3A_316 = arith.constant 0 : i32
    %dma_start3A_317 = arith.constant 0 : i32
    %dma_start3A_318 = tpu.memref_slice %arg9[%dma_start3A_314, %dma_start3A_316, %dma_start3A_317] : memref<3x80x128xf32, #tpu.memory_space<vmem>> -> memref<1x80x128xf32, #tpu.memory_space<vmem>>
    %dma_start3A_319 = tpu.memref_squeeze %dma_start3A_318 : memref<1x80x128xf32, #tpu.memory_space<vmem>> -> memref<80x128xf32, #tpu.memory_space<vmem>>
    %dma_start3A_320 = arith.constant 0 : i32
    %dma_start3A_321 = arith.constant 0 : i32
    %dma_start3A_322 = tpu.memref_slice %dma_start3A_319[%dma_start3A_320, %dma_start3A_321] : memref<80x128xf32, #tpu.memory_space<vmem>> -> memref<80x16xf32, #tpu.memory_space<vmem>>
    %dma_start3A_323 = arith.constant 0 : i32
    %dma_start3A_324 = tpu.memref_slice %arg12[%add3A_62, %dma_start3A_323] : memref<10000x16xf32, #tpu.memory_space<vmem_shared>> -> memref<80x16xf32, #tpu.memory_space<vmem_shared>>
    %dma_start3A_325 = tpu.memref_slice %arg14[%dma_start3A_315] : memref<3x!tpu.dma_semaphore, #tpu.memory_space<semaphore_mem>> -> memref<1x!tpu.dma_semaphore, #tpu.memory_space<semaphore_mem>>
    %dma_start3A_326 = tpu.memref_squeeze %dma_start3A_325 : memref<1x!tpu.dma_semaphore, #tpu.memory_space<semaphore_mem>> -> memref<!tpu.dma_semaphore, #tpu.memory_space<semaphore_mem>>
    %dma_start3A_327 = arith.constant 0 : i32
    %dma_start3A_328 = tpu.memref_slice %arg12[%add3A_62, %dma_start3A_327] : memref<10000x16xf32, #tpu.memory_space<vmem_shared>> -> memref<80x16xf32, #tpu.memory_space<vmem_shared>>
    %dma_start3A_329 = arith.constant 0 : i32
    %dma_start3A_330 = arith.constant 0 : i32
    %dma_start3A_331 = tpu.memref_slice %arg9[%dma_start3A_314, %dma_start3A_329, %dma_start3A_330] : memref<3x80x128xf32, #tpu.memory_space<vmem>> -> memref<1x80x128xf32, #tpu.memory_space<vmem>>
    %dma_start3A_332 = tpu.memref_squeeze %dma_start3A_331 : memref<1x80x128xf32, #tpu.memory_space<vmem>> -> memref<80x128xf32, #tpu.memory_space<vmem>>
    %dma_start3A_333 = arith.constant 0 : i32
    %dma_start3A_334 = arith.constant 0 : i32
    %dma_start3A_335 = tpu.memref_slice %dma_start3A_332[%dma_start3A_333, %dma_start3A_334] : memref<80x128xf32, #tpu.memory_space<vmem>> -> memref<80x16xf32, #tpu.memory_space<vmem>>
    tpu.enqueue_dma source(%dma_start3A_335 : memref<80x16xf32, #tpu.memory_space<vmem>>) target(%dma_start3A_328 : memref<80x16xf32, #tpu.memory_space<vmem_shared>>) target_semaphore(%dma_start3A_326 : memref<!tpu.dma_semaphore, #tpu.memory_space<semaphore_mem>>)
    %dma_start3A_336 = arith.constant 2 : i32
    %dma_start3A_337 = arith.constant 0 : i32
    %dma_start3A_338 = arith.constant 0 : i32
    %dma_start3A_339 = arith.constant 0 : i32
    %dma_start3A_340 = tpu.memref_slice %arg9[%dma_start3A_336, %dma_start3A_338, %dma_start3A_339] : memref<3x80x128xf32, #tpu.memory_space<vmem>> -> memref<1x80x128xf32, #tpu.memory_space<vmem>>
    %dma_start3A_341 = tpu.memref_squeeze %dma_start3A_340 : memref<1x80x128xf32, #tpu.memory_space<vmem>> -> memref<80x128xf32, #tpu.memory_space<vmem>>
    %dma_start3A_342 = arith.constant 0 : i32
    %dma_start3A_343 = arith.constant 0 : i32
    %dma_start3A_344 = tpu.memref_slice %dma_start3A_341[%dma_start3A_342, %dma_start3A_343] : memref<80x128xf32, #tpu.memory_space<vmem>> -> memref<80x16xf32, #tpu.memory_space<vmem>>
    %dma_start3A_345 = arith.constant 0 : i32
    %dma_start3A_346 = tpu.memref_slice %arg12[%add3A_66, %dma_start3A_345] : memref<10000x16xf32, #tpu.memory_space<vmem_shared>> -> memref<80x16xf32, #tpu.memory_space<vmem_shared>>
    %dma_start3A_347 = tpu.memref_slice %arg14[%dma_start3A_337] : memref<3x!tpu.dma_semaphore, #tpu.memory_space<semaphore_mem>> -> memref<1x!tpu.dma_semaphore, #tpu.memory_space<semaphore_mem>>
    %dma_start3A_348 = tpu.memref_squeeze %dma_start3A_347 : memref<1x!tpu.dma_semaphore, #tpu.memory_space<semaphore_mem>> -> memref<!tpu.dma_semaphore, #tpu.memory_space<semaphore_mem>>
    %dma_start3A_349 = arith.constant 0 : i32
    %dma_start3A_350 = tpu.memref_slice %arg12[%add3A_66, %dma_start3A_349] : memref<10000x16xf32, #tpu.memory_space<vmem_shared>> -> memref<80x16xf32, #tpu.memory_space<vmem_shared>>
    %dma_start3A_351 = arith.constant 0 : i32
    %dma_start3A_352 = arith.constant 0 : i32
    %dma_start3A_353 = tpu.memref_slice %arg9[%dma_start3A_336, %dma_start3A_351, %dma_start3A_352] : memref<3x80x128xf32, #tpu.memory_space<vmem>> -> memref<1x80x128xf32, #tpu.memory_space<vmem>>
    %dma_start3A_354 = tpu.memref_squeeze %dma_start3A_353 : memref<1x80x128xf32, #tpu.memory_space<vmem>> -> memref<80x128xf32, #tpu.memory_space<vmem>>
    %dma_start3A_355 = arith.constant 0 : i32
    %dma_start3A_356 = arith.constant 0 : i32
    %dma_start3A_357 = tpu.memref_slice %dma_start3A_354[%dma_start3A_355, %dma_start3A_356] : memref<80x128xf32, #tpu.memory_space<vmem>> -> memref<80x16xf32, #tpu.memory_space<vmem>>
    tpu.enqueue_dma source(%dma_start3A_357 : memref<80x16xf32, #tpu.memory_space<vmem>>) target(%dma_start3A_350 : memref<80x16xf32, #tpu.memory_space<vmem_shared>>) target_semaphore(%dma_start3A_348 : memref<!tpu.dma_semaphore, #tpu.memory_space<semaphore_mem>>)
    %dma_start3A_358 = arith.constant 2 : i32
    %dma_start3A_359 = arith.constant 0 : i32
    %dma_start3A_360 = arith.constant 0 : i32
    %dma_start3A_361 = arith.constant 0 : i32
    %dma_start3A_362 = tpu.memref_slice %arg9[%dma_start3A_358, %dma_start3A_360, %dma_start3A_361] : memref<3x80x128xf32, #tpu.memory_space<vmem>> -> memref<1x80x128xf32, #tpu.memory_space<vmem>>
    %dma_start3A_363 = tpu.memref_squeeze %dma_start3A_362 : memref<1x80x128xf32, #tpu.memory_space<vmem>> -> memref<80x128xf32, #tpu.memory_space<vmem>>
    %dma_start3A_364 = arith.constant 0 : i32
    %dma_start3A_365 = arith.constant 0 : i32
    %dma_start3A_366 = tpu.memref_slice %dma_start3A_363[%dma_start3A_364, %dma_start3A_365] : memref<80x128xf32, #tpu.memory_space<vmem>> -> memref<65x128xf32, #tpu.memory_space<vmem>>
    %dma_start3A_367 = arith.constant 0 : i32
    %dma_start3A_368 = arith.constant 0 : i32
    %dma_start3A_369 = tpu.memref_slice %dma_start3A_366[%dma_start3A_367, %dma_start3A_368] : memref<65x128xf32, #tpu.memory_space<vmem>> -> memref<65x16xf32, #tpu.memory_space<vmem>>
    %dma_start3A_370 = arith.constant 0 : i32
    %dma_start3A_371 = tpu.memref_slice %arg12[%add3A_70, %dma_start3A_370] : memref<10000x16xf32, #tpu.memory_space<vmem_shared>> -> memref<65x16xf32, #tpu.memory_space<vmem_shared>>
    %dma_start3A_372 = tpu.memref_slice %arg14[%dma_start3A_359] : memref<3x!tpu.dma_semaphore, #tpu.memory_space<semaphore_mem>> -> memref<1x!tpu.dma_semaphore, #tpu.memory_space<semaphore_mem>>
    %dma_start3A_373 = tpu.memref_squeeze %dma_start3A_372 : memref<1x!tpu.dma_semaphore, #tpu.memory_space<semaphore_mem>> -> memref<!tpu.dma_semaphore, #tpu.memory_space<semaphore_mem>>
    %dma_start3A_374 = arith.constant 0 : i32
    %dma_start3A_375 = tpu.memref_slice %arg12[%add3A_70, %dma_start3A_374] : memref<10000x16xf32, #tpu.memory_space<vmem_shared>> -> memref<65x16xf32, #tpu.memory_space<vmem_shared>>
    %dma_start3A_376 = arith.constant 0 : i32
    %dma_start3A_377 = arith.constant 0 : i32
    %dma_start3A_378 = tpu.memref_slice %arg9[%dma_start3A_358, %dma_start3A_376, %dma_start3A_377] : memref<3x80x128xf32, #tpu.memory_space<vmem>> -> memref<1x80x128xf32, #tpu.memory_space<vmem>>
    %dma_start3A_379 = tpu.memref_squeeze %dma_start3A_378 : memref<1x80x128xf32, #tpu.memory_space<vmem>> -> memref<80x128xf32, #tpu.memory_space<vmem>>
    %dma_start3A_380 = arith.constant 0 : i32
    %dma_start3A_381 = arith.constant 0 : i32
    %dma_start3A_382 = tpu.memref_slice %dma_start3A_379[%dma_start3A_380, %dma_start3A_381] : memref<80x128xf32, #tpu.memory_space<vmem>> -> memref<65x128xf32, #tpu.memory_space<vmem>>
    %dma_start3A_383 = arith.constant 0 : i32
    %dma_start3A_384 = arith.constant 0 : i32
    %dma_start3A_385 = tpu.memref_slice %dma_start3A_382[%dma_start3A_383, %dma_start3A_384] : memref<65x128xf32, #tpu.memory_space<vmem>> -> memref<65x16xf32, #tpu.memory_space<vmem>>
    tpu.enqueue_dma source(%dma_start3A_385 : memref<65x16xf32, #tpu.memory_space<vmem>>) target(%dma_start3A_375 : memref<65x16xf32, #tpu.memory_space<vmem_shared>>) target_semaphore(%dma_start3A_373 : memref<!tpu.dma_semaphore, #tpu.memory_space<semaphore_mem>>)
    %dma_start3A_386 = arith.constant 2 : i32
    %dma_start3A_387 = tpu.memref_slice %arg14[%dma_start3A_386] : memref<3x!tpu.dma_semaphore, #tpu.memory_space<semaphore_mem>> -> memref<1x!tpu.dma_semaphore, #tpu.memory_space<semaphore_mem>>
    %dma_start3A_388 = tpu.memref_squeeze %dma_start3A_387 : memref<1x!tpu.dma_semaphore, #tpu.memory_space<semaphore_mem>> -> memref<!tpu.dma_semaphore, #tpu.memory_space<semaphore_mem>>
    tpu.enqueue_dma source(%arg4 : memref<80x16xf32, #tpu.memory_space<hbm>>) target(%arg10 : memref<80x16xf32, #tpu.memory_space<vmem>>) target_semaphore(%dma_start3A_388 : memref<!tpu.dma_semaphore, #tpu.memory_space<semaphore_mem>>)
    %run_scoped3A = arith.constant 0 : i32
    "tpu.region"() ({
      %run_scoped3A_1005 = tpu.sem_alloc : memref<!tpu.dma_semaphore, #tpu.memory_space<semaphore_mem>>
      %dma_start3A_1006 = arith.constant 0 : i32
      %dma_start3A_1007 = arith.constant 0 : i32
      %dma_start3A_1008 = arith.constant 0 : i32
      %dma_start3A_1009 = tpu.memref_slice %arg3[%run_scoped3A, %dma_start3A_1006, %dma_start3A_1007, %dma_start3A_1008] : memref<2x32x125x80xi32, #tpu.memory_space<hbm>> -> memref<1x32x125x80xi32, #tpu.memory_space<hbm>>
      %dma_start3A_1010 = tpu.memref_squeeze %dma_start3A_1009 : memref<1x32x125x80xi32, #tpu.memory_space<hbm>> -> memref<32x125x80xi32, #tpu.memory_space<hbm>>
      %dma_start3A_1011 = arith.constant 0 : i32
      %dma_start3A_1012 = arith.constant 0 : i32
      %dma_start3A_1013 = tpu.memref_slice %dma_start3A_1010[%add3A, %dma_start3A_1011, %dma_start3A_1012] : memref<32x125x80xi32, #tpu.memory_space<hbm>> -> memref<1x125x80xi32, #tpu.memory_space<hbm>>
      %dma_start3A_1014 = tpu.memref_squeeze %dma_start3A_1013 : memref<1x125x80xi32, #tpu.memory_space<hbm>> -> memref<125x80xi32, #tpu.memory_space<hbm>>
      %dma_start3A_1015 = arith.constant 0 : i32
      %dma_start3A_1016 = arith.constant 0 : i32
      %dma_start3A_1017 = tpu.memref_slice %dma_start3A_1014[%dma_start3A_1015, %dma_start3A_1016] : memref<125x80xi32, #tpu.memory_space<hbm>> -> memref<63x80xi32, #tpu.memory_space<hbm>>
      %dma_start3A_1018 = arith.constant 0 : i32
      %dma_start3A_1019 = arith.constant 0 : i32
      %dma_start3A_1020 = arith.constant 0 : i32
      %dma_start3A_1021 = tpu.memref_slice %arg3[%run_scoped3A, %dma_start3A_1018, %dma_start3A_1019, %dma_start3A_1020] : memref<2x32x125x80xi32, #tpu.memory_space<hbm>> -> memref<1x32x125x80xi32, #tpu.memory_space<hbm>>
      %dma_start3A_1022 = tpu.memref_squeeze %dma_start3A_1021 : memref<1x32x125x80xi32, #tpu.memory_space<hbm>> -> memref<32x125x80xi32, #tpu.memory_space<hbm>>
      %dma_start3A_1023 = arith.constant 0 : i32
      %dma_start3A_1024 = arith.constant 0 : i32
      %dma_start3A_1025 = tpu.memref_slice %dma_start3A_1022[%add3A, %dma_start3A_1023, %dma_start3A_1024] : memref<32x125x80xi32, #tpu.memory_space<hbm>> -> memref<1x125x80xi32, #tpu.memory_space<hbm>>
      %dma_start3A_1026 = tpu.memref_squeeze %dma_start3A_1025 : memref<1x125x80xi32, #tpu.memory_space<hbm>> -> memref<125x80xi32, #tpu.memory_space<hbm>>
      %dma_start3A_1027 = arith.constant 0 : i32
      %dma_start3A_1028 = arith.constant 0 : i32
      %dma_start3A_1029 = tpu.memref_slice %dma_start3A_1026[%dma_start3A_1027, %dma_start3A_1028] : memref<125x80xi32, #tpu.memory_space<hbm>> -> memref<63x80xi32, #tpu.memory_space<hbm>>
      tpu.enqueue_dma source(%dma_start3A_1029 : memref<63x80xi32, #tpu.memory_space<hbm>>) target(%arg7 : memref<63x80xi32, #tpu.memory_space<vmem>>) target_semaphore(%run_scoped3A_1005 : memref<!tpu.dma_semaphore, #tpu.memory_space<semaphore_mem>>)
      %dma_wait3A_1030 = arith.constant 0 : i32
      %dma_wait3A_1031 = arith.constant 0 : i32
      %dma_wait3A_1032 = arith.constant 0 : i32
      %dma_wait3A_1033 = tpu.memref_slice %arg3[%run_scoped3A, %dma_wait3A_1030, %dma_wait3A_1031, %dma_wait3A_1032] : memref<2x32x125x80xi32, #tpu.memory_space<hbm>> -> memref<1x32x125x80xi32, #tpu.memory_space<hbm>>
      %dma_wait3A_1034 = tpu.memref_squeeze %dma_wait3A_1033 : memref<1x32x125x80xi32, #tpu.memory_space<hbm>> -> memref<32x125x80xi32, #tpu.memory_space<hbm>>
      %dma_wait3A_1035 = arith.constant 0 : i32
      %dma_wait3A_1036 = arith.constant 0 : i32
      %dma_wait3A_1037 = tpu.memref_slice %dma_wait3A_1034[%add3A, %dma_wait3A_1035, %dma_wait3A_1036] : memref<32x125x80xi32, #tpu.memory_space<hbm>> -> memref<1x125x80xi32, #tpu.memory_space<hbm>>
      %dma_wait3A_1038 = tpu.memref_squeeze %dma_wait3A_1037 : memref<1x125x80xi32, #tpu.memory_space<hbm>> -> memref<125x80xi32, #tpu.memory_space<hbm>>
      %dma_wait3A_1039 = arith.constant 0 : i32
      %dma_wait3A_1040 = arith.constant 0 : i32
      %dma_wait3A_1041 = tpu.memref_slice %dma_wait3A_1038[%dma_wait3A_1039, %dma_wait3A_1040] : memref<125x80xi32, #tpu.memory_space<hbm>> -> memref<63x80xi32, #tpu.memory_space<hbm>>
      %dma_wait3A_1042 = arith.constant 0 : i32
      %dma_wait3A_1043 = arith.constant 0 : i32
      %dma_wait3A_1044 = arith.constant 0 : i32
      %dma_wait3A_1045 = tpu.memref_slice %arg3[%run_scoped3A, %dma_wait3A_1042, %dma_wait3A_1043, %dma_wait3A_1044] : memref<2x32x125x80xi32, #tpu.memory_space<hbm>> -> memref<1x32x125x80xi32, #tpu.memory_space<hbm>>
      %dma_wait3A_1046 = tpu.memref_squeeze %dma_wait3A_1045 : memref<1x32x125x80xi32, #tpu.memory_space<hbm>> -> memref<32x125x80xi32, #tpu.memory_space<hbm>>
      %dma_wait3A_1047 = arith.constant 0 : i32
      %dma_wait3A_1048 = arith.constant 0 : i32
      %dma_wait3A_1049 = tpu.memref_slice %dma_wait3A_1046[%add3A, %dma_wait3A_1047, %dma_wait3A_1048] : memref<32x125x80xi32, #tpu.memory_space<hbm>> -> memref<1x125x80xi32, #tpu.memory_space<hbm>>
      %dma_wait3A_1050 = tpu.memref_squeeze %dma_wait3A_1049 : memref<1x125x80xi32, #tpu.memory_space<hbm>> -> memref<125x80xi32, #tpu.memory_space<hbm>>
      %dma_wait3A_1051 = arith.constant 0 : i32
      %dma_wait3A_1052 = arith.constant 0 : i32
      %dma_wait3A_1053 = tpu.memref_slice %dma_wait3A_1050[%dma_wait3A_1051, %dma_wait3A_1052] : memref<125x80xi32, #tpu.memory_space<hbm>> -> memref<63x80xi32, #tpu.memory_space<hbm>>
      tpu.wait_dma2 semaphore(%run_scoped3A_1005 : memref<!tpu.dma_semaphore, #tpu.memory_space<semaphore_mem>>) src(%dma_wait3A_1053 : memref<63x80xi32, #tpu.memory_space<hbm>>) dst(%arg7 : memref<63x80xi32, #tpu.memory_space<vmem>>)
      tpu.yield
    }) : () -> ()
    %run_scoped3A_389 = arith.constant 1 : i32
    "tpu.region"() ({
      %run_scoped3A_1005 = tpu.sem_alloc : memref<!tpu.dma_semaphore, #tpu.memory_space<semaphore_mem>>
      %dma_start3A_1006 = arith.constant 0 : i32
      %dma_start3A_1007 = arith.constant 0 : i32
      %dma_start3A_1008 = arith.constant 0 : i32
      %dma_start3A_1009 = tpu.memref_slice %arg3[%run_scoped3A_389, %dma_start3A_1006, %dma_start3A_1007, %dma_start3A_1008] : memref<2x32x125x80xi32, #tpu.memory_space<hbm>> -> memref<1x32x125x80xi32, #tpu.memory_space<hbm>>
      %dma_start3A_1010 = tpu.memref_squeeze %dma_start3A_1009 : memref<1x32x125x80xi32, #tpu.memory_space<hbm>> -> memref<32x125x80xi32, #tpu.memory_space<hbm>>
      %dma_start3A_1011 = arith.constant 0 : i32
      %dma_start3A_1012 = arith.constant 0 : i32
      %dma_start3A_1013 = tpu.memref_slice %dma_start3A_1010[%add3A, %dma_start3A_1011, %dma_start3A_1012] : memref<32x125x80xi32, #tpu.memory_space<hbm>> -> memref<1x125x80xi32, #tpu.memory_space<hbm>>
      %dma_start3A_1014 = tpu.memref_squeeze %dma_start3A_1013 : memref<1x125x80xi32, #tpu.memory_space<hbm>> -> memref<125x80xi32, #tpu.memory_space<hbm>>
      %dma_start3A_1015 = arith.constant 0 : i32
      %dma_start3A_1016 = arith.constant 0 : i32
      %dma_start3A_1017 = tpu.memref_slice %dma_start3A_1014[%dma_start3A_1015, %dma_start3A_1016] : memref<125x80xi32, #tpu.memory_space<hbm>> -> memref<32x80xi32, #tpu.memory_space<hbm>>
      %dma_start3A_1018 = arith.constant 0 : i32
      %dma_start3A_1019 = arith.constant 0 : i32
      %dma_start3A_1020 = arith.constant 0 : i32
      %dma_start3A_1021 = tpu.memref_slice %arg3[%run_scoped3A_389, %dma_start3A_1018, %dma_start3A_1019, %dma_start3A_1020] : memref<2x32x125x80xi32, #tpu.memory_space<hbm>> -> memref<1x32x125x80xi32, #tpu.memory_space<hbm>>
      %dma_start3A_1022 = tpu.memref_squeeze %dma_start3A_1021 : memref<1x32x125x80xi32, #tpu.memory_space<hbm>> -> memref<32x125x80xi32, #tpu.memory_space<hbm>>
      %dma_start3A_1023 = arith.constant 0 : i32
      %dma_start3A_1024 = arith.constant 0 : i32
      %dma_start3A_1025 = tpu.memref_slice %dma_start3A_1022[%add3A, %dma_start3A_1023, %dma_start3A_1024] : memref<32x125x80xi32, #tpu.memory_space<hbm>> -> memref<1x125x80xi32, #tpu.memory_space<hbm>>
      %dma_start3A_1026 = tpu.memref_squeeze %dma_start3A_1025 : memref<1x125x80xi32, #tpu.memory_space<hbm>> -> memref<125x80xi32, #tpu.memory_space<hbm>>
      %dma_start3A_1027 = arith.constant 0 : i32
      %dma_start3A_1028 = arith.constant 0 : i32
      %dma_start3A_1029 = tpu.memref_slice %dma_start3A_1026[%dma_start3A_1027, %dma_start3A_1028] : memref<125x80xi32, #tpu.memory_space<hbm>> -> memref<32x80xi32, #tpu.memory_space<hbm>>
      tpu.enqueue_dma source(%dma_start3A_1029 : memref<32x80xi32, #tpu.memory_space<hbm>>) target(%arg8 : memref<32x80xi32, #tpu.memory_space<vmem>>) target_semaphore(%run_scoped3A_1005 : memref<!tpu.dma_semaphore, #tpu.memory_space<semaphore_mem>>)
      %dma_wait3A_1030 = arith.constant 0 : i32
      %dma_wait3A_1031 = arith.constant 0 : i32
      %dma_wait3A_1032 = arith.constant 0 : i32
      %dma_wait3A_1033 = tpu.memref_slice %arg3[%run_scoped3A_389, %dma_wait3A_1030, %dma_wait3A_1031, %dma_wait3A_1032] : memref<2x32x125x80xi32, #tpu.memory_space<hbm>> -> memref<1x32x125x80xi32, #tpu.memory_space<hbm>>
      %dma_wait3A_1034 = tpu.memref_squeeze %dma_wait3A_1033 : memref<1x32x125x80xi32, #tpu.memory_space<hbm>> -> memref<32x125x80xi32, #tpu.memory_space<hbm>>
      %dma_wait3A_1035 = arith.constant 0 : i32
      %dma_wait3A_1036 = arith.constant 0 : i32
      %dma_wait3A_1037 = tpu.memref_slice %dma_wait3A_1034[%add3A, %dma_wait3A_1035, %dma_wait3A_1036] : memref<32x125x80xi32, #tpu.memory_space<hbm>> -> memref<1x125x80xi32, #tpu.memory_space<hbm>>
      %dma_wait3A_1038 = tpu.memref_squeeze %dma_wait3A_1037 : memref<1x125x80xi32, #tpu.memory_space<hbm>> -> memref<125x80xi32, #tpu.memory_space<hbm>>
      %dma_wait3A_1039 = arith.constant 0 : i32
      %dma_wait3A_1040 = arith.constant 0 : i32
      %dma_wait3A_1041 = tpu.memref_slice %dma_wait3A_1038[%dma_wait3A_1039, %dma_wait3A_1040] : memref<125x80xi32, #tpu.memory_space<hbm>> -> memref<32x80xi32, #tpu.memory_space<hbm>>
      %dma_wait3A_1042 = arith.constant 0 : i32
      %dma_wait3A_1043 = arith.constant 0 : i32
      %dma_wait3A_1044 = arith.constant 0 : i32
      %dma_wait3A_1045 = tpu.memref_slice %arg3[%run_scoped3A_389, %dma_wait3A_1042, %dma_wait3A_1043, %dma_wait3A_1044] : memref<2x32x125x80xi32, #tpu.memory_space<hbm>> -> memref<1x32x125x80xi32, #tpu.memory_space<hbm>>
      %dma_wait3A_1046 = tpu.memref_squeeze %dma_wait3A_1045 : memref<1x32x125x80xi32, #tpu.memory_space<hbm>> -> memref<32x125x80xi32, #tpu.memory_space<hbm>>
      %dma_wait3A_1047 = arith.constant 0 : i32
      %dma_wait3A_1048 = arith.constant 0 : i32
      %dma_wait3A_1049 = tpu.memref_slice %dma_wait3A_1046[%add3A, %dma_wait3A_1047, %dma_wait3A_1048] : memref<32x125x80xi32, #tpu.memory_space<hbm>> -> memref<1x125x80xi32, #tpu.memory_space<hbm>>
      %dma_wait3A_1050 = tpu.memref_squeeze %dma_wait3A_1049 : memref<1x125x80xi32, #tpu.memory_space<hbm>> -> memref<125x80xi32, #tpu.memory_space<hbm>>
      %dma_wait3A_1051 = arith.constant 0 : i32
      %dma_wait3A_1052 = arith.constant 0 : i32
      %dma_wait3A_1053 = tpu.memref_slice %dma_wait3A_1050[%dma_wait3A_1051, %dma_wait3A_1052] : memref<125x80xi32, #tpu.memory_space<hbm>> -> memref<32x80xi32, #tpu.memory_space<hbm>>
      tpu.wait_dma2 semaphore(%run_scoped3A_1005 : memref<!tpu.dma_semaphore, #tpu.memory_space<semaphore_mem>>) src(%dma_wait3A_1053 : memref<32x80xi32, #tpu.memory_space<hbm>>) dst(%arg8 : memref<32x80xi32, #tpu.memory_space<vmem>>)
      tpu.yield
    }) : () -> ()
    %jit3A = arith.constant true
    %jit3A_390 = arith.constant 0 : i32
    %jit3A_391 = arith.constant -63 : i32
    %select_n3A = arith.select %jit3A, %jit3A_390, %jit3A_391 : i32
    %dma_start3A_392 = arith.constant 0 : i32
    %dma_start3A_393 = arith.constant 0 : i32
    %dma_start3A_394 = arith.constant 0 : i32
    %dma_start3A_395 = arith.constant 0 : i32
    %dma_start3A_396 = tpu.memref_slice %arg9[%dma_start3A_392, %dma_start3A_394, %dma_start3A_395] : memref<3x80x128xf32, #tpu.memory_space<vmem>> -> memref<1x80x128xf32, #tpu.memory_space<vmem>>
    %dma_start3A_397 = tpu.memref_squeeze %dma_start3A_396 : memref<1x80x128xf32, #tpu.memory_space<vmem>> -> memref<80x128xf32, #tpu.memory_space<vmem>>
    %dma_start3A_398 = arith.constant 0 : i32
    %dma_start3A_399 = arith.constant 0 : i32
    %dma_start3A_400 = tpu.memref_slice %dma_start3A_397[%dma_start3A_398, %dma_start3A_399] : memref<80x128xf32, #tpu.memory_space<vmem>> -> memref<40x128xf32, #tpu.memory_space<vmem>>
    %dma_start3A_401 = arith.constant 0 : i32
    %dma_start3A_402 = tpu.memref_slice %arg7[%select_n3A, %dma_start3A_401] : memref<63x80xi32, #tpu.memory_space<vmem>> -> memref<1x80xi32, #tpu.memory_space<vmem>>
    %dma_start3A_403 = tpu.memref_squeeze %dma_start3A_402 : memref<1x80xi32, #tpu.memory_space<vmem>> -> memref<80xi32, #tpu.memory_space<vmem>>
    %dma_start3A_404 = arith.constant 0 : i32
    %dma_start3A_405 = tpu.memref_slice %dma_start3A_403[%dma_start3A_404] : memref<80xi32, #tpu.memory_space<vmem>> -> memref<40xi32, #tpu.memory_space<vmem>>
    %dma_start3A_406 = arith.constant 0 : i32
    %dma_start3A_407 = arith.constant 0 : i32
    %dma_start3A_408 = tpu.memref_slice %arg2[%dma_start3A_406, %dma_start3A_407] : memref<10000x128xf32, #tpu.memory_space<hbm>> -> memref<10000x128xf32, #tpu.memory_space<hbm>>
    %dma_start3A_409 = tpu.memref_slice %arg13[%dma_start3A_393] : memref<3x!tpu.dma_semaphore, #tpu.memory_space<semaphore_mem>> -> memref<1x!tpu.dma_semaphore, #tpu.memory_space<semaphore_mem>>
    %dma_start3A_410 = tpu.memref_squeeze %dma_start3A_409 : memref<1x!tpu.dma_semaphore, #tpu.memory_space<semaphore_mem>> -> memref<!tpu.dma_semaphore, #tpu.memory_space<semaphore_mem>>
    tpu.enqueue_indirect_dma source(%dma_start3A_408 : memref<10000x128xf32, #tpu.memory_space<hbm>>) target(%dma_start3A_400 : memref<40x128xf32, #tpu.memory_space<vmem>>) offsets(%dma_start3A_405 : memref<40xi32, #tpu.memory_space<vmem>>) semaphore(%dma_start3A_410 : memref<!tpu.dma_semaphore, #tpu.memory_space<semaphore_mem>>)
    %dma_start3A_411 = arith.constant 0 : i32
    %dma_start3A_412 = arith.constant 0 : i32
    %dma_start3A_413 = arith.constant 0 : i32
    %dma_start3A_414 = arith.constant 0 : i32
    %dma_start3A_415 = tpu.memref_slice %arg9[%dma_start3A_411, %dma_start3A_413, %dma_start3A_414] : memref<3x80x128xf32, #tpu.memory_space<vmem>> -> memref<1x80x128xf32, #tpu.memory_space<vmem>>
    %dma_start3A_416 = tpu.memref_squeeze %dma_start3A_415 : memref<1x80x128xf32, #tpu.memory_space<vmem>> -> memref<80x128xf32, #tpu.memory_space<vmem>>
    %dma_start3A_417 = arith.constant 40 : i32
    %dma_start3A_418 = arith.constant 0 : i32
    %dma_start3A_419 = tpu.memref_slice %dma_start3A_416[%dma_start3A_417, %dma_start3A_418] : memref<80x128xf32, #tpu.memory_space<vmem>> -> memref<40x128xf32, #tpu.memory_space<vmem>>
    %dma_start3A_420 = arith.constant 0 : i32
    %dma_start3A_421 = tpu.memref_slice %arg7[%select_n3A, %dma_start3A_420] : memref<63x80xi32, #tpu.memory_space<vmem>> -> memref<1x80xi32, #tpu.memory_space<vmem>>
    %dma_start3A_422 = tpu.memref_squeeze %dma_start3A_421 : memref<1x80xi32, #tpu.memory_space<vmem>> -> memref<80xi32, #tpu.memory_space<vmem>>
    %dma_start3A_423 = arith.constant 40 : i32
    %dma_start3A_424 = tpu.memref_slice %dma_start3A_422[%dma_start3A_423] : memref<80xi32, #tpu.memory_space<vmem>> -> memref<40xi32, #tpu.memory_space<vmem>>
    %dma_start3A_425 = arith.constant 0 : i32
    %dma_start3A_426 = arith.constant 0 : i32
    %dma_start3A_427 = tpu.memref_slice %arg2[%dma_start3A_425, %dma_start3A_426] : memref<10000x128xf32, #tpu.memory_space<hbm>> -> memref<10000x128xf32, #tpu.memory_space<hbm>>
    %dma_start3A_428 = tpu.memref_slice %arg13[%dma_start3A_412] : memref<3x!tpu.dma_semaphore, #tpu.memory_space<semaphore_mem>> -> memref<1x!tpu.dma_semaphore, #tpu.memory_space<semaphore_mem>>
    %dma_start3A_429 = tpu.memref_squeeze %dma_start3A_428 : memref<1x!tpu.dma_semaphore, #tpu.memory_space<semaphore_mem>> -> memref<!tpu.dma_semaphore, #tpu.memory_space<semaphore_mem>>
    tpu.enqueue_indirect_dma source(%dma_start3A_427 : memref<10000x128xf32, #tpu.memory_space<hbm>>) target(%dma_start3A_419 : memref<40x128xf32, #tpu.memory_space<vmem>>) offsets(%dma_start3A_424 : memref<40xi32, #tpu.memory_space<vmem>>) semaphore(%dma_start3A_429 : memref<!tpu.dma_semaphore, #tpu.memory_space<semaphore_mem>>)
    %jit3A_430 = arith.constant true
    %jit3A_431 = arith.constant 1 : i32
    %jit3A_432 = arith.constant -62 : i32
    %select_n3A_433 = arith.select %jit3A_430, %jit3A_431, %jit3A_432 : i32
    %dma_start3A_434 = arith.constant 1 : i32
    %dma_start3A_435 = arith.constant 1 : i32
    %dma_start3A_436 = arith.constant 0 : i32
    %dma_start3A_437 = arith.constant 0 : i32
    %dma_start3A_438 = tpu.memref_slice %arg9[%dma_start3A_434, %dma_start3A_436, %dma_start3A_437] : memref<3x80x128xf32, #tpu.memory_space<vmem>> -> memref<1x80x128xf32, #tpu.memory_space<vmem>>
    %dma_start3A_439 = tpu.memref_squeeze %dma_start3A_438 : memref<1x80x128xf32, #tpu.memory_space<vmem>> -> memref<80x128xf32, #tpu.memory_space<vmem>>
    %dma_start3A_440 = arith.constant 0 : i32
    %dma_start3A_441 = arith.constant 0 : i32
    %dma_start3A_442 = tpu.memref_slice %dma_start3A_439[%dma_start3A_440, %dma_start3A_441] : memref<80x128xf32, #tpu.memory_space<vmem>> -> memref<40x128xf32, #tpu.memory_space<vmem>>
    %dma_start3A_443 = arith.constant 0 : i32
    %dma_start3A_444 = tpu.memref_slice %arg7[%select_n3A_433, %dma_start3A_443] : memref<63x80xi32, #tpu.memory_space<vmem>> -> memref<1x80xi32, #tpu.memory_space<vmem>>
    %dma_start3A_445 = tpu.memref_squeeze %dma_start3A_444 : memref<1x80xi32, #tpu.memory_space<vmem>> -> memref<80xi32, #tpu.memory_space<vmem>>
    %dma_start3A_446 = arith.constant 0 : i32
    %dma_start3A_447 = tpu.memref_slice %dma_start3A_445[%dma_start3A_446] : memref<80xi32, #tpu.memory_space<vmem>> -> memref<40xi32, #tpu.memory_space<vmem>>
    %dma_start3A_448 = arith.constant 0 : i32
    %dma_start3A_449 = arith.constant 0 : i32
    %dma_start3A_450 = tpu.memref_slice %arg2[%dma_start3A_448, %dma_start3A_449] : memref<10000x128xf32, #tpu.memory_space<hbm>> -> memref<10000x128xf32, #tpu.memory_space<hbm>>
    %dma_start3A_451 = tpu.memref_slice %arg13[%dma_start3A_435] : memref<3x!tpu.dma_semaphore, #tpu.memory_space<semaphore_mem>> -> memref<1x!tpu.dma_semaphore, #tpu.memory_space<semaphore_mem>>
    %dma_start3A_452 = tpu.memref_squeeze %dma_start3A_451 : memref<1x!tpu.dma_semaphore, #tpu.memory_space<semaphore_mem>> -> memref<!tpu.dma_semaphore, #tpu.memory_space<semaphore_mem>>
    tpu.enqueue_indirect_dma source(%dma_start3A_450 : memref<10000x128xf32, #tpu.memory_space<hbm>>) target(%dma_start3A_442 : memref<40x128xf32, #tpu.memory_space<vmem>>) offsets(%dma_start3A_447 : memref<40xi32, #tpu.memory_space<vmem>>) semaphore(%dma_start3A_452 : memref<!tpu.dma_semaphore, #tpu.memory_space<semaphore_mem>>)
    %dma_start3A_453 = arith.constant 1 : i32
    %dma_start3A_454 = arith.constant 1 : i32
    %dma_start3A_455 = arith.constant 0 : i32
    %dma_start3A_456 = arith.constant 0 : i32
    %dma_start3A_457 = tpu.memref_slice %arg9[%dma_start3A_453, %dma_start3A_455, %dma_start3A_456] : memref<3x80x128xf32, #tpu.memory_space<vmem>> -> memref<1x80x128xf32, #tpu.memory_space<vmem>>
    %dma_start3A_458 = tpu.memref_squeeze %dma_start3A_457 : memref<1x80x128xf32, #tpu.memory_space<vmem>> -> memref<80x128xf32, #tpu.memory_space<vmem>>
    %dma_start3A_459 = arith.constant 40 : i32
    %dma_start3A_460 = arith.constant 0 : i32
    %dma_start3A_461 = tpu.memref_slice %dma_start3A_458[%dma_start3A_459, %dma_start3A_460] : memref<80x128xf32, #tpu.memory_space<vmem>> -> memref<40x128xf32, #tpu.memory_space<vmem>>
    %dma_start3A_462 = arith.constant 0 : i32
    %dma_start3A_463 = tpu.memref_slice %arg7[%select_n3A_433, %dma_start3A_462] : memref<63x80xi32, #tpu.memory_space<vmem>> -> memref<1x80xi32, #tpu.memory_space<vmem>>
    %dma_start3A_464 = tpu.memref_squeeze %dma_start3A_463 : memref<1x80xi32, #tpu.memory_space<vmem>> -> memref<80xi32, #tpu.memory_space<vmem>>
    %dma_start3A_465 = arith.constant 40 : i32
    %dma_start3A_466 = tpu.memref_slice %dma_start3A_464[%dma_start3A_465] : memref<80xi32, #tpu.memory_space<vmem>> -> memref<40xi32, #tpu.memory_space<vmem>>
    %dma_start3A_467 = arith.constant 0 : i32
    %dma_start3A_468 = arith.constant 0 : i32
    %dma_start3A_469 = tpu.memref_slice %arg2[%dma_start3A_467, %dma_start3A_468] : memref<10000x128xf32, #tpu.memory_space<hbm>> -> memref<10000x128xf32, #tpu.memory_space<hbm>>
    %dma_start3A_470 = tpu.memref_slice %arg13[%dma_start3A_454] : memref<3x!tpu.dma_semaphore, #tpu.memory_space<semaphore_mem>> -> memref<1x!tpu.dma_semaphore, #tpu.memory_space<semaphore_mem>>
    %dma_start3A_471 = tpu.memref_squeeze %dma_start3A_470 : memref<1x!tpu.dma_semaphore, #tpu.memory_space<semaphore_mem>> -> memref<!tpu.dma_semaphore, #tpu.memory_space<semaphore_mem>>
    tpu.enqueue_indirect_dma source(%dma_start3A_469 : memref<10000x128xf32, #tpu.memory_space<hbm>>) target(%dma_start3A_461 : memref<40x128xf32, #tpu.memory_space<vmem>>) offsets(%dma_start3A_466 : memref<40xi32, #tpu.memory_space<vmem>>) semaphore(%dma_start3A_471 : memref<!tpu.dma_semaphore, #tpu.memory_space<semaphore_mem>>)
    %dma_wait3A = arith.constant 2 : i32
    %dma_wait3A_472 = arith.constant 0 : i32
    %dma_wait3A_473 = arith.constant 0 : i32
    %dma_wait3A_474 = arith.constant 0 : i32
    %dma_wait3A_475 = tpu.memref_slice %arg9[%dma_wait3A, %dma_wait3A_473, %dma_wait3A_474] : memref<3x80x128xf32, #tpu.memory_space<vmem>> -> memref<1x80x128xf32, #tpu.memory_space<vmem>>
    %dma_wait3A_476 = tpu.memref_squeeze %dma_wait3A_475 : memref<1x80x128xf32, #tpu.memory_space<vmem>> -> memref<80x128xf32, #tpu.memory_space<vmem>>
    %dma_wait3A_477 = arith.constant 0 : i32
    %dma_wait3A_478 = tpu.memref_slice %arg11[%add3A_10, %dma_wait3A_477] : memref<10000x128xf32, #tpu.memory_space<vmem_shared>> -> memref<80x128xf32, #tpu.memory_space<vmem_shared>>
    %dma_wait3A_479 = tpu.memref_slice %arg14[%dma_wait3A_472] : memref<3x!tpu.dma_semaphore, #tpu.memory_space<semaphore_mem>> -> memref<1x!tpu.dma_semaphore, #tpu.memory_space<semaphore_mem>>
    %dma_wait3A_480 = tpu.memref_squeeze %dma_wait3A_479 : memref<1x!tpu.dma_semaphore, #tpu.memory_space<semaphore_mem>> -> memref<!tpu.dma_semaphore, #tpu.memory_space<semaphore_mem>>
    %dma_wait3A_481 = arith.constant 0 : i32
    %dma_wait3A_482 = tpu.memref_slice %arg11[%add3A_10, %dma_wait3A_481] : memref<10000x128xf32, #tpu.memory_space<vmem_shared>> -> memref<80x128xf32, #tpu.memory_space<vmem_shared>>
    %dma_wait3A_483 = arith.constant 0 : i32
    %dma_wait3A_484 = arith.constant 0 : i32
    %dma_wait3A_485 = tpu.memref_slice %arg9[%dma_wait3A, %dma_wait3A_483, %dma_wait3A_484] : memref<3x80x128xf32, #tpu.memory_space<vmem>> -> memref<1x80x128xf32, #tpu.memory_space<vmem>>
    %dma_wait3A_486 = tpu.memref_squeeze %dma_wait3A_485 : memref<1x80x128xf32, #tpu.memory_space<vmem>> -> memref<80x128xf32, #tpu.memory_space<vmem>>
    tpu.wait_dma2 semaphore(%dma_wait3A_480 : memref<!tpu.dma_semaphore, #tpu.memory_space<semaphore_mem>>) src(%dma_wait3A_486 : memref<80x128xf32, #tpu.memory_space<vmem>>) dst(%dma_wait3A_482 : memref<80x128xf32, #tpu.memory_space<vmem_shared>>)
    %dma_wait3A_487 = arith.constant 2 : i32
    %dma_wait3A_488 = arith.constant 0 : i32
    %dma_wait3A_489 = arith.constant 0 : i32
    %dma_wait3A_490 = arith.constant 0 : i32
    %dma_wait3A_491 = tpu.memref_slice %arg9[%dma_wait3A_487, %dma_wait3A_489, %dma_wait3A_490] : memref<3x80x128xf32, #tpu.memory_space<vmem>> -> memref<1x80x128xf32, #tpu.memory_space<vmem>>
    %dma_wait3A_492 = tpu.memref_squeeze %dma_wait3A_491 : memref<1x80x128xf32, #tpu.memory_space<vmem>> -> memref<80x128xf32, #tpu.memory_space<vmem>>
    %dma_wait3A_493 = arith.constant 0 : i32
    %dma_wait3A_494 = tpu.memref_slice %arg11[%add3A_14, %dma_wait3A_493] : memref<10000x128xf32, #tpu.memory_space<vmem_shared>> -> memref<80x128xf32, #tpu.memory_space<vmem_shared>>
    %dma_wait3A_495 = tpu.memref_slice %arg14[%dma_wait3A_488] : memref<3x!tpu.dma_semaphore, #tpu.memory_space<semaphore_mem>> -> memref<1x!tpu.dma_semaphore, #tpu.memory_space<semaphore_mem>>
    %dma_wait3A_496 = tpu.memref_squeeze %dma_wait3A_495 : memref<1x!tpu.dma_semaphore, #tpu.memory_space<semaphore_mem>> -> memref<!tpu.dma_semaphore, #tpu.memory_space<semaphore_mem>>
    %dma_wait3A_497 = arith.constant 0 : i32
    %dma_wait3A_498 = tpu.memref_slice %arg11[%add3A_14, %dma_wait3A_497] : memref<10000x128xf32, #tpu.memory_space<vmem_shared>> -> memref<80x128xf32, #tpu.memory_space<vmem_shared>>
    %dma_wait3A_499 = arith.constant 0 : i32
    %dma_wait3A_500 = arith.constant 0 : i32
    %dma_wait3A_501 = tpu.memref_slice %arg9[%dma_wait3A_487, %dma_wait3A_499, %dma_wait3A_500] : memref<3x80x128xf32, #tpu.memory_space<vmem>> -> memref<1x80x128xf32, #tpu.memory_space<vmem>>
    %dma_wait3A_502 = tpu.memref_squeeze %dma_wait3A_501 : memref<1x80x128xf32, #tpu.memory_space<vmem>> -> memref<80x128xf32, #tpu.memory_space<vmem>>
    tpu.wait_dma2 semaphore(%dma_wait3A_496 : memref<!tpu.dma_semaphore, #tpu.memory_space<semaphore_mem>>) src(%dma_wait3A_502 : memref<80x128xf32, #tpu.memory_space<vmem>>) dst(%dma_wait3A_498 : memref<80x128xf32, #tpu.memory_space<vmem_shared>>)
    %dma_wait3A_503 = arith.constant 2 : i32
    %dma_wait3A_504 = arith.constant 0 : i32
    %dma_wait3A_505 = arith.constant 0 : i32
    %dma_wait3A_506 = arith.constant 0 : i32
    %dma_wait3A_507 = tpu.memref_slice %arg9[%dma_wait3A_503, %dma_wait3A_505, %dma_wait3A_506] : memref<3x80x128xf32, #tpu.memory_space<vmem>> -> memref<1x80x128xf32, #tpu.memory_space<vmem>>
    %dma_wait3A_508 = tpu.memref_squeeze %dma_wait3A_507 : memref<1x80x128xf32, #tpu.memory_space<vmem>> -> memref<80x128xf32, #tpu.memory_space<vmem>>
    %dma_wait3A_509 = arith.constant 0 : i32
    %dma_wait3A_510 = tpu.memref_slice %arg11[%add3A_18, %dma_wait3A_509] : memref<10000x128xf32, #tpu.memory_space<vmem_shared>> -> memref<80x128xf32, #tpu.memory_space<vmem_shared>>
    %dma_wait3A_511 = tpu.memref_slice %arg14[%dma_wait3A_504] : memref<3x!tpu.dma_semaphore, #tpu.memory_space<semaphore_mem>> -> memref<1x!tpu.dma_semaphore, #tpu.memory_space<semaphore_mem>>
    %dma_wait3A_512 = tpu.memref_squeeze %dma_wait3A_511 : memref<1x!tpu.dma_semaphore, #tpu.memory_space<semaphore_mem>> -> memref<!tpu.dma_semaphore, #tpu.memory_space<semaphore_mem>>
    %dma_wait3A_513 = arith.constant 0 : i32
    %dma_wait3A_514 = tpu.memref_slice %arg11[%add3A_18, %dma_wait3A_513] : memref<10000x128xf32, #tpu.memory_space<vmem_shared>> -> memref<80x128xf32, #tpu.memory_space<vmem_shared>>
    %dma_wait3A_515 = arith.constant 0 : i32
    %dma_wait3A_516 = arith.constant 0 : i32
    %dma_wait3A_517 = tpu.memref_slice %arg9[%dma_wait3A_503, %dma_wait3A_515, %dma_wait3A_516] : memref<3x80x128xf32, #tpu.memory_space<vmem>> -> memref<1x80x128xf32, #tpu.memory_space<vmem>>
    %dma_wait3A_518 = tpu.memref_squeeze %dma_wait3A_517 : memref<1x80x128xf32, #tpu.memory_space<vmem>> -> memref<80x128xf32, #tpu.memory_space<vmem>>
    tpu.wait_dma2 semaphore(%dma_wait3A_512 : memref<!tpu.dma_semaphore, #tpu.memory_space<semaphore_mem>>) src(%dma_wait3A_518 : memref<80x128xf32, #tpu.memory_space<vmem>>) dst(%dma_wait3A_514 : memref<80x128xf32, #tpu.memory_space<vmem_shared>>)
    %dma_wait3A_519 = arith.constant 2 : i32
    %dma_wait3A_520 = arith.constant 0 : i32
    %dma_wait3A_521 = arith.constant 0 : i32
    %dma_wait3A_522 = arith.constant 0 : i32
    %dma_wait3A_523 = tpu.memref_slice %arg9[%dma_wait3A_519, %dma_wait3A_521, %dma_wait3A_522] : memref<3x80x128xf32, #tpu.memory_space<vmem>> -> memref<1x80x128xf32, #tpu.memory_space<vmem>>
    %dma_wait3A_524 = tpu.memref_squeeze %dma_wait3A_523 : memref<1x80x128xf32, #tpu.memory_space<vmem>> -> memref<80x128xf32, #tpu.memory_space<vmem>>
    %dma_wait3A_525 = arith.constant 0 : i32
    %dma_wait3A_526 = tpu.memref_slice %arg11[%add3A_22, %dma_wait3A_525] : memref<10000x128xf32, #tpu.memory_space<vmem_shared>> -> memref<80x128xf32, #tpu.memory_space<vmem_shared>>
    %dma_wait3A_527 = tpu.memref_slice %arg14[%dma_wait3A_520] : memref<3x!tpu.dma_semaphore, #tpu.memory_space<semaphore_mem>> -> memref<1x!tpu.dma_semaphore, #tpu.memory_space<semaphore_mem>>
    %dma_wait3A_528 = tpu.memref_squeeze %dma_wait3A_527 : memref<1x!tpu.dma_semaphore, #tpu.memory_space<semaphore_mem>> -> memref<!tpu.dma_semaphore, #tpu.memory_space<semaphore_mem>>
    %dma_wait3A_529 = arith.constant 0 : i32
    %dma_wait3A_530 = tpu.memref_slice %arg11[%add3A_22, %dma_wait3A_529] : memref<10000x128xf32, #tpu.memory_space<vmem_shared>> -> memref<80x128xf32, #tpu.memory_space<vmem_shared>>
    %dma_wait3A_531 = arith.constant 0 : i32
    %dma_wait3A_532 = arith.constant 0 : i32
    %dma_wait3A_533 = tpu.memref_slice %arg9[%dma_wait3A_519, %dma_wait3A_531, %dma_wait3A_532] : memref<3x80x128xf32, #tpu.memory_space<vmem>> -> memref<1x80x128xf32, #tpu.memory_space<vmem>>
    %dma_wait3A_534 = tpu.memref_squeeze %dma_wait3A_533 : memref<1x80x128xf32, #tpu.memory_space<vmem>> -> memref<80x128xf32, #tpu.memory_space<vmem>>
    tpu.wait_dma2 semaphore(%dma_wait3A_528 : memref<!tpu.dma_semaphore, #tpu.memory_space<semaphore_mem>>) src(%dma_wait3A_534 : memref<80x128xf32, #tpu.memory_space<vmem>>) dst(%dma_wait3A_530 : memref<80x128xf32, #tpu.memory_space<vmem_shared>>)
    %dma_wait3A_535 = arith.constant 2 : i32
    %dma_wait3A_536 = arith.constant 0 : i32
    %dma_wait3A_537 = arith.constant 0 : i32
    %dma_wait3A_538 = arith.constant 0 : i32
    %dma_wait3A_539 = tpu.memref_slice %arg9[%dma_wait3A_535, %dma_wait3A_537, %dma_wait3A_538] : memref<3x80x128xf32, #tpu.memory_space<vmem>> -> memref<1x80x128xf32, #tpu.memory_space<vmem>>
    %dma_wait3A_540 = tpu.memref_squeeze %dma_wait3A_539 : memref<1x80x128xf32, #tpu.memory_space<vmem>> -> memref<80x128xf32, #tpu.memory_space<vmem>>
    %dma_wait3A_541 = arith.constant 0 : i32
    %dma_wait3A_542 = tpu.memref_slice %arg11[%add3A_26, %dma_wait3A_541] : memref<10000x128xf32, #tpu.memory_space<vmem_shared>> -> memref<80x128xf32, #tpu.memory_space<vmem_shared>>
    %dma_wait3A_543 = tpu.memref_slice %arg14[%dma_wait3A_536] : memref<3x!tpu.dma_semaphore, #tpu.memory_space<semaphore_mem>> -> memref<1x!tpu.dma_semaphore, #tpu.memory_space<semaphore_mem>>
    %dma_wait3A_544 = tpu.memref_squeeze %dma_wait3A_543 : memref<1x!tpu.dma_semaphore, #tpu.memory_space<semaphore_mem>> -> memref<!tpu.dma_semaphore, #tpu.memory_space<semaphore_mem>>
    %dma_wait3A_545 = arith.constant 0 : i32
    %dma_wait3A_546 = tpu.memref_slice %arg11[%add3A_26, %dma_wait3A_545] : memref<10000x128xf32, #tpu.memory_space<vmem_shared>> -> memref<80x128xf32, #tpu.memory_space<vmem_shared>>
    %dma_wait3A_547 = arith.constant 0 : i32
    %dma_wait3A_548 = arith.constant 0 : i32
    %dma_wait3A_549 = tpu.memref_slice %arg9[%dma_wait3A_535, %dma_wait3A_547, %dma_wait3A_548] : memref<3x80x128xf32, #tpu.memory_space<vmem>> -> memref<1x80x128xf32, #tpu.memory_space<vmem>>
    %dma_wait3A_550 = tpu.memref_squeeze %dma_wait3A_549 : memref<1x80x128xf32, #tpu.memory_space<vmem>> -> memref<80x128xf32, #tpu.memory_space<vmem>>
    tpu.wait_dma2 semaphore(%dma_wait3A_544 : memref<!tpu.dma_semaphore, #tpu.memory_space<semaphore_mem>>) src(%dma_wait3A_550 : memref<80x128xf32, #tpu.memory_space<vmem>>) dst(%dma_wait3A_546 : memref<80x128xf32, #tpu.memory_space<vmem_shared>>)
    %dma_wait3A_551 = arith.constant 2 : i32
    %dma_wait3A_552 = arith.constant 0 : i32
    %dma_wait3A_553 = arith.constant 0 : i32
    %dma_wait3A_554 = arith.constant 0 : i32
    %dma_wait3A_555 = tpu.memref_slice %arg9[%dma_wait3A_551, %dma_wait3A_553, %dma_wait3A_554] : memref<3x80x128xf32, #tpu.memory_space<vmem>> -> memref<1x80x128xf32, #tpu.memory_space<vmem>>
    %dma_wait3A_556 = tpu.memref_squeeze %dma_wait3A_555 : memref<1x80x128xf32, #tpu.memory_space<vmem>> -> memref<80x128xf32, #tpu.memory_space<vmem>>
    %dma_wait3A_557 = arith.constant 0 : i32
    %dma_wait3A_558 = tpu.memref_slice %arg11[%add3A_30, %dma_wait3A_557] : memref<10000x128xf32, #tpu.memory_space<vmem_shared>> -> memref<80x128xf32, #tpu.memory_space<vmem_shared>>
    %dma_wait3A_559 = tpu.memref_slice %arg14[%dma_wait3A_552] : memref<3x!tpu.dma_semaphore, #tpu.memory_space<semaphore_mem>> -> memref<1x!tpu.dma_semaphore, #tpu.memory_space<semaphore_mem>>
    %dma_wait3A_560 = tpu.memref_squeeze %dma_wait3A_559 : memref<1x!tpu.dma_semaphore, #tpu.memory_space<semaphore_mem>> -> memref<!tpu.dma_semaphore, #tpu.memory_space<semaphore_mem>>
    %dma_wait3A_561 = arith.constant 0 : i32
    %dma_wait3A_562 = tpu.memref_slice %arg11[%add3A_30, %dma_wait3A_561] : memref<10000x128xf32, #tpu.memory_space<vmem_shared>> -> memref<80x128xf32, #tpu.memory_space<vmem_shared>>
    %dma_wait3A_563 = arith.constant 0 : i32
    %dma_wait3A_564 = arith.constant 0 : i32
    %dma_wait3A_565 = tpu.memref_slice %arg9[%dma_wait3A_551, %dma_wait3A_563, %dma_wait3A_564] : memref<3x80x128xf32, #tpu.memory_space<vmem>> -> memref<1x80x128xf32, #tpu.memory_space<vmem>>
    %dma_wait3A_566 = tpu.memref_squeeze %dma_wait3A_565 : memref<1x80x128xf32, #tpu.memory_space<vmem>> -> memref<80x128xf32, #tpu.memory_space<vmem>>
    tpu.wait_dma2 semaphore(%dma_wait3A_560 : memref<!tpu.dma_semaphore, #tpu.memory_space<semaphore_mem>>) src(%dma_wait3A_566 : memref<80x128xf32, #tpu.memory_space<vmem>>) dst(%dma_wait3A_562 : memref<80x128xf32, #tpu.memory_space<vmem_shared>>)
    %dma_wait3A_567 = arith.constant 2 : i32
    %dma_wait3A_568 = arith.constant 0 : i32
    %dma_wait3A_569 = arith.constant 0 : i32
    %dma_wait3A_570 = arith.constant 0 : i32
    %dma_wait3A_571 = tpu.memref_slice %arg9[%dma_wait3A_567, %dma_wait3A_569, %dma_wait3A_570] : memref<3x80x128xf32, #tpu.memory_space<vmem>> -> memref<1x80x128xf32, #tpu.memory_space<vmem>>
    %dma_wait3A_572 = tpu.memref_squeeze %dma_wait3A_571 : memref<1x80x128xf32, #tpu.memory_space<vmem>> -> memref<80x128xf32, #tpu.memory_space<vmem>>
    %dma_wait3A_573 = arith.constant 0 : i32
    %dma_wait3A_574 = tpu.memref_slice %arg11[%add3A_34, %dma_wait3A_573] : memref<10000x128xf32, #tpu.memory_space<vmem_shared>> -> memref<80x128xf32, #tpu.memory_space<vmem_shared>>
    %dma_wait3A_575 = tpu.memref_slice %arg14[%dma_wait3A_568] : memref<3x!tpu.dma_semaphore, #tpu.memory_space<semaphore_mem>> -> memref<1x!tpu.dma_semaphore, #tpu.memory_space<semaphore_mem>>
    %dma_wait3A_576 = tpu.memref_squeeze %dma_wait3A_575 : memref<1x!tpu.dma_semaphore, #tpu.memory_space<semaphore_mem>> -> memref<!tpu.dma_semaphore, #tpu.memory_space<semaphore_mem>>
    %dma_wait3A_577 = arith.constant 0 : i32
    %dma_wait3A_578 = tpu.memref_slice %arg11[%add3A_34, %dma_wait3A_577] : memref<10000x128xf32, #tpu.memory_space<vmem_shared>> -> memref<80x128xf32, #tpu.memory_space<vmem_shared>>
    %dma_wait3A_579 = arith.constant 0 : i32
    %dma_wait3A_580 = arith.constant 0 : i32
    %dma_wait3A_581 = tpu.memref_slice %arg9[%dma_wait3A_567, %dma_wait3A_579, %dma_wait3A_580] : memref<3x80x128xf32, #tpu.memory_space<vmem>> -> memref<1x80x128xf32, #tpu.memory_space<vmem>>
    %dma_wait3A_582 = tpu.memref_squeeze %dma_wait3A_581 : memref<1x80x128xf32, #tpu.memory_space<vmem>> -> memref<80x128xf32, #tpu.memory_space<vmem>>
    tpu.wait_dma2 semaphore(%dma_wait3A_576 : memref<!tpu.dma_semaphore, #tpu.memory_space<semaphore_mem>>) src(%dma_wait3A_582 : memref<80x128xf32, #tpu.memory_space<vmem>>) dst(%dma_wait3A_578 : memref<80x128xf32, #tpu.memory_space<vmem_shared>>)
    %dma_wait3A_583 = arith.constant 2 : i32
    %dma_wait3A_584 = arith.constant 0 : i32
    %dma_wait3A_585 = arith.constant 0 : i32
    %dma_wait3A_586 = arith.constant 0 : i32
    %dma_wait3A_587 = tpu.memref_slice %arg9[%dma_wait3A_583, %dma_wait3A_585, %dma_wait3A_586] : memref<3x80x128xf32, #tpu.memory_space<vmem>> -> memref<1x80x128xf32, #tpu.memory_space<vmem>>
    %dma_wait3A_588 = tpu.memref_squeeze %dma_wait3A_587 : memref<1x80x128xf32, #tpu.memory_space<vmem>> -> memref<80x128xf32, #tpu.memory_space<vmem>>
    %dma_wait3A_589 = arith.constant 0 : i32
    %dma_wait3A_590 = arith.constant 0 : i32
    %dma_wait3A_591 = tpu.memref_slice %dma_wait3A_588[%dma_wait3A_589, %dma_wait3A_590] : memref<80x128xf32, #tpu.memory_space<vmem>> -> memref<65x128xf32, #tpu.memory_space<vmem>>
    %dma_wait3A_592 = arith.constant 0 : i32
    %dma_wait3A_593 = tpu.memref_slice %arg11[%add3A_38, %dma_wait3A_592] : memref<10000x128xf32, #tpu.memory_space<vmem_shared>> -> memref<65x128xf32, #tpu.memory_space<vmem_shared>>
    %dma_wait3A_594 = tpu.memref_slice %arg14[%dma_wait3A_584] : memref<3x!tpu.dma_semaphore, #tpu.memory_space<semaphore_mem>> -> memref<1x!tpu.dma_semaphore, #tpu.memory_space<semaphore_mem>>
    %dma_wait3A_595 = tpu.memref_squeeze %dma_wait3A_594 : memref<1x!tpu.dma_semaphore, #tpu.memory_space<semaphore_mem>> -> memref<!tpu.dma_semaphore, #tpu.memory_space<semaphore_mem>>
    %dma_wait3A_596 = arith.constant 0 : i32
    %dma_wait3A_597 = tpu.memref_slice %arg11[%add3A_38, %dma_wait3A_596] : memref<10000x128xf32, #tpu.memory_space<vmem_shared>> -> memref<65x128xf32, #tpu.memory_space<vmem_shared>>
    %dma_wait3A_598 = arith.constant 0 : i32
    %dma_wait3A_599 = arith.constant 0 : i32
    %dma_wait3A_600 = tpu.memref_slice %arg9[%dma_wait3A_583, %dma_wait3A_598, %dma_wait3A_599] : memref<3x80x128xf32, #tpu.memory_space<vmem>> -> memref<1x80x128xf32, #tpu.memory_space<vmem>>
    %dma_wait3A_601 = tpu.memref_squeeze %dma_wait3A_600 : memref<1x80x128xf32, #tpu.memory_space<vmem>> -> memref<80x128xf32, #tpu.memory_space<vmem>>
    %dma_wait3A_602 = arith.constant 0 : i32
    %dma_wait3A_603 = arith.constant 0 : i32
    %dma_wait3A_604 = tpu.memref_slice %dma_wait3A_601[%dma_wait3A_602, %dma_wait3A_603] : memref<80x128xf32, #tpu.memory_space<vmem>> -> memref<65x128xf32, #tpu.memory_space<vmem>>
    tpu.wait_dma2 semaphore(%dma_wait3A_595 : memref<!tpu.dma_semaphore, #tpu.memory_space<semaphore_mem>>) src(%dma_wait3A_604 : memref<65x128xf32, #tpu.memory_space<vmem>>) dst(%dma_wait3A_597 : memref<65x128xf32, #tpu.memory_space<vmem_shared>>)
    %dma_wait3A_605 = arith.constant 2 : i32
    %dma_wait3A_606 = arith.constant 0 : i32
    %dma_wait3A_607 = arith.constant 0 : i32
    %dma_wait3A_608 = arith.constant 0 : i32
    %dma_wait3A_609 = tpu.memref_slice %arg9[%dma_wait3A_605, %dma_wait3A_607, %dma_wait3A_608] : memref<3x80x128xf32, #tpu.memory_space<vmem>> -> memref<1x80x128xf32, #tpu.memory_space<vmem>>
    %dma_wait3A_610 = tpu.memref_squeeze %dma_wait3A_609 : memref<1x80x128xf32, #tpu.memory_space<vmem>> -> memref<80x128xf32, #tpu.memory_space<vmem>>
    %dma_wait3A_611 = arith.constant 0 : i32
    %dma_wait3A_612 = arith.constant 0 : i32
    %dma_wait3A_613 = tpu.memref_slice %dma_wait3A_610[%dma_wait3A_611, %dma_wait3A_612] : memref<80x128xf32, #tpu.memory_space<vmem>> -> memref<80x16xf32, #tpu.memory_space<vmem>>
    %dma_wait3A_614 = arith.constant 0 : i32
    %dma_wait3A_615 = tpu.memref_slice %arg12[%add3A_42, %dma_wait3A_614] : memref<10000x16xf32, #tpu.memory_space<vmem_shared>> -> memref<80x16xf32, #tpu.memory_space<vmem_shared>>
    %dma_wait3A_616 = tpu.memref_slice %arg14[%dma_wait3A_606] : memref<3x!tpu.dma_semaphore, #tpu.memory_space<semaphore_mem>> -> memref<1x!tpu.dma_semaphore, #tpu.memory_space<semaphore_mem>>
    %dma_wait3A_617 = tpu.memref_squeeze %dma_wait3A_616 : memref<1x!tpu.dma_semaphore, #tpu.memory_space<semaphore_mem>> -> memref<!tpu.dma_semaphore, #tpu.memory_space<semaphore_mem>>
    %dma_wait3A_618 = arith.constant 0 : i32
    %dma_wait3A_619 = tpu.memref_slice %arg12[%add3A_42, %dma_wait3A_618] : memref<10000x16xf32, #tpu.memory_space<vmem_shared>> -> memref<80x16xf32, #tpu.memory_space<vmem_shared>>
    %dma_wait3A_620 = arith.constant 0 : i32
    %dma_wait3A_621 = arith.constant 0 : i32
    %dma_wait3A_622 = tpu.memref_slice %arg9[%dma_wait3A_605, %dma_wait3A_620, %dma_wait3A_621] : memref<3x80x128xf32, #tpu.memory_space<vmem>> -> memref<1x80x128xf32, #tpu.memory_space<vmem>>
    %dma_wait3A_623 = tpu.memref_squeeze %dma_wait3A_622 : memref<1x80x128xf32, #tpu.memory_space<vmem>> -> memref<80x128xf32, #tpu.memory_space<vmem>>
    %dma_wait3A_624 = arith.constant 0 : i32
    %dma_wait3A_625 = arith.constant 0 : i32
    %dma_wait3A_626 = tpu.memref_slice %dma_wait3A_623[%dma_wait3A_624, %dma_wait3A_625] : memref<80x128xf32, #tpu.memory_space<vmem>> -> memref<80x16xf32, #tpu.memory_space<vmem>>
    tpu.wait_dma2 semaphore(%dma_wait3A_617 : memref<!tpu.dma_semaphore, #tpu.memory_space<semaphore_mem>>) src(%dma_wait3A_626 : memref<80x16xf32, #tpu.memory_space<vmem>>) dst(%dma_wait3A_619 : memref<80x16xf32, #tpu.memory_space<vmem_shared>>)
    %dma_wait3A_627 = arith.constant 2 : i32
    %dma_wait3A_628 = arith.constant 0 : i32
    %dma_wait3A_629 = arith.constant 0 : i32
    %dma_wait3A_630 = arith.constant 0 : i32
    %dma_wait3A_631 = tpu.memref_slice %arg9[%dma_wait3A_627, %dma_wait3A_629, %dma_wait3A_630] : memref<3x80x128xf32, #tpu.memory_space<vmem>> -> memref<1x80x128xf32, #tpu.memory_space<vmem>>
    %dma_wait3A_632 = tpu.memref_squeeze %dma_wait3A_631 : memref<1x80x128xf32, #tpu.memory_space<vmem>> -> memref<80x128xf32, #tpu.memory_space<vmem>>
    %dma_wait3A_633 = arith.constant 0 : i32
    %dma_wait3A_634 = arith.constant 0 : i32
    %dma_wait3A_635 = tpu.memref_slice %dma_wait3A_632[%dma_wait3A_633, %dma_wait3A_634] : memref<80x128xf32, #tpu.memory_space<vmem>> -> memref<80x16xf32, #tpu.memory_space<vmem>>
    %dma_wait3A_636 = arith.constant 0 : i32
    %dma_wait3A_637 = tpu.memref_slice %arg12[%add3A_46, %dma_wait3A_636] : memref<10000x16xf32, #tpu.memory_space<vmem_shared>> -> memref<80x16xf32, #tpu.memory_space<vmem_shared>>
    %dma_wait3A_638 = tpu.memref_slice %arg14[%dma_wait3A_628] : memref<3x!tpu.dma_semaphore, #tpu.memory_space<semaphore_mem>> -> memref<1x!tpu.dma_semaphore, #tpu.memory_space<semaphore_mem>>
    %dma_wait3A_639 = tpu.memref_squeeze %dma_wait3A_638 : memref<1x!tpu.dma_semaphore, #tpu.memory_space<semaphore_mem>> -> memref<!tpu.dma_semaphore, #tpu.memory_space<semaphore_mem>>
    %dma_wait3A_640 = arith.constant 0 : i32
    %dma_wait3A_641 = tpu.memref_slice %arg12[%add3A_46, %dma_wait3A_640] : memref<10000x16xf32, #tpu.memory_space<vmem_shared>> -> memref<80x16xf32, #tpu.memory_space<vmem_shared>>
    %dma_wait3A_642 = arith.constant 0 : i32
    %dma_wait3A_643 = arith.constant 0 : i32
    %dma_wait3A_644 = tpu.memref_slice %arg9[%dma_wait3A_627, %dma_wait3A_642, %dma_wait3A_643] : memref<3x80x128xf32, #tpu.memory_space<vmem>> -> memref<1x80x128xf32, #tpu.memory_space<vmem>>
    %dma_wait3A_645 = tpu.memref_squeeze %dma_wait3A_644 : memref<1x80x128xf32, #tpu.memory_space<vmem>> -> memref<80x128xf32, #tpu.memory_space<vmem>>
    %dma_wait3A_646 = arith.constant 0 : i32
    %dma_wait3A_647 = arith.constant 0 : i32
    %dma_wait3A_648 = tpu.memref_slice %dma_wait3A_645[%dma_wait3A_646, %dma_wait3A_647] : memref<80x128xf32, #tpu.memory_space<vmem>> -> memref<80x16xf32, #tpu.memory_space<vmem>>
    tpu.wait_dma2 semaphore(%dma_wait3A_639 : memref<!tpu.dma_semaphore, #tpu.memory_space<semaphore_mem>>) src(%dma_wait3A_648 : memref<80x16xf32, #tpu.memory_space<vmem>>) dst(%dma_wait3A_641 : memref<80x16xf32, #tpu.memory_space<vmem_shared>>)
    %dma_wait3A_649 = arith.constant 2 : i32
    %dma_wait3A_650 = arith.constant 0 : i32
    %dma_wait3A_651 = arith.constant 0 : i32
    %dma_wait3A_652 = arith.constant 0 : i32
    %dma_wait3A_653 = tpu.memref_slice %arg9[%dma_wait3A_649, %dma_wait3A_651, %dma_wait3A_652] : memref<3x80x128xf32, #tpu.memory_space<vmem>> -> memref<1x80x128xf32, #tpu.memory_space<vmem>>
    %dma_wait3A_654 = tpu.memref_squeeze %dma_wait3A_653 : memref<1x80x128xf32, #tpu.memory_space<vmem>> -> memref<80x128xf32, #tpu.memory_space<vmem>>
    %dma_wait3A_655 = arith.constant 0 : i32
    %dma_wait3A_656 = arith.constant 0 : i32
    %dma_wait3A_657 = tpu.memref_slice %dma_wait3A_654[%dma_wait3A_655, %dma_wait3A_656] : memref<80x128xf32, #tpu.memory_space<vmem>> -> memref<80x16xf32, #tpu.memory_space<vmem>>
    %dma_wait3A_658 = arith.constant 0 : i32
    %dma_wait3A_659 = tpu.memref_slice %arg12[%add3A_50, %dma_wait3A_658] : memref<10000x16xf32, #tpu.memory_space<vmem_shared>> -> memref<80x16xf32, #tpu.memory_space<vmem_shared>>
    %dma_wait3A_660 = tpu.memref_slice %arg14[%dma_wait3A_650] : memref<3x!tpu.dma_semaphore, #tpu.memory_space<semaphore_mem>> -> memref<1x!tpu.dma_semaphore, #tpu.memory_space<semaphore_mem>>
    %dma_wait3A_661 = tpu.memref_squeeze %dma_wait3A_660 : memref<1x!tpu.dma_semaphore, #tpu.memory_space<semaphore_mem>> -> memref<!tpu.dma_semaphore, #tpu.memory_space<semaphore_mem>>
    %dma_wait3A_662 = arith.constant 0 : i32
    %dma_wait3A_663 = tpu.memref_slice %arg12[%add3A_50, %dma_wait3A_662] : memref<10000x16xf32, #tpu.memory_space<vmem_shared>> -> memref<80x16xf32, #tpu.memory_space<vmem_shared>>
    %dma_wait3A_664 = arith.constant 0 : i32
    %dma_wait3A_665 = arith.constant 0 : i32
    %dma_wait3A_666 = tpu.memref_slice %arg9[%dma_wait3A_649, %dma_wait3A_664, %dma_wait3A_665] : memref<3x80x128xf32, #tpu.memory_space<vmem>> -> memref<1x80x128xf32, #tpu.memory_space<vmem>>
    %dma_wait3A_667 = tpu.memref_squeeze %dma_wait3A_666 : memref<1x80x128xf32, #tpu.memory_space<vmem>> -> memref<80x128xf32, #tpu.memory_space<vmem>>
    %dma_wait3A_668 = arith.constant 0 : i32
    %dma_wait3A_669 = arith.constant 0 : i32
    %dma_wait3A_670 = tpu.memref_slice %dma_wait3A_667[%dma_wait3A_668, %dma_wait3A_669] : memref<80x128xf32, #tpu.memory_space<vmem>> -> memref<80x16xf32, #tpu.memory_space<vmem>>
    tpu.wait_dma2 semaphore(%dma_wait3A_661 : memref<!tpu.dma_semaphore, #tpu.memory_space<semaphore_mem>>) src(%dma_wait3A_670 : memref<80x16xf32, #tpu.memory_space<vmem>>) dst(%dma_wait3A_663 : memref<80x16xf32, #tpu.memory_space<vmem_shared>>)
    %dma_wait3A_671 = arith.constant 2 : i32
    %dma_wait3A_672 = arith.constant 0 : i32
    %dma_wait3A_673 = arith.constant 0 : i32
    %dma_wait3A_674 = arith.constant 0 : i32
    %dma_wait3A_675 = tpu.memref_slice %arg9[%dma_wait3A_671, %dma_wait3A_673, %dma_wait3A_674] : memref<3x80x128xf32, #tpu.memory_space<vmem>> -> memref<1x80x128xf32, #tpu.memory_space<vmem>>
    %dma_wait3A_676 = tpu.memref_squeeze %dma_wait3A_675 : memref<1x80x128xf32, #tpu.memory_space<vmem>> -> memref<80x128xf32, #tpu.memory_space<vmem>>
    %dma_wait3A_677 = arith.constant 0 : i32
    %dma_wait3A_678 = arith.constant 0 : i32
    %dma_wait3A_679 = tpu.memref_slice %dma_wait3A_676[%dma_wait3A_677, %dma_wait3A_678] : memref<80x128xf32, #tpu.memory_space<vmem>> -> memref<80x16xf32, #tpu.memory_space<vmem>>
    %dma_wait3A_680 = arith.constant 0 : i32
    %dma_wait3A_681 = tpu.memref_slice %arg12[%add3A_54, %dma_wait3A_680] : memref<10000x16xf32, #tpu.memory_space<vmem_shared>> -> memref<80x16xf32, #tpu.memory_space<vmem_shared>>
    %dma_wait3A_682 = tpu.memref_slice %arg14[%dma_wait3A_672] : memref<3x!tpu.dma_semaphore, #tpu.memory_space<semaphore_mem>> -> memref<1x!tpu.dma_semaphore, #tpu.memory_space<semaphore_mem>>
    %dma_wait3A_683 = tpu.memref_squeeze %dma_wait3A_682 : memref<1x!tpu.dma_semaphore, #tpu.memory_space<semaphore_mem>> -> memref<!tpu.dma_semaphore, #tpu.memory_space<semaphore_mem>>
    %dma_wait3A_684 = arith.constant 0 : i32
    %dma_wait3A_685 = tpu.memref_slice %arg12[%add3A_54, %dma_wait3A_684] : memref<10000x16xf32, #tpu.memory_space<vmem_shared>> -> memref<80x16xf32, #tpu.memory_space<vmem_shared>>
    %dma_wait3A_686 = arith.constant 0 : i32
    %dma_wait3A_687 = arith.constant 0 : i32
    %dma_wait3A_688 = tpu.memref_slice %arg9[%dma_wait3A_671, %dma_wait3A_686, %dma_wait3A_687] : memref<3x80x128xf32, #tpu.memory_space<vmem>> -> memref<1x80x128xf32, #tpu.memory_space<vmem>>
    %dma_wait3A_689 = tpu.memref_squeeze %dma_wait3A_688 : memref<1x80x128xf32, #tpu.memory_space<vmem>> -> memref<80x128xf32, #tpu.memory_space<vmem>>
    %dma_wait3A_690 = arith.constant 0 : i32
    %dma_wait3A_691 = arith.constant 0 : i32
    %dma_wait3A_692 = tpu.memref_slice %dma_wait3A_689[%dma_wait3A_690, %dma_wait3A_691] : memref<80x128xf32, #tpu.memory_space<vmem>> -> memref<80x16xf32, #tpu.memory_space<vmem>>
    tpu.wait_dma2 semaphore(%dma_wait3A_683 : memref<!tpu.dma_semaphore, #tpu.memory_space<semaphore_mem>>) src(%dma_wait3A_692 : memref<80x16xf32, #tpu.memory_space<vmem>>) dst(%dma_wait3A_685 : memref<80x16xf32, #tpu.memory_space<vmem_shared>>)
    %dma_wait3A_693 = arith.constant 2 : i32
    %dma_wait3A_694 = arith.constant 0 : i32
    %dma_wait3A_695 = arith.constant 0 : i32
    %dma_wait3A_696 = arith.constant 0 : i32
    %dma_wait3A_697 = tpu.memref_slice %arg9[%dma_wait3A_693, %dma_wait3A_695, %dma_wait3A_696] : memref<3x80x128xf32, #tpu.memory_space<vmem>> -> memref<1x80x128xf32, #tpu.memory_space<vmem>>
    %dma_wait3A_698 = tpu.memref_squeeze %dma_wait3A_697 : memref<1x80x128xf32, #tpu.memory_space<vmem>> -> memref<80x128xf32, #tpu.memory_space<vmem>>
    %dma_wait3A_699 = arith.constant 0 : i32
    %dma_wait3A_700 = arith.constant 0 : i32
    %dma_wait3A_701 = tpu.memref_slice %dma_wait3A_698[%dma_wait3A_699, %dma_wait3A_700] : memref<80x128xf32, #tpu.memory_space<vmem>> -> memref<80x16xf32, #tpu.memory_space<vmem>>
    %dma_wait3A_702 = arith.constant 0 : i32
    %dma_wait3A_703 = tpu.memref_slice %arg12[%add3A_58, %dma_wait3A_702] : memref<10000x16xf32, #tpu.memory_space<vmem_shared>> -> memref<80x16xf32, #tpu.memory_space<vmem_shared>>
    %dma_wait3A_704 = tpu.memref_slice %arg14[%dma_wait3A_694] : memref<3x!tpu.dma_semaphore, #tpu.memory_space<semaphore_mem>> -> memref<1x!tpu.dma_semaphore, #tpu.memory_space<semaphore_mem>>
    %dma_wait3A_705 = tpu.memref_squeeze %dma_wait3A_704 : memref<1x!tpu.dma_semaphore, #tpu.memory_space<semaphore_mem>> -> memref<!tpu.dma_semaphore, #tpu.memory_space<semaphore_mem>>
    %dma_wait3A_706 = arith.constant 0 : i32
    %dma_wait3A_707 = tpu.memref_slice %arg12[%add3A_58, %dma_wait3A_706] : memref<10000x16xf32, #tpu.memory_space<vmem_shared>> -> memref<80x16xf32, #tpu.memory_space<vmem_shared>>
    %dma_wait3A_708 = arith.constant 0 : i32
    %dma_wait3A_709 = arith.constant 0 : i32
    %dma_wait3A_710 = tpu.memref_slice %arg9[%dma_wait3A_693, %dma_wait3A_708, %dma_wait3A_709] : memref<3x80x128xf32, #tpu.memory_space<vmem>> -> memref<1x80x128xf32, #tpu.memory_space<vmem>>
    %dma_wait3A_711 = tpu.memref_squeeze %dma_wait3A_710 : memref<1x80x128xf32, #tpu.memory_space<vmem>> -> memref<80x128xf32, #tpu.memory_space<vmem>>
    %dma_wait3A_712 = arith.constant 0 : i32
    %dma_wait3A_713 = arith.constant 0 : i32
    %dma_wait3A_714 = tpu.memref_slice %dma_wait3A_711[%dma_wait3A_712, %dma_wait3A_713] : memref<80x128xf32, #tpu.memory_space<vmem>> -> memref<80x16xf32, #tpu.memory_space<vmem>>
    tpu.wait_dma2 semaphore(%dma_wait3A_705 : memref<!tpu.dma_semaphore, #tpu.memory_space<semaphore_mem>>) src(%dma_wait3A_714 : memref<80x16xf32, #tpu.memory_space<vmem>>) dst(%dma_wait3A_707 : memref<80x16xf32, #tpu.memory_space<vmem_shared>>)
    %dma_wait3A_715 = arith.constant 2 : i32
    %dma_wait3A_716 = arith.constant 0 : i32
    %dma_wait3A_717 = arith.constant 0 : i32
    %dma_wait3A_718 = arith.constant 0 : i32
    %dma_wait3A_719 = tpu.memref_slice %arg9[%dma_wait3A_715, %dma_wait3A_717, %dma_wait3A_718] : memref<3x80x128xf32, #tpu.memory_space<vmem>> -> memref<1x80x128xf32, #tpu.memory_space<vmem>>
    %dma_wait3A_720 = tpu.memref_squeeze %dma_wait3A_719 : memref<1x80x128xf32, #tpu.memory_space<vmem>> -> memref<80x128xf32, #tpu.memory_space<vmem>>
    %dma_wait3A_721 = arith.constant 0 : i32
    %dma_wait3A_722 = arith.constant 0 : i32
    %dma_wait3A_723 = tpu.memref_slice %dma_wait3A_720[%dma_wait3A_721, %dma_wait3A_722] : memref<80x128xf32, #tpu.memory_space<vmem>> -> memref<80x16xf32, #tpu.memory_space<vmem>>
    %dma_wait3A_724 = arith.constant 0 : i32
    %dma_wait3A_725 = tpu.memref_slice %arg12[%add3A_62, %dma_wait3A_724] : memref<10000x16xf32, #tpu.memory_space<vmem_shared>> -> memref<80x16xf32, #tpu.memory_space<vmem_shared>>
    %dma_wait3A_726 = tpu.memref_slice %arg14[%dma_wait3A_716] : memref<3x!tpu.dma_semaphore, #tpu.memory_space<semaphore_mem>> -> memref<1x!tpu.dma_semaphore, #tpu.memory_space<semaphore_mem>>
    %dma_wait3A_727 = tpu.memref_squeeze %dma_wait3A_726 : memref<1x!tpu.dma_semaphore, #tpu.memory_space<semaphore_mem>> -> memref<!tpu.dma_semaphore, #tpu.memory_space<semaphore_mem>>
    %dma_wait3A_728 = arith.constant 0 : i32
    %dma_wait3A_729 = tpu.memref_slice %arg12[%add3A_62, %dma_wait3A_728] : memref<10000x16xf32, #tpu.memory_space<vmem_shared>> -> memref<80x16xf32, #tpu.memory_space<vmem_shared>>
    %dma_wait3A_730 = arith.constant 0 : i32
    %dma_wait3A_731 = arith.constant 0 : i32
    %dma_wait3A_732 = tpu.memref_slice %arg9[%dma_wait3A_715, %dma_wait3A_730, %dma_wait3A_731] : memref<3x80x128xf32, #tpu.memory_space<vmem>> -> memref<1x80x128xf32, #tpu.memory_space<vmem>>
    %dma_wait3A_733 = tpu.memref_squeeze %dma_wait3A_732 : memref<1x80x128xf32, #tpu.memory_space<vmem>> -> memref<80x128xf32, #tpu.memory_space<vmem>>
    %dma_wait3A_734 = arith.constant 0 : i32
    %dma_wait3A_735 = arith.constant 0 : i32
    %dma_wait3A_736 = tpu.memref_slice %dma_wait3A_733[%dma_wait3A_734, %dma_wait3A_735] : memref<80x128xf32, #tpu.memory_space<vmem>> -> memref<80x16xf32, #tpu.memory_space<vmem>>
    tpu.wait_dma2 semaphore(%dma_wait3A_727 : memref<!tpu.dma_semaphore, #tpu.memory_space<semaphore_mem>>) src(%dma_wait3A_736 : memref<80x16xf32, #tpu.memory_space<vmem>>) dst(%dma_wait3A_729 : memref<80x16xf32, #tpu.memory_space<vmem_shared>>)
    %dma_wait3A_737 = arith.constant 2 : i32
    %dma_wait3A_738 = arith.constant 0 : i32
    %dma_wait3A_739 = arith.constant 0 : i32
    %dma_wait3A_740 = arith.constant 0 : i32
    %dma_wait3A_741 = tpu.memref_slice %arg9[%dma_wait3A_737, %dma_wait3A_739, %dma_wait3A_740] : memref<3x80x128xf32, #tpu.memory_space<vmem>> -> memref<1x80x128xf32, #tpu.memory_space<vmem>>
    %dma_wait3A_742 = tpu.memref_squeeze %dma_wait3A_741 : memref<1x80x128xf32, #tpu.memory_space<vmem>> -> memref<80x128xf32, #tpu.memory_space<vmem>>
    %dma_wait3A_743 = arith.constant 0 : i32
    %dma_wait3A_744 = arith.constant 0 : i32
    %dma_wait3A_745 = tpu.memref_slice %dma_wait3A_742[%dma_wait3A_743, %dma_wait3A_744] : memref<80x128xf32, #tpu.memory_space<vmem>> -> memref<80x16xf32, #tpu.memory_space<vmem>>
    %dma_wait3A_746 = arith.constant 0 : i32
    %dma_wait3A_747 = tpu.memref_slice %arg12[%add3A_66, %dma_wait3A_746] : memref<10000x16xf32, #tpu.memory_space<vmem_shared>> -> memref<80x16xf32, #tpu.memory_space<vmem_shared>>
    %dma_wait3A_748 = tpu.memref_slice %arg14[%dma_wait3A_738] : memref<3x!tpu.dma_semaphore, #tpu.memory_space<semaphore_mem>> -> memref<1x!tpu.dma_semaphore, #tpu.memory_space<semaphore_mem>>
    %dma_wait3A_749 = tpu.memref_squeeze %dma_wait3A_748 : memref<1x!tpu.dma_semaphore, #tpu.memory_space<semaphore_mem>> -> memref<!tpu.dma_semaphore, #tpu.memory_space<semaphore_mem>>
    %dma_wait3A_750 = arith.constant 0 : i32
    %dma_wait3A_751 = tpu.memref_slice %arg12[%add3A_66, %dma_wait3A_750] : memref<10000x16xf32, #tpu.memory_space<vmem_shared>> -> memref<80x16xf32, #tpu.memory_space<vmem_shared>>
    %dma_wait3A_752 = arith.constant 0 : i32
    %dma_wait3A_753 = arith.constant 0 : i32
    %dma_wait3A_754 = tpu.memref_slice %arg9[%dma_wait3A_737, %dma_wait3A_752, %dma_wait3A_753] : memref<3x80x128xf32, #tpu.memory_space<vmem>> -> memref<1x80x128xf32, #tpu.memory_space<vmem>>
    %dma_wait3A_755 = tpu.memref_squeeze %dma_wait3A_754 : memref<1x80x128xf32, #tpu.memory_space<vmem>> -> memref<80x128xf32, #tpu.memory_space<vmem>>
    %dma_wait3A_756 = arith.constant 0 : i32
    %dma_wait3A_757 = arith.constant 0 : i32
    %dma_wait3A_758 = tpu.memref_slice %dma_wait3A_755[%dma_wait3A_756, %dma_wait3A_757] : memref<80x128xf32, #tpu.memory_space<vmem>> -> memref<80x16xf32, #tpu.memory_space<vmem>>
    tpu.wait_dma2 semaphore(%dma_wait3A_749 : memref<!tpu.dma_semaphore, #tpu.memory_space<semaphore_mem>>) src(%dma_wait3A_758 : memref<80x16xf32, #tpu.memory_space<vmem>>) dst(%dma_wait3A_751 : memref<80x16xf32, #tpu.memory_space<vmem_shared>>)
    %dma_wait3A_759 = arith.constant 2 : i32
    %dma_wait3A_760 = arith.constant 0 : i32
    %dma_wait3A_761 = arith.constant 0 : i32
    %dma_wait3A_762 = arith.constant 0 : i32
    %dma_wait3A_763 = tpu.memref_slice %arg9[%dma_wait3A_759, %dma_wait3A_761, %dma_wait3A_762] : memref<3x80x128xf32, #tpu.memory_space<vmem>> -> memref<1x80x128xf32, #tpu.memory_space<vmem>>
    %dma_wait3A_764 = tpu.memref_squeeze %dma_wait3A_763 : memref<1x80x128xf32, #tpu.memory_space<vmem>> -> memref<80x128xf32, #tpu.memory_space<vmem>>
    %dma_wait3A_765 = arith.constant 0 : i32
    %dma_wait3A_766 = arith.constant 0 : i32
    %dma_wait3A_767 = tpu.memref_slice %dma_wait3A_764[%dma_wait3A_765, %dma_wait3A_766] : memref<80x128xf32, #tpu.memory_space<vmem>> -> memref<65x128xf32, #tpu.memory_space<vmem>>
    %dma_wait3A_768 = arith.constant 0 : i32
    %dma_wait3A_769 = arith.constant 0 : i32
    %dma_wait3A_770 = tpu.memref_slice %dma_wait3A_767[%dma_wait3A_768, %dma_wait3A_769] : memref<65x128xf32, #tpu.memory_space<vmem>> -> memref<65x16xf32, #tpu.memory_space<vmem>>
    %dma_wait3A_771 = arith.constant 0 : i32
    %dma_wait3A_772 = tpu.memref_slice %arg12[%add3A_70, %dma_wait3A_771] : memref<10000x16xf32, #tpu.memory_space<vmem_shared>> -> memref<65x16xf32, #tpu.memory_space<vmem_shared>>
    %dma_wait3A_773 = tpu.memref_slice %arg14[%dma_wait3A_760] : memref<3x!tpu.dma_semaphore, #tpu.memory_space<semaphore_mem>> -> memref<1x!tpu.dma_semaphore, #tpu.memory_space<semaphore_mem>>
    %dma_wait3A_774 = tpu.memref_squeeze %dma_wait3A_773 : memref<1x!tpu.dma_semaphore, #tpu.memory_space<semaphore_mem>> -> memref<!tpu.dma_semaphore, #tpu.memory_space<semaphore_mem>>
    %dma_wait3A_775 = arith.constant 0 : i32
    %dma_wait3A_776 = tpu.memref_slice %arg12[%add3A_70, %dma_wait3A_775] : memref<10000x16xf32, #tpu.memory_space<vmem_shared>> -> memref<65x16xf32, #tpu.memory_space<vmem_shared>>
    %dma_wait3A_777 = arith.constant 0 : i32
    %dma_wait3A_778 = arith.constant 0 : i32
    %dma_wait3A_779 = tpu.memref_slice %arg9[%dma_wait3A_759, %dma_wait3A_777, %dma_wait3A_778] : memref<3x80x128xf32, #tpu.memory_space<vmem>> -> memref<1x80x128xf32, #tpu.memory_space<vmem>>
    %dma_wait3A_780 = tpu.memref_squeeze %dma_wait3A_779 : memref<1x80x128xf32, #tpu.memory_space<vmem>> -> memref<80x128xf32, #tpu.memory_space<vmem>>
    %dma_wait3A_781 = arith.constant 0 : i32
    %dma_wait3A_782 = arith.constant 0 : i32
    %dma_wait3A_783 = tpu.memref_slice %dma_wait3A_780[%dma_wait3A_781, %dma_wait3A_782] : memref<80x128xf32, #tpu.memory_space<vmem>> -> memref<65x128xf32, #tpu.memory_space<vmem>>
    %dma_wait3A_784 = arith.constant 0 : i32
    %dma_wait3A_785 = arith.constant 0 : i32
    %dma_wait3A_786 = tpu.memref_slice %dma_wait3A_783[%dma_wait3A_784, %dma_wait3A_785] : memref<65x128xf32, #tpu.memory_space<vmem>> -> memref<65x16xf32, #tpu.memory_space<vmem>>
    tpu.wait_dma2 semaphore(%dma_wait3A_774 : memref<!tpu.dma_semaphore, #tpu.memory_space<semaphore_mem>>) src(%dma_wait3A_786 : memref<65x16xf32, #tpu.memory_space<vmem>>) dst(%dma_wait3A_776 : memref<65x16xf32, #tpu.memory_space<vmem_shared>>)
    %dma_wait3A_787 = arith.constant 2 : i32
    %dma_wait3A_788 = tpu.memref_slice %arg14[%dma_wait3A_787] : memref<3x!tpu.dma_semaphore, #tpu.memory_space<semaphore_mem>> -> memref<1x!tpu.dma_semaphore, #tpu.memory_space<semaphore_mem>>
    %dma_wait3A_789 = tpu.memref_squeeze %dma_wait3A_788 : memref<1x!tpu.dma_semaphore, #tpu.memory_space<semaphore_mem>> -> memref<!tpu.dma_semaphore, #tpu.memory_space<semaphore_mem>>
    tpu.wait_dma2 semaphore(%dma_wait3A_789 : memref<!tpu.dma_semaphore, #tpu.memory_space<semaphore_mem>>) src(%arg4 : memref<80x16xf32, #tpu.memory_space<hbm>>) dst(%arg10 : memref<80x16xf32, #tpu.memory_space<vmem>>)
    %barrier3A = arith.constant 0 : index
    tpu.barrier barrier_id(%barrier3A)
    %scan3A_790 = arith.constant 0 : i32
    %scan3A_791 = arith.constant 1 : i32
    %scan3A_792 = arith.constant 0 : i32
    %scan3A_793 = arith.constant 0 : i32
    %scan3A_794 = arith.constant 125 : i32
    %scan3A_795 = arith.addi %scan3A_793, %scan3A_794 : i32
    %scan3A_796 = arith.constant 1 : i32
    %scan3A_797 = scf.for %scan3A_1005 = %scan3A_793 to %scan3A_795 step %scan3A_796 iter_args(%scan3A_1006 = %scan3A_792) -> (i32)  : i32 {
      %rem3A = arith.constant 3 : i32
      %rem3A_1007 = arith.remsi %scan3A_1005, %rem3A : i32
      %dma_wait3A_1008 = arith.constant 0 : i32
      %dma_wait3A_1009 = arith.constant 0 : i32
      %dma_wait3A_1010 = arith.constant 0 : i32
      %dma_wait3A_1011 = tpu.memref_slice %arg9[%rem3A_1007, %dma_wait3A_1009, %dma_wait3A_1010] : memref<3x80x128xf32, #tpu.memory_space<vmem>> -> memref<1x80x128xf32, #tpu.memory_space<vmem>>
      %dma_wait3A_1012 = tpu.memref_squeeze %dma_wait3A_1011 : memref<1x80x128xf32, #tpu.memory_space<vmem>> -> memref<80x128xf32, #tpu.memory_space<vmem>>
      %dma_wait3A_1013 = arith.constant 0 : i32
      %dma_wait3A_1014 = tpu.memref_slice %arg7[%dma_wait3A_1008, %dma_wait3A_1013] : memref<63x80xi32, #tpu.memory_space<vmem>> -> memref<1x80xi32, #tpu.memory_space<vmem>>
      %dma_wait3A_1015 = tpu.memref_squeeze %dma_wait3A_1014 : memref<1x80xi32, #tpu.memory_space<vmem>> -> memref<80xi32, #tpu.memory_space<vmem>>
      %dma_wait3A_1016 = arith.constant 0 : i32
      %dma_wait3A_1017 = arith.constant 0 : i32
      %dma_wait3A_1018 = tpu.memref_slice %arg2[%dma_wait3A_1016, %dma_wait3A_1017] : memref<10000x128xf32, #tpu.memory_space<hbm>> -> memref<10000x128xf32, #tpu.memory_space<hbm>>
      %dma_wait3A_1019 = tpu.memref_slice %arg13[%rem3A_1007] : memref<3x!tpu.dma_semaphore, #tpu.memory_space<semaphore_mem>> -> memref<1x!tpu.dma_semaphore, #tpu.memory_space<semaphore_mem>>
      %dma_wait3A_1020 = tpu.memref_squeeze %dma_wait3A_1019 : memref<1x!tpu.dma_semaphore, #tpu.memory_space<semaphore_mem>> -> memref<!tpu.dma_semaphore, #tpu.memory_space<semaphore_mem>>
      tpu.wait_indirect_dma semaphore(%dma_wait3A_1020 : memref<!tpu.dma_semaphore, #tpu.memory_space<semaphore_mem>>) src(%dma_wait3A_1018 : memref<10000x128xf32, #tpu.memory_space<hbm>>) dst(%dma_wait3A_1012 : memref<80x128xf32, #tpu.memory_space<vmem>>)
      %ge3A = arith.constant 1 : i32
      %ge3A_1021 = arith.cmpi sge, %scan3A_1005, %ge3A : i32
      %convert_element_type3A = arith.extui %ge3A_1021 : i1 to i32
      %cond3A = arith.constant 0 : i32
      %cond3A_1022 = arith.cmpi ne, %convert_element_type3A, %cond3A : i32
      scf.if %cond3A_1022 {
        %sub3A = arith.constant 1 : i32
        %sub3A_1071 = arith.subi %scan3A_1005, %sub3A : i32
        %rem3A_1072 = arith.constant 3 : i32
        %rem3A_1073 = arith.remsi %sub3A_1071, %rem3A_1072 : i32
        %dma_wait3A_1074 = arith.constant 0 : i32
        %dma_wait3A_1075 = arith.constant 0 : i32
        %dma_wait3A_1076 = arith.constant 0 : i32
        %dma_wait3A_1077 = tpu.memref_slice %arg9[%rem3A_1073, %dma_wait3A_1075, %dma_wait3A_1076] : memref<3x80x128xf32, #tpu.memory_space<vmem>> -> memref<1x80x128xf32, #tpu.memory_space<vmem>>
        %dma_wait3A_1078 = tpu.memref_squeeze %dma_wait3A_1077 : memref<1x80x128xf32, #tpu.memory_space<vmem>> -> memref<80x128xf32, #tpu.memory_space<vmem>>
        %dma_wait3A_1079 = arith.constant 0 : i32
        %dma_wait3A_1080 = tpu.memref_slice %arg8[%dma_wait3A_1074, %dma_wait3A_1079] : memref<32x80xi32, #tpu.memory_space<vmem>> -> memref<1x80xi32, #tpu.memory_space<vmem>>
        %dma_wait3A_1081 = tpu.memref_squeeze %dma_wait3A_1080 : memref<1x80xi32, #tpu.memory_space<vmem>> -> memref<80xi32, #tpu.memory_space<vmem>>
        %dma_wait3A_1082 = arith.constant 0 : i32
        %dma_wait3A_1083 = arith.constant 0 : i32
        %dma_wait3A_1084 = tpu.memref_slice %arg11[%dma_wait3A_1082, %dma_wait3A_1083] : memref<10000x128xf32, #tpu.memory_space<vmem_shared>> -> memref<10000x128xf32, #tpu.memory_space<vmem_shared>>
        %dma_wait3A_1085 = tpu.memref_slice %arg14[%rem3A_1073] : memref<3x!tpu.dma_semaphore, #tpu.memory_space<semaphore_mem>> -> memref<1x!tpu.dma_semaphore, #tpu.memory_space<semaphore_mem>>
        %dma_wait3A_1086 = tpu.memref_squeeze %dma_wait3A_1085 : memref<1x!tpu.dma_semaphore, #tpu.memory_space<semaphore_mem>> -> memref<!tpu.dma_semaphore, #tpu.memory_space<semaphore_mem>>
        tpu.wait_indirect_dma semaphore(%dma_wait3A_1086 : memref<!tpu.dma_semaphore, #tpu.memory_space<semaphore_mem>>) src(%dma_wait3A_1078 : memref<80x128xf32, #tpu.memory_space<vmem>>) dst(%dma_wait3A_1084 : memref<10000x128xf32, #tpu.memory_space<vmem_shared>>)
        %sub3A_1087 = arith.constant 1 : i32
        %sub3A_1088 = arith.subi %scan3A_1005, %sub3A_1087 : i32
        %rem3A_1089 = arith.constant 3 : i32
        %rem3A_1090 = arith.remsi %sub3A_1088, %rem3A_1089 : i32
        %dma_wait3A_1091 = arith.constant 0 : i32
        %dma_wait3A_1092 = arith.constant 0 : i32
        %dma_wait3A_1093 = tpu.memref_slice %arg8[%dma_wait3A_1091, %dma_wait3A_1092] : memref<32x80xi32, #tpu.memory_space<vmem>> -> memref<1x80xi32, #tpu.memory_space<vmem>>
        %dma_wait3A_1094 = tpu.memref_squeeze %dma_wait3A_1093 : memref<1x80xi32, #tpu.memory_space<vmem>> -> memref<80xi32, #tpu.memory_space<vmem>>
        %dma_wait3A_1095 = arith.constant 0 : i32
        %dma_wait3A_1096 = arith.constant 0 : i32
        %dma_wait3A_1097 = tpu.memref_slice %arg12[%dma_wait3A_1095, %dma_wait3A_1096] : memref<10000x16xf32, #tpu.memory_space<vmem_shared>> -> memref<10000x16xf32, #tpu.memory_space<vmem_shared>>
        %dma_wait3A_1098 = tpu.memref_slice %arg15[%rem3A_1090] : memref<3x!tpu.dma_semaphore, #tpu.memory_space<semaphore_mem>> -> memref<1x!tpu.dma_semaphore, #tpu.memory_space<semaphore_mem>>
        %dma_wait3A_1099 = tpu.memref_squeeze %dma_wait3A_1098 : memref<1x!tpu.dma_semaphore, #tpu.memory_space<semaphore_mem>> -> memref<!tpu.dma_semaphore, #tpu.memory_space<semaphore_mem>>
        tpu.wait_indirect_dma semaphore(%dma_wait3A_1099 : memref<!tpu.dma_semaphore, #tpu.memory_space<semaphore_mem>>) src(%arg10 : memref<80x16xf32, #tpu.memory_space<vmem>>) dst(%dma_wait3A_1097 : memref<10000x16xf32, #tpu.memory_space<vmem_shared>>)
      } else {
      }
      %eq3A = arith.constant 61 : i32
      %eq3A_1023 = arith.cmpi eq, %scan3A_1005, %eq3A : i32
      %convert_element_type3A_1024 = arith.extui %eq3A_1023 : i1 to i32
      %cond3A_1025 = arith.constant 0 : i32
      %cond3A_1026 = arith.cmpi ne, %convert_element_type3A_1024, %cond3A_1025 : i32
      scf.if %cond3A_1026 {
        "tpu.region"() ({
          %run_scoped3A_1071 = tpu.sem_alloc : memref<!tpu.dma_semaphore, #tpu.memory_space<semaphore_mem>>
          %dma_start3A_1072 = arith.constant 0 : i32
          %dma_start3A_1073 = arith.constant 0 : i32
          %dma_start3A_1074 = tpu.memref_slice %arg7[%dma_start3A_1072, %dma_start3A_1073] : memref<63x80xi32, #tpu.memory_space<vmem>> -> memref<62x80xi32, #tpu.memory_space<vmem>>
          %dma_start3A_1075 = arith.constant 0 : i32
          %dma_start3A_1076 = arith.constant 0 : i32
          %dma_start3A_1077 = arith.constant 0 : i32
          %dma_start3A_1078 = tpu.memref_slice %arg3[%scan3A_790, %dma_start3A_1075, %dma_start3A_1076, %dma_start3A_1077] : memref<2x32x125x80xi32, #tpu.memory_space<hbm>> -> memref<1x32x125x80xi32, #tpu.memory_space<hbm>>
          %dma_start3A_1079 = tpu.memref_squeeze %dma_start3A_1078 : memref<1x32x125x80xi32, #tpu.memory_space<hbm>> -> memref<32x125x80xi32, #tpu.memory_space<hbm>>
          %dma_start3A_1080 = arith.constant 0 : i32
          %dma_start3A_1081 = arith.constant 0 : i32
          %dma_start3A_1082 = tpu.memref_slice %dma_start3A_1079[%add3A, %dma_start3A_1080, %dma_start3A_1081] : memref<32x125x80xi32, #tpu.memory_space<hbm>> -> memref<1x125x80xi32, #tpu.memory_space<hbm>>
          %dma_start3A_1083 = tpu.memref_squeeze %dma_start3A_1082 : memref<1x125x80xi32, #tpu.memory_space<hbm>> -> memref<125x80xi32, #tpu.memory_space<hbm>>
          %dma_start3A_1084 = arith.constant 63 : i32
          %dma_start3A_1085 = arith.constant 0 : i32
          %dma_start3A_1086 = tpu.memref_slice %dma_start3A_1083[%dma_start3A_1084, %dma_start3A_1085] : memref<125x80xi32, #tpu.memory_space<hbm>> -> memref<62x80xi32, #tpu.memory_space<hbm>>
          %dma_start3A_1087 = arith.constant 0 : i32
          %dma_start3A_1088 = arith.constant 0 : i32
          %dma_start3A_1089 = tpu.memref_slice %arg7[%dma_start3A_1087, %dma_start3A_1088] : memref<63x80xi32, #tpu.memory_space<vmem>> -> memref<62x80xi32, #tpu.memory_space<vmem>>
          %dma_start3A_1090 = arith.constant 0 : i32
          %dma_start3A_1091 = arith.constant 0 : i32
          %dma_start3A_1092 = arith.constant 0 : i32
          %dma_start3A_1093 = tpu.memref_slice %arg3[%scan3A_790, %dma_start3A_1090, %dma_start3A_1091, %dma_start3A_1092] : memref<2x32x125x80xi32, #tpu.memory_space<hbm>> -> memref<1x32x125x80xi32, #tpu.memory_space<hbm>>
          %dma_start3A_1094 = tpu.memref_squeeze %dma_start3A_1093 : memref<1x32x125x80xi32, #tpu.memory_space<hbm>> -> memref<32x125x80xi32, #tpu.memory_space<hbm>>
          %dma_start3A_1095 = arith.constant 0 : i32
          %dma_start3A_1096 = arith.constant 0 : i32
          %dma_start3A_1097 = tpu.memref_slice %dma_start3A_1094[%add3A, %dma_start3A_1095, %dma_start3A_1096] : memref<32x125x80xi32, #tpu.memory_space<hbm>> -> memref<1x125x80xi32, #tpu.memory_space<hbm>>
          %dma_start3A_1098 = tpu.memref_squeeze %dma_start3A_1097 : memref<1x125x80xi32, #tpu.memory_space<hbm>> -> memref<125x80xi32, #tpu.memory_space<hbm>>
          %dma_start3A_1099 = arith.constant 63 : i32
          %dma_start3A_1100 = arith.constant 0 : i32
          %dma_start3A_1101 = tpu.memref_slice %dma_start3A_1098[%dma_start3A_1099, %dma_start3A_1100] : memref<125x80xi32, #tpu.memory_space<hbm>> -> memref<62x80xi32, #tpu.memory_space<hbm>>
          tpu.enqueue_dma source(%dma_start3A_1101 : memref<62x80xi32, #tpu.memory_space<hbm>>) target(%dma_start3A_1089 : memref<62x80xi32, #tpu.memory_space<vmem>>) target_semaphore(%run_scoped3A_1071 : memref<!tpu.dma_semaphore, #tpu.memory_space<semaphore_mem>>)
          %dma_wait3A_1102 = arith.constant 0 : i32
          %dma_wait3A_1103 = arith.constant 0 : i32
          %dma_wait3A_1104 = tpu.memref_slice %arg7[%dma_wait3A_1102, %dma_wait3A_1103] : memref<63x80xi32, #tpu.memory_space<vmem>> -> memref<62x80xi32, #tpu.memory_space<vmem>>
          %dma_wait3A_1105 = arith.constant 0 : i32
          %dma_wait3A_1106 = arith.constant 0 : i32
          %dma_wait3A_1107 = arith.constant 0 : i32
          %dma_wait3A_1108 = tpu.memref_slice %arg3[%scan3A_790, %dma_wait3A_1105, %dma_wait3A_1106, %dma_wait3A_1107] : memref<2x32x125x80xi32, #tpu.memory_space<hbm>> -> memref<1x32x125x80xi32, #tpu.memory_space<hbm>>
          %dma_wait3A_1109 = tpu.memref_squeeze %dma_wait3A_1108 : memref<1x32x125x80xi32, #tpu.memory_space<hbm>> -> memref<32x125x80xi32, #tpu.memory_space<hbm>>
          %dma_wait3A_1110 = arith.constant 0 : i32
          %dma_wait3A_1111 = arith.constant 0 : i32
          %dma_wait3A_1112 = tpu.memref_slice %dma_wait3A_1109[%add3A, %dma_wait3A_1110, %dma_wait3A_1111] : memref<32x125x80xi32, #tpu.memory_space<hbm>> -> memref<1x125x80xi32, #tpu.memory_space<hbm>>
          %dma_wait3A_1113 = tpu.memref_squeeze %dma_wait3A_1112 : memref<1x125x80xi32, #tpu.memory_space<hbm>> -> memref<125x80xi32, #tpu.memory_space<hbm>>
          %dma_wait3A_1114 = arith.constant 63 : i32
          %dma_wait3A_1115 = arith.constant 0 : i32
          %dma_wait3A_1116 = tpu.memref_slice %dma_wait3A_1113[%dma_wait3A_1114, %dma_wait3A_1115] : memref<125x80xi32, #tpu.memory_space<hbm>> -> memref<62x80xi32, #tpu.memory_space<hbm>>
          %dma_wait3A_1117 = arith.constant 0 : i32
          %dma_wait3A_1118 = arith.constant 0 : i32
          %dma_wait3A_1119 = tpu.memref_slice %arg7[%dma_wait3A_1117, %dma_wait3A_1118] : memref<63x80xi32, #tpu.memory_space<vmem>> -> memref<62x80xi32, #tpu.memory_space<vmem>>
          %dma_wait3A_1120 = arith.constant 0 : i32
          %dma_wait3A_1121 = arith.constant 0 : i32
          %dma_wait3A_1122 = arith.constant 0 : i32
          %dma_wait3A_1123 = tpu.memref_slice %arg3[%scan3A_790, %dma_wait3A_1120, %dma_wait3A_1121, %dma_wait3A_1122] : memref<2x32x125x80xi32, #tpu.memory_space<hbm>> -> memref<1x32x125x80xi32, #tpu.memory_space<hbm>>
          %dma_wait3A_1124 = tpu.memref_squeeze %dma_wait3A_1123 : memref<1x32x125x80xi32, #tpu.memory_space<hbm>> -> memref<32x125x80xi32, #tpu.memory_space<hbm>>
          %dma_wait3A_1125 = arith.constant 0 : i32
          %dma_wait3A_1126 = arith.constant 0 : i32
          %dma_wait3A_1127 = tpu.memref_slice %dma_wait3A_1124[%add3A, %dma_wait3A_1125, %dma_wait3A_1126] : memref<32x125x80xi32, #tpu.memory_space<hbm>> -> memref<1x125x80xi32, #tpu.memory_space<hbm>>
          %dma_wait3A_1128 = tpu.memref_squeeze %dma_wait3A_1127 : memref<1x125x80xi32, #tpu.memory_space<hbm>> -> memref<125x80xi32, #tpu.memory_space<hbm>>
          %dma_wait3A_1129 = arith.constant 63 : i32
          %dma_wait3A_1130 = arith.constant 0 : i32
          %dma_wait3A_1131 = tpu.memref_slice %dma_wait3A_1128[%dma_wait3A_1129, %dma_wait3A_1130] : memref<125x80xi32, #tpu.memory_space<hbm>> -> memref<62x80xi32, #tpu.memory_space<hbm>>
          tpu.wait_dma2 semaphore(%run_scoped3A_1071 : memref<!tpu.dma_semaphore, #tpu.memory_space<semaphore_mem>>) src(%dma_wait3A_1131 : memref<62x80xi32, #tpu.memory_space<hbm>>) dst(%dma_wait3A_1119 : memref<62x80xi32, #tpu.memory_space<vmem>>)
          tpu.yield
        }) : () -> ()
      } else {
      }
      %eq3A_1027 = arith.constant 32 : i32
      %eq3A_1028 = arith.cmpi eq, %scan3A_1005, %eq3A_1027 : i32
      %convert_element_type3A_1029 = arith.extui %eq3A_1028 : i1 to i32
      %cond3A_1030 = arith.constant 0 : i32
      %cond3A_1031 = arith.cmpi ne, %convert_element_type3A_1029, %cond3A_1030 : i32
      scf.if %cond3A_1031 {
        "tpu.region"() ({
          %run_scoped3A_1071 = tpu.sem_alloc : memref<!tpu.dma_semaphore, #tpu.memory_space<semaphore_mem>>
          %dma_start3A_1072 = arith.constant 0 : i32
          %dma_start3A_1073 = arith.constant 0 : i32
          %dma_start3A_1074 = tpu.memref_slice %arg8[%dma_start3A_1072, %dma_start3A_1073] : memref<32x80xi32, #tpu.memory_space<vmem>> -> memref<32x80xi32, #tpu.memory_space<vmem>>
          %dma_start3A_1075 = arith.constant 0 : i32
          %dma_start3A_1076 = arith.constant 0 : i32
          %dma_start3A_1077 = arith.constant 0 : i32
          %dma_start3A_1078 = tpu.memref_slice %arg3[%scan3A_791, %dma_start3A_1075, %dma_start3A_1076, %dma_start3A_1077] : memref<2x32x125x80xi32, #tpu.memory_space<hbm>> -> memref<1x32x125x80xi32, #tpu.memory_space<hbm>>
          %dma_start3A_1079 = tpu.memref_squeeze %dma_start3A_1078 : memref<1x32x125x80xi32, #tpu.memory_space<hbm>> -> memref<32x125x80xi32, #tpu.memory_space<hbm>>
          %dma_start3A_1080 = arith.constant 0 : i32
          %dma_start3A_1081 = arith.constant 0 : i32
          %dma_start3A_1082 = tpu.memref_slice %dma_start3A_1079[%add3A, %dma_start3A_1080, %dma_start3A_1081] : memref<32x125x80xi32, #tpu.memory_space<hbm>> -> memref<1x125x80xi32, #tpu.memory_space<hbm>>
          %dma_start3A_1083 = tpu.memref_squeeze %dma_start3A_1082 : memref<1x125x80xi32, #tpu.memory_space<hbm>> -> memref<125x80xi32, #tpu.memory_space<hbm>>
          %dma_start3A_1084 = arith.constant 32 : i32
          %dma_start3A_1085 = arith.constant 0 : i32
          %dma_start3A_1086 = tpu.memref_slice %dma_start3A_1083[%dma_start3A_1084, %dma_start3A_1085] : memref<125x80xi32, #tpu.memory_space<hbm>> -> memref<32x80xi32, #tpu.memory_space<hbm>>
          %dma_start3A_1087 = arith.constant 0 : i32
          %dma_start3A_1088 = arith.constant 0 : i32
          %dma_start3A_1089 = tpu.memref_slice %arg8[%dma_start3A_1087, %dma_start3A_1088] : memref<32x80xi32, #tpu.memory_space<vmem>> -> memref<32x80xi32, #tpu.memory_space<vmem>>
          %dma_start3A_1090 = arith.constant 0 : i32
          %dma_start3A_1091 = arith.constant 0 : i32
          %dma_start3A_1092 = arith.constant 0 : i32
          %dma_start3A_1093 = tpu.memref_slice %arg3[%scan3A_791, %dma_start3A_1090, %dma_start3A_1091, %dma_start3A_1092] : memref<2x32x125x80xi32, #tpu.memory_space<hbm>> -> memref<1x32x125x80xi32, #tpu.memory_space<hbm>>
          %dma_start3A_1094 = tpu.memref_squeeze %dma_start3A_1093 : memref<1x32x125x80xi32, #tpu.memory_space<hbm>> -> memref<32x125x80xi32, #tpu.memory_space<hbm>>
          %dma_start3A_1095 = arith.constant 0 : i32
          %dma_start3A_1096 = arith.constant 0 : i32
          %dma_start3A_1097 = tpu.memref_slice %dma_start3A_1094[%add3A, %dma_start3A_1095, %dma_start3A_1096] : memref<32x125x80xi32, #tpu.memory_space<hbm>> -> memref<1x125x80xi32, #tpu.memory_space<hbm>>
          %dma_start3A_1098 = tpu.memref_squeeze %dma_start3A_1097 : memref<1x125x80xi32, #tpu.memory_space<hbm>> -> memref<125x80xi32, #tpu.memory_space<hbm>>
          %dma_start3A_1099 = arith.constant 32 : i32
          %dma_start3A_1100 = arith.constant 0 : i32
          %dma_start3A_1101 = tpu.memref_slice %dma_start3A_1098[%dma_start3A_1099, %dma_start3A_1100] : memref<125x80xi32, #tpu.memory_space<hbm>> -> memref<32x80xi32, #tpu.memory_space<hbm>>
          tpu.enqueue_dma source(%dma_start3A_1101 : memref<32x80xi32, #tpu.memory_space<hbm>>) target(%dma_start3A_1089 : memref<32x80xi32, #tpu.memory_space<vmem>>) target_semaphore(%run_scoped3A_1071 : memref<!tpu.dma_semaphore, #tpu.memory_space<semaphore_mem>>)
          %dma_wait3A_1102 = arith.constant 0 : i32
          %dma_wait3A_1103 = arith.constant 0 : i32
          %dma_wait3A_1104 = tpu.memref_slice %arg8[%dma_wait3A_1102, %dma_wait3A_1103] : memref<32x80xi32, #tpu.memory_space<vmem>> -> memref<32x80xi32, #tpu.memory_space<vmem>>
          %dma_wait3A_1105 = arith.constant 0 : i32
          %dma_wait3A_1106 = arith.constant 0 : i32
          %dma_wait3A_1107 = arith.constant 0 : i32
          %dma_wait3A_1108 = tpu.memref_slice %arg3[%scan3A_791, %dma_wait3A_1105, %dma_wait3A_1106, %dma_wait3A_1107] : memref<2x32x125x80xi32, #tpu.memory_space<hbm>> -> memref<1x32x125x80xi32, #tpu.memory_space<hbm>>
          %dma_wait3A_1109 = tpu.memref_squeeze %dma_wait3A_1108 : memref<1x32x125x80xi32, #tpu.memory_space<hbm>> -> memref<32x125x80xi32, #tpu.memory_space<hbm>>
          %dma_wait3A_1110 = arith.constant 0 : i32
          %dma_wait3A_1111 = arith.constant 0 : i32
          %dma_wait3A_1112 = tpu.memref_slice %dma_wait3A_1109[%add3A, %dma_wait3A_1110, %dma_wait3A_1111] : memref<32x125x80xi32, #tpu.memory_space<hbm>> -> memref<1x125x80xi32, #tpu.memory_space<hbm>>
          %dma_wait3A_1113 = tpu.memref_squeeze %dma_wait3A_1112 : memref<1x125x80xi32, #tpu.memory_space<hbm>> -> memref<125x80xi32, #tpu.memory_space<hbm>>
          %dma_wait3A_1114 = arith.constant 32 : i32
          %dma_wait3A_1115 = arith.constant 0 : i32
          %dma_wait3A_1116 = tpu.memref_slice %dma_wait3A_1113[%dma_wait3A_1114, %dma_wait3A_1115] : memref<125x80xi32, #tpu.memory_space<hbm>> -> memref<32x80xi32, #tpu.memory_space<hbm>>
          %dma_wait3A_1117 = arith.constant 0 : i32
          %dma_wait3A_1118 = arith.constant 0 : i32
          %dma_wait3A_1119 = tpu.memref_slice %arg8[%dma_wait3A_1117, %dma_wait3A_1118] : memref<32x80xi32, #tpu.memory_space<vmem>> -> memref<32x80xi32, #tpu.memory_space<vmem>>
          %dma_wait3A_1120 = arith.constant 0 : i32
          %dma_wait3A_1121 = arith.constant 0 : i32
          %dma_wait3A_1122 = arith.constant 0 : i32
          %dma_wait3A_1123 = tpu.memref_slice %arg3[%scan3A_791, %dma_wait3A_1120, %dma_wait3A_1121, %dma_wait3A_1122] : memref<2x32x125x80xi32, #tpu.memory_space<hbm>> -> memref<1x32x125x80xi32, #tpu.memory_space<hbm>>
          %dma_wait3A_1124 = tpu.memref_squeeze %dma_wait3A_1123 : memref<1x32x125x80xi32, #tpu.memory_space<hbm>> -> memref<32x125x80xi32, #tpu.memory_space<hbm>>
          %dma_wait3A_1125 = arith.constant 0 : i32
          %dma_wait3A_1126 = arith.constant 0 : i32
          %dma_wait3A_1127 = tpu.memref_slice %dma_wait3A_1124[%add3A, %dma_wait3A_1125, %dma_wait3A_1126] : memref<32x125x80xi32, #tpu.memory_space<hbm>> -> memref<1x125x80xi32, #tpu.memory_space<hbm>>
          %dma_wait3A_1128 = tpu.memref_squeeze %dma_wait3A_1127 : memref<1x125x80xi32, #tpu.memory_space<hbm>> -> memref<125x80xi32, #tpu.memory_space<hbm>>
          %dma_wait3A_1129 = arith.constant 32 : i32
          %dma_wait3A_1130 = arith.constant 0 : i32
          %dma_wait3A_1131 = tpu.memref_slice %dma_wait3A_1128[%dma_wait3A_1129, %dma_wait3A_1130] : memref<125x80xi32, #tpu.memory_space<hbm>> -> memref<32x80xi32, #tpu.memory_space<hbm>>
          tpu.wait_dma2 semaphore(%run_scoped3A_1071 : memref<!tpu.dma_semaphore, #tpu.memory_space<semaphore_mem>>) src(%dma_wait3A_1131 : memref<32x80xi32, #tpu.memory_space<hbm>>) dst(%dma_wait3A_1119 : memref<32x80xi32, #tpu.memory_space<vmem>>)
          tpu.yield
        }) : () -> ()
      } else {
      }
      %eq3A_1032 = arith.constant 64 : i32
      %eq3A_1033 = arith.cmpi eq, %scan3A_1005, %eq3A_1032 : i32
      %convert_element_type3A_1034 = arith.extui %eq3A_1033 : i1 to i32
      %cond3A_1035 = arith.constant 0 : i32
      %cond3A_1036 = arith.cmpi ne, %convert_element_type3A_1034, %cond3A_1035 : i32
      scf.if %cond3A_1036 {
        "tpu.region"() ({
          %run_scoped3A_1071 = tpu.sem_alloc : memref<!tpu.dma_semaphore, #tpu.memory_space<semaphore_mem>>
          %dma_start3A_1072 = arith.constant 0 : i32
          %dma_start3A_1073 = arith.constant 0 : i32
          %dma_start3A_1074 = tpu.memref_slice %arg8[%dma_start3A_1072, %dma_start3A_1073] : memref<32x80xi32, #tpu.memory_space<vmem>> -> memref<32x80xi32, #tpu.memory_space<vmem>>
          %dma_start3A_1075 = arith.constant 0 : i32
          %dma_start3A_1076 = arith.constant 0 : i32
          %dma_start3A_1077 = arith.constant 0 : i32
          %dma_start3A_1078 = tpu.memref_slice %arg3[%scan3A_791, %dma_start3A_1075, %dma_start3A_1076, %dma_start3A_1077] : memref<2x32x125x80xi32, #tpu.memory_space<hbm>> -> memref<1x32x125x80xi32, #tpu.memory_space<hbm>>
          %dma_start3A_1079 = tpu.memref_squeeze %dma_start3A_1078 : memref<1x32x125x80xi32, #tpu.memory_space<hbm>> -> memref<32x125x80xi32, #tpu.memory_space<hbm>>
          %dma_start3A_1080 = arith.constant 0 : i32
          %dma_start3A_1081 = arith.constant 0 : i32
          %dma_start3A_1082 = tpu.memref_slice %dma_start3A_1079[%add3A, %dma_start3A_1080, %dma_start3A_1081] : memref<32x125x80xi32, #tpu.memory_space<hbm>> -> memref<1x125x80xi32, #tpu.memory_space<hbm>>
          %dma_start3A_1083 = tpu.memref_squeeze %dma_start3A_1082 : memref<1x125x80xi32, #tpu.memory_space<hbm>> -> memref<125x80xi32, #tpu.memory_space<hbm>>
          %dma_start3A_1084 = arith.constant 64 : i32
          %dma_start3A_1085 = arith.constant 0 : i32
          %dma_start3A_1086 = tpu.memref_slice %dma_start3A_1083[%dma_start3A_1084, %dma_start3A_1085] : memref<125x80xi32, #tpu.memory_space<hbm>> -> memref<32x80xi32, #tpu.memory_space<hbm>>
          %dma_start3A_1087 = arith.constant 0 : i32
          %dma_start3A_1088 = arith.constant 0 : i32
          %dma_start3A_1089 = tpu.memref_slice %arg8[%dma_start3A_1087, %dma_start3A_1088] : memref<32x80xi32, #tpu.memory_space<vmem>> -> memref<32x80xi32, #tpu.memory_space<vmem>>
          %dma_start3A_1090 = arith.constant 0 : i32
          %dma_start3A_1091 = arith.constant 0 : i32
          %dma_start3A_1092 = arith.constant 0 : i32
          %dma_start3A_1093 = tpu.memref_slice %arg3[%scan3A_791, %dma_start3A_1090, %dma_start3A_1091, %dma_start3A_1092] : memref<2x32x125x80xi32, #tpu.memory_space<hbm>> -> memref<1x32x125x80xi32, #tpu.memory_space<hbm>>
          %dma_start3A_1094 = tpu.memref_squeeze %dma_start3A_1093 : memref<1x32x125x80xi32, #tpu.memory_space<hbm>> -> memref<32x125x80xi32, #tpu.memory_space<hbm>>
          %dma_start3A_1095 = arith.constant 0 : i32
          %dma_start3A_1096 = arith.constant 0 : i32
          %dma_start3A_1097 = tpu.memref_slice %dma_start3A_1094[%add3A, %dma_start3A_1095, %dma_start3A_1096] : memref<32x125x80xi32, #tpu.memory_space<hbm>> -> memref<1x125x80xi32, #tpu.memory_space<hbm>>
          %dma_start3A_1098 = tpu.memref_squeeze %dma_start3A_1097 : memref<1x125x80xi32, #tpu.memory_space<hbm>> -> memref<125x80xi32, #tpu.memory_space<hbm>>
          %dma_start3A_1099 = arith.constant 64 : i32
          %dma_start3A_1100 = arith.constant 0 : i32
          %dma_start3A_1101 = tpu.memref_slice %dma_start3A_1098[%dma_start3A_1099, %dma_start3A_1100] : memref<125x80xi32, #tpu.memory_space<hbm>> -> memref<32x80xi32, #tpu.memory_space<hbm>>
          tpu.enqueue_dma source(%dma_start3A_1101 : memref<32x80xi32, #tpu.memory_space<hbm>>) target(%dma_start3A_1089 : memref<32x80xi32, #tpu.memory_space<vmem>>) target_semaphore(%run_scoped3A_1071 : memref<!tpu.dma_semaphore, #tpu.memory_space<semaphore_mem>>)
          %dma_wait3A_1102 = arith.constant 0 : i32
          %dma_wait3A_1103 = arith.constant 0 : i32
          %dma_wait3A_1104 = tpu.memref_slice %arg8[%dma_wait3A_1102, %dma_wait3A_1103] : memref<32x80xi32, #tpu.memory_space<vmem>> -> memref<32x80xi32, #tpu.memory_space<vmem>>
          %dma_wait3A_1105 = arith.constant 0 : i32
          %dma_wait3A_1106 = arith.constant 0 : i32
          %dma_wait3A_1107 = arith.constant 0 : i32
          %dma_wait3A_1108 = tpu.memref_slice %arg3[%scan3A_791, %dma_wait3A_1105, %dma_wait3A_1106, %dma_wait3A_1107] : memref<2x32x125x80xi32, #tpu.memory_space<hbm>> -> memref<1x32x125x80xi32, #tpu.memory_space<hbm>>
          %dma_wait3A_1109 = tpu.memref_squeeze %dma_wait3A_1108 : memref<1x32x125x80xi32, #tpu.memory_space<hbm>> -> memref<32x125x80xi32, #tpu.memory_space<hbm>>
          %dma_wait3A_1110 = arith.constant 0 : i32
          %dma_wait3A_1111 = arith.constant 0 : i32
          %dma_wait3A_1112 = tpu.memref_slice %dma_wait3A_1109[%add3A, %dma_wait3A_1110, %dma_wait3A_1111] : memref<32x125x80xi32, #tpu.memory_space<hbm>> -> memref<1x125x80xi32, #tpu.memory_space<hbm>>
          %dma_wait3A_1113 = tpu.memref_squeeze %dma_wait3A_1112 : memref<1x125x80xi32, #tpu.memory_space<hbm>> -> memref<125x80xi32, #tpu.memory_space<hbm>>
          %dma_wait3A_1114 = arith.constant 64 : i32
          %dma_wait3A_1115 = arith.constant 0 : i32
          %dma_wait3A_1116 = tpu.memref_slice %dma_wait3A_1113[%dma_wait3A_1114, %dma_wait3A_1115] : memref<125x80xi32, #tpu.memory_space<hbm>> -> memref<32x80xi32, #tpu.memory_space<hbm>>
          %dma_wait3A_1117 = arith.constant 0 : i32
          %dma_wait3A_1118 = arith.constant 0 : i32
          %dma_wait3A_1119 = tpu.memref_slice %arg8[%dma_wait3A_1117, %dma_wait3A_1118] : memref<32x80xi32, #tpu.memory_space<vmem>> -> memref<32x80xi32, #tpu.memory_space<vmem>>
          %dma_wait3A_1120 = arith.constant 0 : i32
          %dma_wait3A_1121 = arith.constant 0 : i32
          %dma_wait3A_1122 = arith.constant 0 : i32
          %dma_wait3A_1123 = tpu.memref_slice %arg3[%scan3A_791, %dma_wait3A_1120, %dma_wait3A_1121, %dma_wait3A_1122] : memref<2x32x125x80xi32, #tpu.memory_space<hbm>> -> memref<1x32x125x80xi32, #tpu.memory_space<hbm>>
          %dma_wait3A_1124 = tpu.memref_squeeze %dma_wait3A_1123 : memref<1x32x125x80xi32, #tpu.memory_space<hbm>> -> memref<32x125x80xi32, #tpu.memory_space<hbm>>
          %dma_wait3A_1125 = arith.constant 0 : i32
          %dma_wait3A_1126 = arith.constant 0 : i32
          %dma_wait3A_1127 = tpu.memref_slice %dma_wait3A_1124[%add3A, %dma_wait3A_1125, %dma_wait3A_1126] : memref<32x125x80xi32, #tpu.memory_space<hbm>> -> memref<1x125x80xi32, #tpu.memory_space<hbm>>
          %dma_wait3A_1128 = tpu.memref_squeeze %dma_wait3A_1127 : memref<1x125x80xi32, #tpu.memory_space<hbm>> -> memref<125x80xi32, #tpu.memory_space<hbm>>
          %dma_wait3A_1129 = arith.constant 64 : i32
          %dma_wait3A_1130 = arith.constant 0 : i32
          %dma_wait3A_1131 = tpu.memref_slice %dma_wait3A_1128[%dma_wait3A_1129, %dma_wait3A_1130] : memref<125x80xi32, #tpu.memory_space<hbm>> -> memref<32x80xi32, #tpu.memory_space<hbm>>
          tpu.wait_dma2 semaphore(%run_scoped3A_1071 : memref<!tpu.dma_semaphore, #tpu.memory_space<semaphore_mem>>) src(%dma_wait3A_1131 : memref<32x80xi32, #tpu.memory_space<hbm>>) dst(%dma_wait3A_1119 : memref<32x80xi32, #tpu.memory_space<vmem>>)
          tpu.yield
        }) : () -> ()
      } else {
      }
      %eq3A_1037 = arith.constant 96 : i32
      %eq3A_1038 = arith.cmpi eq, %scan3A_1005, %eq3A_1037 : i32
      %convert_element_type3A_1039 = arith.extui %eq3A_1038 : i1 to i32
      %cond3A_1040 = arith.constant 0 : i32
      %cond3A_1041 = arith.cmpi ne, %convert_element_type3A_1039, %cond3A_1040 : i32
      scf.if %cond3A_1041 {
        "tpu.region"() ({
          %run_scoped3A_1071 = tpu.sem_alloc : memref<!tpu.dma_semaphore, #tpu.memory_space<semaphore_mem>>
          %dma_start3A_1072 = arith.constant 0 : i32
          %dma_start3A_1073 = arith.constant 0 : i32
          %dma_start3A_1074 = tpu.memref_slice %arg8[%dma_start3A_1072, %dma_start3A_1073] : memref<32x80xi32, #tpu.memory_space<vmem>> -> memref<29x80xi32, #tpu.memory_space<vmem>>
          %dma_start3A_1075 = arith.constant 0 : i32
          %dma_start3A_1076 = arith.constant 0 : i32
          %dma_start3A_1077 = arith.constant 0 : i32
          %dma_start3A_1078 = tpu.memref_slice %arg3[%scan3A_791, %dma_start3A_1075, %dma_start3A_1076, %dma_start3A_1077] : memref<2x32x125x80xi32, #tpu.memory_space<hbm>> -> memref<1x32x125x80xi32, #tpu.memory_space<hbm>>
          %dma_start3A_1079 = tpu.memref_squeeze %dma_start3A_1078 : memref<1x32x125x80xi32, #tpu.memory_space<hbm>> -> memref<32x125x80xi32, #tpu.memory_space<hbm>>
          %dma_start3A_1080 = arith.constant 0 : i32
          %dma_start3A_1081 = arith.constant 0 : i32
          %dma_start3A_1082 = tpu.memref_slice %dma_start3A_1079[%add3A, %dma_start3A_1080, %dma_start3A_1081] : memref<32x125x80xi32, #tpu.memory_space<hbm>> -> memref<1x125x80xi32, #tpu.memory_space<hbm>>
          %dma_start3A_1083 = tpu.memref_squeeze %dma_start3A_1082 : memref<1x125x80xi32, #tpu.memory_space<hbm>> -> memref<125x80xi32, #tpu.memory_space<hbm>>
          %dma_start3A_1084 = arith.constant 96 : i32
          %dma_start3A_1085 = arith.constant 0 : i32
          %dma_start3A_1086 = tpu.memref_slice %dma_start3A_1083[%dma_start3A_1084, %dma_start3A_1085] : memref<125x80xi32, #tpu.memory_space<hbm>> -> memref<29x80xi32, #tpu.memory_space<hbm>>
          %dma_start3A_1087 = arith.constant 0 : i32
          %dma_start3A_1088 = arith.constant 0 : i32
          %dma_start3A_1089 = tpu.memref_slice %arg8[%dma_start3A_1087, %dma_start3A_1088] : memref<32x80xi32, #tpu.memory_space<vmem>> -> memref<29x80xi32, #tpu.memory_space<vmem>>
          %dma_start3A_1090 = arith.constant 0 : i32
          %dma_start3A_1091 = arith.constant 0 : i32
          %dma_start3A_1092 = arith.constant 0 : i32
          %dma_start3A_1093 = tpu.memref_slice %arg3[%scan3A_791, %dma_start3A_1090, %dma_start3A_1091, %dma_start3A_1092] : memref<2x32x125x80xi32, #tpu.memory_space<hbm>> -> memref<1x32x125x80xi32, #tpu.memory_space<hbm>>
          %dma_start3A_1094 = tpu.memref_squeeze %dma_start3A_1093 : memref<1x32x125x80xi32, #tpu.memory_space<hbm>> -> memref<32x125x80xi32, #tpu.memory_space<hbm>>
          %dma_start3A_1095 = arith.constant 0 : i32
          %dma_start3A_1096 = arith.constant 0 : i32
          %dma_start3A_1097 = tpu.memref_slice %dma_start3A_1094[%add3A, %dma_start3A_1095, %dma_start3A_1096] : memref<32x125x80xi32, #tpu.memory_space<hbm>> -> memref<1x125x80xi32, #tpu.memory_space<hbm>>
          %dma_start3A_1098 = tpu.memref_squeeze %dma_start3A_1097 : memref<1x125x80xi32, #tpu.memory_space<hbm>> -> memref<125x80xi32, #tpu.memory_space<hbm>>
          %dma_start3A_1099 = arith.constant 96 : i32
          %dma_start3A_1100 = arith.constant 0 : i32
          %dma_start3A_1101 = tpu.memref_slice %dma_start3A_1098[%dma_start3A_1099, %dma_start3A_1100] : memref<125x80xi32, #tpu.memory_space<hbm>> -> memref<29x80xi32, #tpu.memory_space<hbm>>
          tpu.enqueue_dma source(%dma_start3A_1101 : memref<29x80xi32, #tpu.memory_space<hbm>>) target(%dma_start3A_1089 : memref<29x80xi32, #tpu.memory_space<vmem>>) target_semaphore(%run_scoped3A_1071 : memref<!tpu.dma_semaphore, #tpu.memory_space<semaphore_mem>>)
          %dma_wait3A_1102 = arith.constant 0 : i32
          %dma_wait3A_1103 = arith.constant 0 : i32
          %dma_wait3A_1104 = tpu.memref_slice %arg8[%dma_wait3A_1102, %dma_wait3A_1103] : memref<32x80xi32, #tpu.memory_space<vmem>> -> memref<29x80xi32, #tpu.memory_space<vmem>>
          %dma_wait3A_1105 = arith.constant 0 : i32
          %dma_wait3A_1106 = arith.constant 0 : i32
          %dma_wait3A_1107 = arith.constant 0 : i32
          %dma_wait3A_1108 = tpu.memref_slice %arg3[%scan3A_791, %dma_wait3A_1105, %dma_wait3A_1106, %dma_wait3A_1107] : memref<2x32x125x80xi32, #tpu.memory_space<hbm>> -> memref<1x32x125x80xi32, #tpu.memory_space<hbm>>
          %dma_wait3A_1109 = tpu.memref_squeeze %dma_wait3A_1108 : memref<1x32x125x80xi32, #tpu.memory_space<hbm>> -> memref<32x125x80xi32, #tpu.memory_space<hbm>>
          %dma_wait3A_1110 = arith.constant 0 : i32
          %dma_wait3A_1111 = arith.constant 0 : i32
          %dma_wait3A_1112 = tpu.memref_slice %dma_wait3A_1109[%add3A, %dma_wait3A_1110, %dma_wait3A_1111] : memref<32x125x80xi32, #tpu.memory_space<hbm>> -> memref<1x125x80xi32, #tpu.memory_space<hbm>>
          %dma_wait3A_1113 = tpu.memref_squeeze %dma_wait3A_1112 : memref<1x125x80xi32, #tpu.memory_space<hbm>> -> memref<125x80xi32, #tpu.memory_space<hbm>>
          %dma_wait3A_1114 = arith.constant 96 : i32
          %dma_wait3A_1115 = arith.constant 0 : i32
          %dma_wait3A_1116 = tpu.memref_slice %dma_wait3A_1113[%dma_wait3A_1114, %dma_wait3A_1115] : memref<125x80xi32, #tpu.memory_space<hbm>> -> memref<29x80xi32, #tpu.memory_space<hbm>>
          %dma_wait3A_1117 = arith.constant 0 : i32
          %dma_wait3A_1118 = arith.constant 0 : i32
          %dma_wait3A_1119 = tpu.memref_slice %arg8[%dma_wait3A_1117, %dma_wait3A_1118] : memref<32x80xi32, #tpu.memory_space<vmem>> -> memref<29x80xi32, #tpu.memory_space<vmem>>
          %dma_wait3A_1120 = arith.constant 0 : i32
          %dma_wait3A_1121 = arith.constant 0 : i32
          %dma_wait3A_1122 = arith.constant 0 : i32
          %dma_wait3A_1123 = tpu.memref_slice %arg3[%scan3A_791, %dma_wait3A_1120, %dma_wait3A_1121, %dma_wait3A_1122] : memref<2x32x125x80xi32, #tpu.memory_space<hbm>> -> memref<1x32x125x80xi32, #tpu.memory_space<hbm>>
          %dma_wait3A_1124 = tpu.memref_squeeze %dma_wait3A_1123 : memref<1x32x125x80xi32, #tpu.memory_space<hbm>> -> memref<32x125x80xi32, #tpu.memory_space<hbm>>
          %dma_wait3A_1125 = arith.constant 0 : i32
          %dma_wait3A_1126 = arith.constant 0 : i32
          %dma_wait3A_1127 = tpu.memref_slice %dma_wait3A_1124[%add3A, %dma_wait3A_1125, %dma_wait3A_1126] : memref<32x125x80xi32, #tpu.memory_space<hbm>> -> memref<1x125x80xi32, #tpu.memory_space<hbm>>
          %dma_wait3A_1128 = tpu.memref_squeeze %dma_wait3A_1127 : memref<1x125x80xi32, #tpu.memory_space<hbm>> -> memref<125x80xi32, #tpu.memory_space<hbm>>
          %dma_wait3A_1129 = arith.constant 96 : i32
          %dma_wait3A_1130 = arith.constant 0 : i32
          %dma_wait3A_1131 = tpu.memref_slice %dma_wait3A_1128[%dma_wait3A_1129, %dma_wait3A_1130] : memref<125x80xi32, #tpu.memory_space<hbm>> -> memref<29x80xi32, #tpu.memory_space<hbm>>
          tpu.wait_dma2 semaphore(%run_scoped3A_1071 : memref<!tpu.dma_semaphore, #tpu.memory_space<semaphore_mem>>) src(%dma_wait3A_1131 : memref<29x80xi32, #tpu.memory_space<hbm>>) dst(%dma_wait3A_1119 : memref<29x80xi32, #tpu.memory_space<vmem>>)
          tpu.yield
        }) : () -> ()
      } else {
      }
      %add3A_1042 = arith.constant 2 : i32
      %add3A_1043 = arith.addi %scan3A_1005, %add3A_1042 : i32
      %lt3A = arith.constant 125 : i32
      %lt3A_1044 = arith.cmpi slt, %add3A_1043, %lt3A : i32
      %convert_element_type3A_1045 = arith.extui %lt3A_1044 : i1 to i32
      %cond3A_1046 = arith.constant 0 : i32
      %cond3A_1047 = arith.cmpi ne, %convert_element_type3A_1045, %cond3A_1046 : i32
      scf.if %cond3A_1047 {
        %add3A_1071 = arith.constant 2 : i32
        %add3A_1072 = arith.addi %scan3A_1005, %add3A_1071 : i32
        %add3A_1073 = arith.constant 2 : i32
        %add3A_1074 = arith.addi %scan3A_1005, %add3A_1073 : i32
        %rem3A_1075 = arith.constant 3 : i32
        %rem3A_1076 = arith.remsi %add3A_1074, %rem3A_1075 : i32
        %lt3A_1077 = arith.constant 63 : i32
        %lt3A_1078 = arith.cmpi slt, %add3A_1072, %lt3A_1077 : i32
        %sub3A = arith.constant 63 : i32
        %sub3A_1079 = arith.subi %add3A_1072, %sub3A : i32
        %select_n3A_1080 = arith.select %lt3A_1078, %add3A_1072, %sub3A_1079 : i32
        %dma_start3A_1081 = arith.constant 0 : i32
        %dma_start3A_1082 = arith.constant 0 : i32
        %dma_start3A_1083 = tpu.memref_slice %arg9[%rem3A_1076, %dma_start3A_1081, %dma_start3A_1082] : memref<3x80x128xf32, #tpu.memory_space<vmem>> -> memref<1x80x128xf32, #tpu.memory_space<vmem>>
        %dma_start3A_1084 = tpu.memref_squeeze %dma_start3A_1083 : memref<1x80x128xf32, #tpu.memory_space<vmem>> -> memref<80x128xf32, #tpu.memory_space<vmem>>
        %dma_start3A_1085 = arith.constant 0 : i32
        %dma_start3A_1086 = arith.constant 0 : i32
        %dma_start3A_1087 = tpu.memref_slice %dma_start3A_1084[%dma_start3A_1085, %dma_start3A_1086] : memref<80x128xf32, #tpu.memory_space<vmem>> -> memref<40x128xf32, #tpu.memory_space<vmem>>
        %dma_start3A_1088 = arith.constant 0 : i32
        %dma_start3A_1089 = tpu.memref_slice %arg7[%select_n3A_1080, %dma_start3A_1088] : memref<63x80xi32, #tpu.memory_space<vmem>> -> memref<1x80xi32, #tpu.memory_space<vmem>>
        %dma_start3A_1090 = tpu.memref_squeeze %dma_start3A_1089 : memref<1x80xi32, #tpu.memory_space<vmem>> -> memref<80xi32, #tpu.memory_space<vmem>>
        %dma_start3A_1091 = arith.constant 0 : i32
        %dma_start3A_1092 = tpu.memref_slice %dma_start3A_1090[%dma_start3A_1091] : memref<80xi32, #tpu.memory_space<vmem>> -> memref<40xi32, #tpu.memory_space<vmem>>
        %dma_start3A_1093 = arith.constant 0 : i32
        %dma_start3A_1094 = arith.constant 0 : i32
        %dma_start3A_1095 = tpu.memref_slice %arg2[%dma_start3A_1093, %dma_start3A_1094] : memref<10000x128xf32, #tpu.memory_space<hbm>> -> memref<10000x128xf32, #tpu.memory_space<hbm>>
        %dma_start3A_1096 = tpu.memref_slice %arg13[%rem3A_1076] : memref<3x!tpu.dma_semaphore, #tpu.memory_space<semaphore_mem>> -> memref<1x!tpu.dma_semaphore, #tpu.memory_space<semaphore_mem>>
        %dma_start3A_1097 = tpu.memref_squeeze %dma_start3A_1096 : memref<1x!tpu.dma_semaphore, #tpu.memory_space<semaphore_mem>> -> memref<!tpu.dma_semaphore, #tpu.memory_space<semaphore_mem>>
        tpu.enqueue_indirect_dma source(%dma_start3A_1095 : memref<10000x128xf32, #tpu.memory_space<hbm>>) target(%dma_start3A_1087 : memref<40x128xf32, #tpu.memory_space<vmem>>) offsets(%dma_start3A_1092 : memref<40xi32, #tpu.memory_space<vmem>>) semaphore(%dma_start3A_1097 : memref<!tpu.dma_semaphore, #tpu.memory_space<semaphore_mem>>)
        %dma_start3A_1098 = arith.constant 0 : i32
        %dma_start3A_1099 = arith.constant 0 : i32
        %dma_start3A_1100 = tpu.memref_slice %arg9[%rem3A_1076, %dma_start3A_1098, %dma_start3A_1099] : memref<3x80x128xf32, #tpu.memory_space<vmem>> -> memref<1x80x128xf32, #tpu.memory_space<vmem>>
        %dma_start3A_1101 = tpu.memref_squeeze %dma_start3A_1100 : memref<1x80x128xf32, #tpu.memory_space<vmem>> -> memref<80x128xf32, #tpu.memory_space<vmem>>
        %dma_start3A_1102 = arith.constant 40 : i32
        %dma_start3A_1103 = arith.constant 0 : i32
        %dma_start3A_1104 = tpu.memref_slice %dma_start3A_1101[%dma_start3A_1102, %dma_start3A_1103] : memref<80x128xf32, #tpu.memory_space<vmem>> -> memref<40x128xf32, #tpu.memory_space<vmem>>
        %dma_start3A_1105 = arith.constant 0 : i32
        %dma_start3A_1106 = tpu.memref_slice %arg7[%select_n3A_1080, %dma_start3A_1105] : memref<63x80xi32, #tpu.memory_space<vmem>> -> memref<1x80xi32, #tpu.memory_space<vmem>>
        %dma_start3A_1107 = tpu.memref_squeeze %dma_start3A_1106 : memref<1x80xi32, #tpu.memory_space<vmem>> -> memref<80xi32, #tpu.memory_space<vmem>>
        %dma_start3A_1108 = arith.constant 40 : i32
        %dma_start3A_1109 = tpu.memref_slice %dma_start3A_1107[%dma_start3A_1108] : memref<80xi32, #tpu.memory_space<vmem>> -> memref<40xi32, #tpu.memory_space<vmem>>
        %dma_start3A_1110 = arith.constant 0 : i32
        %dma_start3A_1111 = arith.constant 0 : i32
        %dma_start3A_1112 = tpu.memref_slice %arg2[%dma_start3A_1110, %dma_start3A_1111] : memref<10000x128xf32, #tpu.memory_space<hbm>> -> memref<10000x128xf32, #tpu.memory_space<hbm>>
        %dma_start3A_1113 = tpu.memref_slice %arg13[%rem3A_1076] : memref<3x!tpu.dma_semaphore, #tpu.memory_space<semaphore_mem>> -> memref<1x!tpu.dma_semaphore, #tpu.memory_space<semaphore_mem>>
        %dma_start3A_1114 = tpu.memref_squeeze %dma_start3A_1113 : memref<1x!tpu.dma_semaphore, #tpu.memory_space<semaphore_mem>> -> memref<!tpu.dma_semaphore, #tpu.memory_space<semaphore_mem>>
        tpu.enqueue_indirect_dma source(%dma_start3A_1112 : memref<10000x128xf32, #tpu.memory_space<hbm>>) target(%dma_start3A_1104 : memref<40x128xf32, #tpu.memory_space<vmem>>) offsets(%dma_start3A_1109 : memref<40xi32, #tpu.memory_space<vmem>>) semaphore(%dma_start3A_1114 : memref<!tpu.dma_semaphore, #tpu.memory_space<semaphore_mem>>)
      } else {
      }
      %rem3A_1048 = arith.constant 32 : i32
      %rem3A_1049 = arith.remsi %scan3A_1005, %rem3A_1048 : i32
      %dma_start3A_1050 = arith.constant 0 : i32
      %dma_start3A_1051 = arith.constant 0 : i32
      %dma_start3A_1052 = tpu.memref_slice %arg9[%rem3A_1007, %dma_start3A_1050, %dma_start3A_1051] : memref<3x80x128xf32, #tpu.memory_space<vmem>> -> memref<1x80x128xf32, #tpu.memory_space<vmem>>
      %dma_start3A_1053 = tpu.memref_squeeze %dma_start3A_1052 : memref<1x80x128xf32, #tpu.memory_space<vmem>> -> memref<80x128xf32, #tpu.memory_space<vmem>>
      %dma_start3A_1054 = arith.constant 0 : i32
      %dma_start3A_1055 = tpu.memref_slice %arg8[%rem3A_1049, %dma_start3A_1054] : memref<32x80xi32, #tpu.memory_space<vmem>> -> memref<1x80xi32, #tpu.memory_space<vmem>>
      %dma_start3A_1056 = tpu.memref_squeeze %dma_start3A_1055 : memref<1x80xi32, #tpu.memory_space<vmem>> -> memref<80xi32, #tpu.memory_space<vmem>>
      %dma_start3A_1057 = arith.constant 0 : i32
      %dma_start3A_1058 = arith.constant 0 : i32
      %dma_start3A_1059 = tpu.memref_slice %arg11[%dma_start3A_1057, %dma_start3A_1058] : memref<10000x128xf32, #tpu.memory_space<vmem_shared>> -> memref<10000x128xf32, #tpu.memory_space<vmem_shared>>
      %dma_start3A_1060 = tpu.memref_slice %arg14[%rem3A_1007] : memref<3x!tpu.dma_semaphore, #tpu.memory_space<semaphore_mem>> -> memref<1x!tpu.dma_semaphore, #tpu.memory_space<semaphore_mem>>
      %dma_start3A_1061 = tpu.memref_squeeze %dma_start3A_1060 : memref<1x!tpu.dma_semaphore, #tpu.memory_space<semaphore_mem>> -> memref<!tpu.dma_semaphore, #tpu.memory_space<semaphore_mem>>
      tpu.enqueue_indirect_dma source(%dma_start3A_1053 : memref<80x128xf32, #tpu.memory_space<vmem>>) target(%dma_start3A_1059 : memref<10000x128xf32, #tpu.memory_space<vmem_shared>>) offsets(%dma_start3A_1056 : memref<80xi32, #tpu.memory_space<vmem>>) semaphore(%dma_start3A_1061 : memref<!tpu.dma_semaphore, #tpu.memory_space<semaphore_mem>>) {add = true}
      %dma_start3A_1062 = arith.constant 0 : i32
      %dma_start3A_1063 = tpu.memref_slice %arg8[%rem3A_1049, %dma_start3A_1062] : memref<32x80xi32, #tpu.memory_space<vmem>> -> memref<1x80xi32, #tpu.memory_space<vmem>>
      %dma_start3A_1064 = tpu.memref_squeeze %dma_start3A_1063 : memref<1x80xi32, #tpu.memory_space<vmem>> -> memref<80xi32, #tpu.memory_space<vmem>>
      %dma_start3A_1065 = arith.constant 0 : i32
      %dma_start3A_1066 = arith.constant 0 : i32
      %dma_start3A_1067 = tpu.memref_slice %arg12[%dma_start3A_1065, %dma_start3A_1066] : memref<10000x16xf32, #tpu.memory_space<vmem_shared>> -> memref<10000x16xf32, #tpu.memory_space<vmem_shared>>
      %dma_start3A_1068 = tpu.memref_slice %arg15[%rem3A_1007] : memref<3x!tpu.dma_semaphore, #tpu.memory_space<semaphore_mem>> -> memref<1x!tpu.dma_semaphore, #tpu.memory_space<semaphore_mem>>
      %dma_start3A_1069 = tpu.memref_squeeze %dma_start3A_1068 : memref<1x!tpu.dma_semaphore, #tpu.memory_space<semaphore_mem>> -> memref<!tpu.dma_semaphore, #tpu.memory_space<semaphore_mem>>
      tpu.enqueue_indirect_dma source(%arg10 : memref<80x16xf32, #tpu.memory_space<vmem>>) target(%dma_start3A_1067 : memref<10000x16xf32, #tpu.memory_space<vmem_shared>>) offsets(%dma_start3A_1064 : memref<80xi32, #tpu.memory_space<vmem>>) semaphore(%dma_start3A_1069 : memref<!tpu.dma_semaphore, #tpu.memory_space<semaphore_mem>>) {add = true}
      %scan3A_1070 = arith.constant 0 : i32
      scf.yield %scan3A_1070 : i32
    }
    %scan3A_798 = arith.constant 125 : i32
    %dma_wait3A_799 = arith.constant 1 : i32
    %dma_wait3A_800 = arith.constant 0 : i32
    %dma_wait3A_801 = arith.constant 1 : i32
    %dma_wait3A_802 = arith.constant 0 : i32
    %dma_wait3A_803 = arith.constant 0 : i32
    %dma_wait3A_804 = tpu.memref_slice %arg9[%dma_wait3A_799, %dma_wait3A_802, %dma_wait3A_803] : memref<3x80x128xf32, #tpu.memory_space<vmem>> -> memref<1x80x128xf32, #tpu.memory_space<vmem>>
    %dma_wait3A_805 = tpu.memref_squeeze %dma_wait3A_804 : memref<1x80x128xf32, #tpu.memory_space<vmem>> -> memref<80x128xf32, #tpu.memory_space<vmem>>
    %dma_wait3A_806 = arith.constant 0 : i32
    %dma_wait3A_807 = tpu.memref_slice %arg8[%dma_wait3A_800, %dma_wait3A_806] : memref<32x80xi32, #tpu.memory_space<vmem>> -> memref<1x80xi32, #tpu.memory_space<vmem>>
    %dma_wait3A_808 = tpu.memref_squeeze %dma_wait3A_807 : memref<1x80xi32, #tpu.memory_space<vmem>> -> memref<80xi32, #tpu.memory_space<vmem>>
    %dma_wait3A_809 = arith.constant 0 : i32
    %dma_wait3A_810 = arith.constant 0 : i32
    %dma_wait3A_811 = tpu.memref_slice %arg11[%dma_wait3A_809, %dma_wait3A_810] : memref<10000x128xf32, #tpu.memory_space<vmem_shared>> -> memref<10000x128xf32, #tpu.memory_space<vmem_shared>>
    %dma_wait3A_812 = tpu.memref_slice %arg14[%dma_wait3A_801] : memref<3x!tpu.dma_semaphore, #tpu.memory_space<semaphore_mem>> -> memref<1x!tpu.dma_semaphore, #tpu.memory_space<semaphore_mem>>
    %dma_wait3A_813 = tpu.memref_squeeze %dma_wait3A_812 : memref<1x!tpu.dma_semaphore, #tpu.memory_space<semaphore_mem>> -> memref<!tpu.dma_semaphore, #tpu.memory_space<semaphore_mem>>
    tpu.wait_indirect_dma semaphore(%dma_wait3A_813 : memref<!tpu.dma_semaphore, #tpu.memory_space<semaphore_mem>>) src(%dma_wait3A_805 : memref<80x128xf32, #tpu.memory_space<vmem>>) dst(%dma_wait3A_811 : memref<10000x128xf32, #tpu.memory_space<vmem_shared>>)
    %dma_wait3A_814 = arith.constant 0 : i32
    %dma_wait3A_815 = arith.constant 1 : i32
    %dma_wait3A_816 = arith.constant 0 : i32
    %dma_wait3A_817 = tpu.memref_slice %arg8[%dma_wait3A_814, %dma_wait3A_816] : memref<32x80xi32, #tpu.memory_space<vmem>> -> memref<1x80xi32, #tpu.memory_space<vmem>>
    %dma_wait3A_818 = tpu.memref_squeeze %dma_wait3A_817 : memref<1x80xi32, #tpu.memory_space<vmem>> -> memref<80xi32, #tpu.memory_space<vmem>>
    %dma_wait3A_819 = arith.constant 0 : i32
    %dma_wait3A_820 = arith.constant 0 : i32
    %dma_wait3A_821 = tpu.memref_slice %arg12[%dma_wait3A_819, %dma_wait3A_820] : memref<10000x16xf32, #tpu.memory_space<vmem_shared>> -> memref<10000x16xf32, #tpu.memory_space<vmem_shared>>
    %dma_wait3A_822 = tpu.memref_slice %arg15[%dma_wait3A_815] : memref<3x!tpu.dma_semaphore, #tpu.memory_space<semaphore_mem>> -> memref<1x!tpu.dma_semaphore, #tpu.memory_space<semaphore_mem>>
    %dma_wait3A_823 = tpu.memref_squeeze %dma_wait3A_822 : memref<1x!tpu.dma_semaphore, #tpu.memory_space<semaphore_mem>> -> memref<!tpu.dma_semaphore, #tpu.memory_space<semaphore_mem>>
    tpu.wait_indirect_dma semaphore(%dma_wait3A_823 : memref<!tpu.dma_semaphore, #tpu.memory_space<semaphore_mem>>) src(%arg10 : memref<80x16xf32, #tpu.memory_space<vmem>>) dst(%dma_wait3A_821 : memref<10000x16xf32, #tpu.memory_space<vmem_shared>>)
    %barrier3A_824 = arith.constant 0 : index
    tpu.barrier barrier_id(%barrier3A_824)
    %mul3A_825 = arith.constant 625 : i32
    %mul3A_826 = arith.muli %arg1, %mul3A_825 : i32
    %add3A_827 = arith.constant 0 : i32
    %add3A_828 = arith.addi %mul3A_826, %add3A_827 : i32
    %dma_start3A_829 = arith.constant 0 : i32
    %dma_start3A_830 = tpu.memref_slice %arg13[%dma_start3A_829] : memref<3x!tpu.dma_semaphore, #tpu.memory_space<semaphore_mem>> -> memref<1x!tpu.dma_semaphore, #tpu.memory_space<semaphore_mem>>
    %dma_start3A_831 = tpu.memref_squeeze %dma_start3A_830 : memref<1x!tpu.dma_semaphore, #tpu.memory_space<semaphore_mem>> -> memref<!tpu.dma_semaphore, #tpu.memory_space<semaphore_mem>>
    %dma_start3A_832 = arith.constant 0 : i32
    %dma_start3A_833 = arith.constant 0 : i32
    %dma_start3A_834 = tpu.memref_slice %arg5[%arg0, %dma_start3A_832, %dma_start3A_833] : memref<2x10000x128xf32, #tpu.memory_space<hbm>> -> memref<1x10000x128xf32, #tpu.memory_space<hbm>>
    %dma_start3A_835 = tpu.memref_squeeze %dma_start3A_834 : memref<1x10000x128xf32, #tpu.memory_space<hbm>> -> memref<10000x128xf32, #tpu.memory_space<hbm>>
    %dma_start3A_836 = arith.constant 0 : i32
    %dma_start3A_837 = tpu.memref_slice %dma_start3A_835[%add3A_828, %dma_start3A_836] : memref<10000x128xf32, #tpu.memory_space<hbm>> -> memref<125x128xf32, #tpu.memory_space<hbm>>
    %dma_start3A_838 = arith.constant 0 : i32
    %dma_start3A_839 = tpu.memref_slice %arg11[%add3A_828, %dma_start3A_838] : memref<10000x128xf32, #tpu.memory_space<vmem_shared>> -> memref<125x128xf32, #tpu.memory_space<vmem_shared>>
    tpu.enqueue_dma source(%dma_start3A_839 : memref<125x128xf32, #tpu.memory_space<vmem_shared>>) target(%dma_start3A_837 : memref<125x128xf32, #tpu.memory_space<hbm>>) target_semaphore(%dma_start3A_831 : memref<!tpu.dma_semaphore, #tpu.memory_space<semaphore_mem>>)
    %mul3A_840 = arith.constant 625 : i32
    %mul3A_841 = arith.muli %arg1, %mul3A_840 : i32
    %add3A_842 = arith.constant 125 : i32
    %add3A_843 = arith.addi %mul3A_841, %add3A_842 : i32
    %dma_start3A_844 = arith.constant 0 : i32
    %dma_start3A_845 = tpu.memref_slice %arg13[%dma_start3A_844] : memref<3x!tpu.dma_semaphore, #tpu.memory_space<semaphore_mem>> -> memref<1x!tpu.dma_semaphore, #tpu.memory_space<semaphore_mem>>
    %dma_start3A_846 = tpu.memref_squeeze %dma_start3A_845 : memref<1x!tpu.dma_semaphore, #tpu.memory_space<semaphore_mem>> -> memref<!tpu.dma_semaphore, #tpu.memory_space<semaphore_mem>>
    %dma_start3A_847 = arith.constant 0 : i32
    %dma_start3A_848 = arith.constant 0 : i32
    %dma_start3A_849 = tpu.memref_slice %arg5[%arg0, %dma_start3A_847, %dma_start3A_848] : memref<2x10000x128xf32, #tpu.memory_space<hbm>> -> memref<1x10000x128xf32, #tpu.memory_space<hbm>>
    %dma_start3A_850 = tpu.memref_squeeze %dma_start3A_849 : memref<1x10000x128xf32, #tpu.memory_space<hbm>> -> memref<10000x128xf32, #tpu.memory_space<hbm>>
    %dma_start3A_851 = arith.constant 0 : i32
    %dma_start3A_852 = tpu.memref_slice %dma_start3A_850[%add3A_843, %dma_start3A_851] : memref<10000x128xf32, #tpu.memory_space<hbm>> -> memref<125x128xf32, #tpu.memory_space<hbm>>
    %dma_start3A_853 = arith.constant 0 : i32
    %dma_start3A_854 = tpu.memref_slice %arg11[%add3A_843, %dma_start3A_853] : memref<10000x128xf32, #tpu.memory_space<vmem_shared>> -> memref<125x128xf32, #tpu.memory_space<vmem_shared>>
    tpu.enqueue_dma source(%dma_start3A_854 : memref<125x128xf32, #tpu.memory_space<vmem_shared>>) target(%dma_start3A_852 : memref<125x128xf32, #tpu.memory_space<hbm>>) target_semaphore(%dma_start3A_846 : memref<!tpu.dma_semaphore, #tpu.memory_space<semaphore_mem>>)
    %mul3A_855 = arith.constant 625 : i32
    %mul3A_856 = arith.muli %arg1, %mul3A_855 : i32
    %add3A_857 = arith.constant 250 : i32
    %add3A_858 = arith.addi %mul3A_856, %add3A_857 : i32
    %dma_start3A_859 = arith.constant 0 : i32
    %dma_start3A_860 = tpu.memref_slice %arg13[%dma_start3A_859] : memref<3x!tpu.dma_semaphore, #tpu.memory_space<semaphore_mem>> -> memref<1x!tpu.dma_semaphore, #tpu.memory_space<semaphore_mem>>
    %dma_start3A_861 = tpu.memref_squeeze %dma_start3A_860 : memref<1x!tpu.dma_semaphore, #tpu.memory_space<semaphore_mem>> -> memref<!tpu.dma_semaphore, #tpu.memory_space<semaphore_mem>>
    %dma_start3A_862 = arith.constant 0 : i32
    %dma_start3A_863 = arith.constant 0 : i32
    %dma_start3A_864 = tpu.memref_slice %arg5[%arg0, %dma_start3A_862, %dma_start3A_863] : memref<2x10000x128xf32, #tpu.memory_space<hbm>> -> memref<1x10000x128xf32, #tpu.memory_space<hbm>>
    %dma_start3A_865 = tpu.memref_squeeze %dma_start3A_864 : memref<1x10000x128xf32, #tpu.memory_space<hbm>> -> memref<10000x128xf32, #tpu.memory_space<hbm>>
    %dma_start3A_866 = arith.constant 0 : i32
    %dma_start3A_867 = tpu.memref_slice %dma_start3A_865[%add3A_858, %dma_start3A_866] : memref<10000x128xf32, #tpu.memory_space<hbm>> -> memref<125x128xf32, #tpu.memory_space<hbm>>
    %dma_start3A_868 = arith.constant 0 : i32
    %dma_start3A_869 = tpu.memref_slice %arg11[%add3A_858, %dma_start3A_868] : memref<10000x128xf32, #tpu.memory_space<vmem_shared>> -> memref<125x128xf32, #tpu.memory_space<vmem_shared>>
    tpu.enqueue_dma source(%dma_start3A_869 : memref<125x128xf32, #tpu.memory_space<vmem_shared>>) target(%dma_start3A_867 : memref<125x128xf32, #tpu.memory_space<hbm>>) target_semaphore(%dma_start3A_861 : memref<!tpu.dma_semaphore, #tpu.memory_space<semaphore_mem>>)
    %mul3A_870 = arith.constant 625 : i32
    %mul3A_871 = arith.muli %arg1, %mul3A_870 : i32
    %add3A_872 = arith.constant 375 : i32
    %add3A_873 = arith.addi %mul3A_871, %add3A_872 : i32
    %dma_start3A_874 = arith.constant 0 : i32
    %dma_start3A_875 = tpu.memref_slice %arg13[%dma_start3A_874] : memref<3x!tpu.dma_semaphore, #tpu.memory_space<semaphore_mem>> -> memref<1x!tpu.dma_semaphore, #tpu.memory_space<semaphore_mem>>
    %dma_start3A_876 = tpu.memref_squeeze %dma_start3A_875 : memref<1x!tpu.dma_semaphore, #tpu.memory_space<semaphore_mem>> -> memref<!tpu.dma_semaphore, #tpu.memory_space<semaphore_mem>>
    %dma_start3A_877 = arith.constant 0 : i32
    %dma_start3A_878 = arith.constant 0 : i32
    %dma_start3A_879 = tpu.memref_slice %arg5[%arg0, %dma_start3A_877, %dma_start3A_878] : memref<2x10000x128xf32, #tpu.memory_space<hbm>> -> memref<1x10000x128xf32, #tpu.memory_space<hbm>>
    %dma_start3A_880 = tpu.memref_squeeze %dma_start3A_879 : memref<1x10000x128xf32, #tpu.memory_space<hbm>> -> memref<10000x128xf32, #tpu.memory_space<hbm>>
    %dma_start3A_881 = arith.constant 0 : i32
    %dma_start3A_882 = tpu.memref_slice %dma_start3A_880[%add3A_873, %dma_start3A_881] : memref<10000x128xf32, #tpu.memory_space<hbm>> -> memref<125x128xf32, #tpu.memory_space<hbm>>
    %dma_start3A_883 = arith.constant 0 : i32
    %dma_start3A_884 = tpu.memref_slice %arg11[%add3A_873, %dma_start3A_883] : memref<10000x128xf32, #tpu.memory_space<vmem_shared>> -> memref<125x128xf32, #tpu.memory_space<vmem_shared>>
    tpu.enqueue_dma source(%dma_start3A_884 : memref<125x128xf32, #tpu.memory_space<vmem_shared>>) target(%dma_start3A_882 : memref<125x128xf32, #tpu.memory_space<hbm>>) target_semaphore(%dma_start3A_876 : memref<!tpu.dma_semaphore, #tpu.memory_space<semaphore_mem>>)
    %mul3A_885 = arith.constant 625 : i32
    %mul3A_886 = arith.muli %arg1, %mul3A_885 : i32
    %add3A_887 = arith.constant 500 : i32
    %add3A_888 = arith.addi %mul3A_886, %add3A_887 : i32
    %dma_start3A_889 = arith.constant 0 : i32
    %dma_start3A_890 = tpu.memref_slice %arg13[%dma_start3A_889] : memref<3x!tpu.dma_semaphore, #tpu.memory_space<semaphore_mem>> -> memref<1x!tpu.dma_semaphore, #tpu.memory_space<semaphore_mem>>
    %dma_start3A_891 = tpu.memref_squeeze %dma_start3A_890 : memref<1x!tpu.dma_semaphore, #tpu.memory_space<semaphore_mem>> -> memref<!tpu.dma_semaphore, #tpu.memory_space<semaphore_mem>>
    %dma_start3A_892 = arith.constant 0 : i32
    %dma_start3A_893 = arith.constant 0 : i32
    %dma_start3A_894 = tpu.memref_slice %arg5[%arg0, %dma_start3A_892, %dma_start3A_893] : memref<2x10000x128xf32, #tpu.memory_space<hbm>> -> memref<1x10000x128xf32, #tpu.memory_space<hbm>>
    %dma_start3A_895 = tpu.memref_squeeze %dma_start3A_894 : memref<1x10000x128xf32, #tpu.memory_space<hbm>> -> memref<10000x128xf32, #tpu.memory_space<hbm>>
    %dma_start3A_896 = arith.constant 0 : i32
    %dma_start3A_897 = tpu.memref_slice %dma_start3A_895[%add3A_888, %dma_start3A_896] : memref<10000x128xf32, #tpu.memory_space<hbm>> -> memref<125x128xf32, #tpu.memory_space<hbm>>
    %dma_start3A_898 = arith.constant 0 : i32
    %dma_start3A_899 = tpu.memref_slice %arg11[%add3A_888, %dma_start3A_898] : memref<10000x128xf32, #tpu.memory_space<vmem_shared>> -> memref<125x128xf32, #tpu.memory_space<vmem_shared>>
    tpu.enqueue_dma source(%dma_start3A_899 : memref<125x128xf32, #tpu.memory_space<vmem_shared>>) target(%dma_start3A_897 : memref<125x128xf32, #tpu.memory_space<hbm>>) target_semaphore(%dma_start3A_891 : memref<!tpu.dma_semaphore, #tpu.memory_space<semaphore_mem>>)
    %mul3A_900 = arith.constant 625 : i32
    %mul3A_901 = arith.muli %arg1, %mul3A_900 : i32
    %mul3A_902 = arith.constant 625 : i32
    %mul3A_903 = arith.muli %arg1, %mul3A_902 : i32
    %dma_start3A_904 = arith.constant 1 : i32
    %dma_start3A_905 = tpu.memref_slice %arg13[%dma_start3A_904] : memref<3x!tpu.dma_semaphore, #tpu.memory_space<semaphore_mem>> -> memref<1x!tpu.dma_semaphore, #tpu.memory_space<semaphore_mem>>
    %dma_start3A_906 = tpu.memref_squeeze %dma_start3A_905 : memref<1x!tpu.dma_semaphore, #tpu.memory_space<semaphore_mem>> -> memref<!tpu.dma_semaphore, #tpu.memory_space<semaphore_mem>>
    %dma_start3A_907 = arith.constant 0 : i32
    %dma_start3A_908 = arith.constant 0 : i32
    %dma_start3A_909 = tpu.memref_slice %arg6[%arg0, %dma_start3A_907, %dma_start3A_908] : memref<2x10000x16xf32, #tpu.memory_space<hbm>> -> memref<1x10000x16xf32, #tpu.memory_space<hbm>>
    %dma_start3A_910 = tpu.memref_squeeze %dma_start3A_909 : memref<1x10000x16xf32, #tpu.memory_space<hbm>> -> memref<10000x16xf32, #tpu.memory_space<hbm>>
    %dma_start3A_911 = arith.constant 0 : i32
    %dma_start3A_912 = tpu.memref_slice %dma_start3A_910[%mul3A_903, %dma_start3A_911] : memref<10000x16xf32, #tpu.memory_space<hbm>> -> memref<625x16xf32, #tpu.memory_space<hbm>>
    %dma_start3A_913 = arith.constant 0 : i32
    %dma_start3A_914 = tpu.memref_slice %arg12[%mul3A_901, %dma_start3A_913] : memref<10000x16xf32, #tpu.memory_space<vmem_shared>> -> memref<625x16xf32, #tpu.memory_space<vmem_shared>>
    tpu.enqueue_dma source(%dma_start3A_914 : memref<625x16xf32, #tpu.memory_space<vmem_shared>>) target(%dma_start3A_912 : memref<625x16xf32, #tpu.memory_space<hbm>>) target_semaphore(%dma_start3A_906 : memref<!tpu.dma_semaphore, #tpu.memory_space<semaphore_mem>>)
    %mul3A_915 = arith.constant 625 : i32
    %mul3A_916 = arith.muli %arg1, %mul3A_915 : i32
    %add3A_917 = arith.constant 0 : i32
    %add3A_918 = arith.addi %mul3A_916, %add3A_917 : i32
    %dma_wait3A_919 = arith.constant 0 : i32
    %dma_wait3A_920 = tpu.memref_slice %arg13[%dma_wait3A_919] : memref<3x!tpu.dma_semaphore, #tpu.memory_space<semaphore_mem>> -> memref<1x!tpu.dma_semaphore, #tpu.memory_space<semaphore_mem>>
    %dma_wait3A_921 = tpu.memref_squeeze %dma_wait3A_920 : memref<1x!tpu.dma_semaphore, #tpu.memory_space<semaphore_mem>> -> memref<!tpu.dma_semaphore, #tpu.memory_space<semaphore_mem>>
    %dma_wait3A_922 = arith.constant 0 : i32
    %dma_wait3A_923 = arith.constant 0 : i32
    %dma_wait3A_924 = tpu.memref_slice %arg5[%arg0, %dma_wait3A_922, %dma_wait3A_923] : memref<2x10000x128xf32, #tpu.memory_space<hbm>> -> memref<1x10000x128xf32, #tpu.memory_space<hbm>>
    %dma_wait3A_925 = tpu.memref_squeeze %dma_wait3A_924 : memref<1x10000x128xf32, #tpu.memory_space<hbm>> -> memref<10000x128xf32, #tpu.memory_space<hbm>>
    %dma_wait3A_926 = arith.constant 0 : i32
    %dma_wait3A_927 = tpu.memref_slice %dma_wait3A_925[%add3A_918, %dma_wait3A_926] : memref<10000x128xf32, #tpu.memory_space<hbm>> -> memref<125x128xf32, #tpu.memory_space<hbm>>
    %dma_wait3A_928 = arith.constant 0 : i32
    %dma_wait3A_929 = tpu.memref_slice %arg11[%add3A_918, %dma_wait3A_928] : memref<10000x128xf32, #tpu.memory_space<vmem_shared>> -> memref<125x128xf32, #tpu.memory_space<vmem_shared>>
    tpu.wait_dma2 semaphore(%dma_wait3A_921 : memref<!tpu.dma_semaphore, #tpu.memory_space<semaphore_mem>>) src(%dma_wait3A_929 : memref<125x128xf32, #tpu.memory_space<vmem_shared>>) dst(%dma_wait3A_927 : memref<125x128xf32, #tpu.memory_space<hbm>>)
    %mul3A_930 = arith.constant 625 : i32
    %mul3A_931 = arith.muli %arg1, %mul3A_930 : i32
    %add3A_932 = arith.constant 125 : i32
    %add3A_933 = arith.addi %mul3A_931, %add3A_932 : i32
    %dma_wait3A_934 = arith.constant 0 : i32
    %dma_wait3A_935 = tpu.memref_slice %arg13[%dma_wait3A_934] : memref<3x!tpu.dma_semaphore, #tpu.memory_space<semaphore_mem>> -> memref<1x!tpu.dma_semaphore, #tpu.memory_space<semaphore_mem>>
    %dma_wait3A_936 = tpu.memref_squeeze %dma_wait3A_935 : memref<1x!tpu.dma_semaphore, #tpu.memory_space<semaphore_mem>> -> memref<!tpu.dma_semaphore, #tpu.memory_space<semaphore_mem>>
    %dma_wait3A_937 = arith.constant 0 : i32
    %dma_wait3A_938 = arith.constant 0 : i32
    %dma_wait3A_939 = tpu.memref_slice %arg5[%arg0, %dma_wait3A_937, %dma_wait3A_938] : memref<2x10000x128xf32, #tpu.memory_space<hbm>> -> memref<1x10000x128xf32, #tpu.memory_space<hbm>>
    %dma_wait3A_940 = tpu.memref_squeeze %dma_wait3A_939 : memref<1x10000x128xf32, #tpu.memory_space<hbm>> -> memref<10000x128xf32, #tpu.memory_space<hbm>>
    %dma_wait3A_941 = arith.constant 0 : i32
    %dma_wait3A_942 = tpu.memref_slice %dma_wait3A_940[%add3A_933, %dma_wait3A_941] : memref<10000x128xf32, #tpu.memory_space<hbm>> -> memref<125x128xf32, #tpu.memory_space<hbm>>
    %dma_wait3A_943 = arith.constant 0 : i32
    %dma_wait3A_944 = tpu.memref_slice %arg11[%add3A_933, %dma_wait3A_943] : memref<10000x128xf32, #tpu.memory_space<vmem_shared>> -> memref<125x128xf32, #tpu.memory_space<vmem_shared>>
    tpu.wait_dma2 semaphore(%dma_wait3A_936 : memref<!tpu.dma_semaphore, #tpu.memory_space<semaphore_mem>>) src(%dma_wait3A_944 : memref<125x128xf32, #tpu.memory_space<vmem_shared>>) dst(%dma_wait3A_942 : memref<125x128xf32, #tpu.memory_space<hbm>>)
    %mul3A_945 = arith.constant 625 : i32
    %mul3A_946 = arith.muli %arg1, %mul3A_945 : i32
    %add3A_947 = arith.constant 250 : i32
    %add3A_948 = arith.addi %mul3A_946, %add3A_947 : i32
    %dma_wait3A_949 = arith.constant 0 : i32
    %dma_wait3A_950 = tpu.memref_slice %arg13[%dma_wait3A_949] : memref<3x!tpu.dma_semaphore, #tpu.memory_space<semaphore_mem>> -> memref<1x!tpu.dma_semaphore, #tpu.memory_space<semaphore_mem>>
    %dma_wait3A_951 = tpu.memref_squeeze %dma_wait3A_950 : memref<1x!tpu.dma_semaphore, #tpu.memory_space<semaphore_mem>> -> memref<!tpu.dma_semaphore, #tpu.memory_space<semaphore_mem>>
    %dma_wait3A_952 = arith.constant 0 : i32
    %dma_wait3A_953 = arith.constant 0 : i32
    %dma_wait3A_954 = tpu.memref_slice %arg5[%arg0, %dma_wait3A_952, %dma_wait3A_953] : memref<2x10000x128xf32, #tpu.memory_space<hbm>> -> memref<1x10000x128xf32, #tpu.memory_space<hbm>>
    %dma_wait3A_955 = tpu.memref_squeeze %dma_wait3A_954 : memref<1x10000x128xf32, #tpu.memory_space<hbm>> -> memref<10000x128xf32, #tpu.memory_space<hbm>>
    %dma_wait3A_956 = arith.constant 0 : i32
    %dma_wait3A_957 = tpu.memref_slice %dma_wait3A_955[%add3A_948, %dma_wait3A_956] : memref<10000x128xf32, #tpu.memory_space<hbm>> -> memref<125x128xf32, #tpu.memory_space<hbm>>
    %dma_wait3A_958 = arith.constant 0 : i32
    %dma_wait3A_959 = tpu.memref_slice %arg11[%add3A_948, %dma_wait3A_958] : memref<10000x128xf32, #tpu.memory_space<vmem_shared>> -> memref<125x128xf32, #tpu.memory_space<vmem_shared>>
    tpu.wait_dma2 semaphore(%dma_wait3A_951 : memref<!tpu.dma_semaphore, #tpu.memory_space<semaphore_mem>>) src(%dma_wait3A_959 : memref<125x128xf32, #tpu.memory_space<vmem_shared>>) dst(%dma_wait3A_957 : memref<125x128xf32, #tpu.memory_space<hbm>>)
    %mul3A_960 = arith.constant 625 : i32
    %mul3A_961 = arith.muli %arg1, %mul3A_960 : i32
    %add3A_962 = arith.constant 375 : i32
    %add3A_963 = arith.addi %mul3A_961, %add3A_962 : i32
    %dma_wait3A_964 = arith.constant 0 : i32
    %dma_wait3A_965 = tpu.memref_slice %arg13[%dma_wait3A_964] : memref<3x!tpu.dma_semaphore, #tpu.memory_space<semaphore_mem>> -> memref<1x!tpu.dma_semaphore, #tpu.memory_space<semaphore_mem>>
    %dma_wait3A_966 = tpu.memref_squeeze %dma_wait3A_965 : memref<1x!tpu.dma_semaphore, #tpu.memory_space<semaphore_mem>> -> memref<!tpu.dma_semaphore, #tpu.memory_space<semaphore_mem>>
    %dma_wait3A_967 = arith.constant 0 : i32
    %dma_wait3A_968 = arith.constant 0 : i32
    %dma_wait3A_969 = tpu.memref_slice %arg5[%arg0, %dma_wait3A_967, %dma_wait3A_968] : memref<2x10000x128xf32, #tpu.memory_space<hbm>> -> memref<1x10000x128xf32, #tpu.memory_space<hbm>>
    %dma_wait3A_970 = tpu.memref_squeeze %dma_wait3A_969 : memref<1x10000x128xf32, #tpu.memory_space<hbm>> -> memref<10000x128xf32, #tpu.memory_space<hbm>>
    %dma_wait3A_971 = arith.constant 0 : i32
    %dma_wait3A_972 = tpu.memref_slice %dma_wait3A_970[%add3A_963, %dma_wait3A_971] : memref<10000x128xf32, #tpu.memory_space<hbm>> -> memref<125x128xf32, #tpu.memory_space<hbm>>
    %dma_wait3A_973 = arith.constant 0 : i32
    %dma_wait3A_974 = tpu.memref_slice %arg11[%add3A_963, %dma_wait3A_973] : memref<10000x128xf32, #tpu.memory_space<vmem_shared>> -> memref<125x128xf32, #tpu.memory_space<vmem_shared>>
    tpu.wait_dma2 semaphore(%dma_wait3A_966 : memref<!tpu.dma_semaphore, #tpu.memory_space<semaphore_mem>>) src(%dma_wait3A_974 : memref<125x128xf32, #tpu.memory_space<vmem_shared>>) dst(%dma_wait3A_972 : memref<125x128xf32, #tpu.memory_space<hbm>>)
    %mul3A_975 = arith.constant 625 : i32
    %mul3A_976 = arith.muli %arg1, %mul3A_975 : i32
    %add3A_977 = arith.constant 500 : i32
    %add3A_978 = arith.addi %mul3A_976, %add3A_977 : i32
    %dma_wait3A_979 = arith.constant 0 : i32
    %dma_wait3A_980 = tpu.memref_slice %arg13[%dma_wait3A_979] : memref<3x!tpu.dma_semaphore, #tpu.memory_space<semaphore_mem>> -> memref<1x!tpu.dma_semaphore, #tpu.memory_space<semaphore_mem>>
    %dma_wait3A_981 = tpu.memref_squeeze %dma_wait3A_980 : memref<1x!tpu.dma_semaphore, #tpu.memory_space<semaphore_mem>> -> memref<!tpu.dma_semaphore, #tpu.memory_space<semaphore_mem>>
    %dma_wait3A_982 = arith.constant 0 : i32
    %dma_wait3A_983 = arith.constant 0 : i32
    %dma_wait3A_984 = tpu.memref_slice %arg5[%arg0, %dma_wait3A_982, %dma_wait3A_983] : memref<2x10000x128xf32, #tpu.memory_space<hbm>> -> memref<1x10000x128xf32, #tpu.memory_space<hbm>>
    %dma_wait3A_985 = tpu.memref_squeeze %dma_wait3A_984 : memref<1x10000x128xf32, #tpu.memory_space<hbm>> -> memref<10000x128xf32, #tpu.memory_space<hbm>>
    %dma_wait3A_986 = arith.constant 0 : i32
    %dma_wait3A_987 = tpu.memref_slice %dma_wait3A_985[%add3A_978, %dma_wait3A_986] : memref<10000x128xf32, #tpu.memory_space<hbm>> -> memref<125x128xf32, #tpu.memory_space<hbm>>
    %dma_wait3A_988 = arith.constant 0 : i32
    %dma_wait3A_989 = tpu.memref_slice %arg11[%add3A_978, %dma_wait3A_988] : memref<10000x128xf32, #tpu.memory_space<vmem_shared>> -> memref<125x128xf32, #tpu.memory_space<vmem_shared>>
    tpu.wait_dma2 semaphore(%dma_wait3A_981 : memref<!tpu.dma_semaphore, #tpu.memory_space<semaphore_mem>>) src(%dma_wait3A_989 : memref<125x128xf32, #tpu.memory_space<vmem_shared>>) dst(%dma_wait3A_987 : memref<125x128xf32, #tpu.memory_space<hbm>>)
    %mul3A_990 = arith.constant 625 : i32
    %mul3A_991 = arith.muli %arg1, %mul3A_990 : i32
    %mul3A_992 = arith.constant 625 : i32
    %mul3A_993 = arith.muli %arg1, %mul3A_992 : i32
    %dma_wait3A_994 = arith.constant 1 : i32
    %dma_wait3A_995 = tpu.memref_slice %arg13[%dma_wait3A_994] : memref<3x!tpu.dma_semaphore, #tpu.memory_space<semaphore_mem>> -> memref<1x!tpu.dma_semaphore, #tpu.memory_space<semaphore_mem>>
    %dma_wait3A_996 = tpu.memref_squeeze %dma_wait3A_995 : memref<1x!tpu.dma_semaphore, #tpu.memory_space<semaphore_mem>> -> memref<!tpu.dma_semaphore, #tpu.memory_space<semaphore_mem>>
    %dma_wait3A_997 = arith.constant 0 : i32
    %dma_wait3A_998 = arith.constant 0 : i32
    %dma_wait3A_999 = tpu.memref_slice %arg6[%arg0, %dma_wait3A_997, %dma_wait3A_998] : memref<2x10000x16xf32, #tpu.memory_space<hbm>> -> memref<1x10000x16xf32, #tpu.memory_space<hbm>>
    %dma_wait3A_1000 = tpu.memref_squeeze %dma_wait3A_999 : memref<1x10000x16xf32, #tpu.memory_space<hbm>> -> memref<10000x16xf32, #tpu.memory_space<hbm>>
    %dma_wait3A_1001 = arith.constant 0 : i32
    %dma_wait3A_1002 = tpu.memref_slice %dma_wait3A_1000[%mul3A_993, %dma_wait3A_1001] : memref<10000x16xf32, #tpu.memory_space<hbm>> -> memref<625x16xf32, #tpu.memory_space<hbm>>
    %dma_wait3A_1003 = arith.constant 0 : i32
    %dma_wait3A_1004 = tpu.memref_slice %arg12[%mul3A_991, %dma_wait3A_1003] : memref<10000x16xf32, #tpu.memory_space<vmem_shared>> -> memref<625x16xf32, #tpu.memory_space<vmem_shared>>
    tpu.wait_dma2 semaphore(%dma_wait3A_996 : memref<!tpu.dma_semaphore, #tpu.memory_space<semaphore_mem>>) src(%dma_wait3A_1004 : memref<625x16xf32, #tpu.memory_space<vmem_shared>>) dst(%dma_wait3A_1002 : memref<625x16xf32, #tpu.memory_space<hbm>>)
    return
  }
}

module attributes {stable_mosaic.version = 14 : i64} {
  func.func @_tc_finish(%arg0: i32, %arg1: memref<2x2000x128xf32, #tpu.memory_space<vmem>>, %arg2: memref<2x2000x16xf32, #tpu.memory_space<vmem>>, %arg3: memref<2000x128xf32, #tpu.memory_space<vmem>>, %arg4: memref<128x128xf32, #tpu.memory_space<vmem>>, %arg5: memref<1x128xf32, #tpu.memory_space<vmem>>, %arg6: memref<2000x128xf32, #tpu.memory_space<vmem>>) attributes {dimension_semantics = [#tpu.dimension_semantics<arbitrary>], iteration_bounds = array<i64: 5>, scalar_prefetch = 0 : i64, scratch_operands = 0 : i64, tpu.core_type = #tpu.core_type<tc>, window_params = [{transform_indices = @transform_0, window_bounds = array<i64: 2, 2000, 128>}, {transform_indices = @transform_1, window_bounds = array<i64: 2, 2000, 16>}, {transform_indices = @transform_2, window_bounds = array<i64: 2000, 128>}, {pipeline_mode = #tpu.pipeline_mode<synchronous>, transform_indices = @transform_3, window_bounds = array<i64: 128, 128>}, {pipeline_mode = #tpu.pipeline_mode<synchronous>, transform_indices = @transform_4, window_bounds = array<i64: 1, 128>}, {transform_indices = @transform_5, window_bounds = array<i64: 2000, 128>}]} {
    %get3A = arith.constant 0 : index
    %get3A_0 = arith.constant 0 : index
    %get3A_1 = arith.constant 0 : index
    %get3A_2 = vector.load %arg1[%get3A, %get3A_0, %get3A_1] : memref<2x2000x128xf32, #tpu.memory_space<vmem>>, vector<1x2000x128xf32>
    %get3A_3 = vector.shape_cast %get3A_2 : vector<1x2000x128xf32> to vector<2000x128xf32>
    %get3A_4 = arith.constant 1 : index
    %get3A_5 = arith.constant 0 : index
    %get3A_6 = arith.constant 0 : index
    %get3A_7 = vector.load %arg1[%get3A_4, %get3A_5, %get3A_6] : memref<2x2000x128xf32, #tpu.memory_space<vmem>>, vector<1x2000x128xf32>
    %get3A_8 = vector.shape_cast %get3A_7 : vector<1x2000x128xf32> to vector<2000x128xf32>
    %add3A = arith.addf %get3A_3, %get3A_8 : vector<2000x128xf32>
    %get3A_9 = arith.constant 0 : index
    %get3A_10 = arith.constant 0 : index
    %get3A_11 = arith.constant 0 : index
    %get3A_12 = vector.load %arg2[%get3A_9, %get3A_10, %get3A_11] : memref<2x2000x16xf32, #tpu.memory_space<vmem>>, vector<1x2000x16xf32>
    %get3A_13 = vector.shape_cast %get3A_12 : vector<1x2000x16xf32> to vector<2000x16xf32>
    %get3A_14 = arith.constant 1 : index
    %get3A_15 = arith.constant 0 : index
    %get3A_16 = arith.constant 0 : index
    %get3A_17 = vector.load %arg2[%get3A_14, %get3A_15, %get3A_16] : memref<2x2000x16xf32, #tpu.memory_space<vmem>>, vector<1x2000x16xf32>
    %get3A_18 = vector.shape_cast %get3A_17 : vector<1x2000x16xf32> to vector<2000x16xf32>
    %add3A_19 = arith.addf %get3A_13, %get3A_18 : vector<2000x16xf32>
    %slice3A = vector.extract_strided_slice %add3A_19 {offsets = [0, 0], sizes = [2000, 1], strides = [1, 1]} : vector<2000x16xf32> to vector<2000x1xf32>
    %max3A = arith.constant 1.000000e+00 : f32
    %max3A_20 = vector.broadcast %max3A : f32 to vector<2000x1xf32>
    %max3A_21 = arith.maximumf %slice3A, %max3A_20 : vector<2000x1xf32>
    %div3A = vector.broadcast %max3A_21 : vector<2000x1xf32> to vector<2000x128xf32>
    %div3A_22 = arith.divf %add3A, %div3A : vector<2000x128xf32>
    %get3A_23 = arith.constant 0 : index
    %get3A_24 = arith.constant 0 : index
    %get3A_25 = vector.load %arg3[%get3A_23, %get3A_24] : memref<2000x128xf32, #tpu.memory_space<vmem>>, vector<2000x128xf32>
    %add3A_26 = arith.addf %div3A_22, %get3A_25 : vector<2000x128xf32>
    %get3A_27 = arith.constant 0 : index
    %get3A_28 = arith.constant 0 : index
    %get3A_29 = vector.load %arg4[%get3A_27, %get3A_28] : memref<128x128xf32, #tpu.memory_space<vmem>>, vector<128x128xf32>
    %dot_general3A = arith.constant dense<0.000000e+00> : vector<2000x128xf32>
    %dot_general3A_30 = tpu.matmul %add3A_26, %get3A_29, %dot_general3A {dimension_numbers = #tpu.dot_dimension_numbers<[1], [0], [0], [1], [0, 0, 1, 1], [], []>, transpose_lhs_hint = false} : vector<2000x128xf32>, vector<128x128xf32>, vector<2000x128xf32> -> vector<2000x128xf32>
    %get3A_31 = arith.constant 0 : index
    %get3A_32 = arith.constant 0 : index
    %get3A_33 = vector.load %arg5[%get3A_31, %get3A_32] : memref<1x128xf32, #tpu.memory_space<vmem>>, vector<1x128xf32>
    %add3A_34 = vector.broadcast %get3A_33 : vector<1x128xf32> to vector<2000x128xf32>
    %add3A_35 = arith.addf %dot_general3A_30, %add3A_34 : vector<2000x128xf32>
    %max3A_36 = arith.constant 0.000000e+00 : f32
    %max3A_37 = vector.broadcast %max3A_36 : f32 to vector<2000x128xf32>
    %max3A_38 = arith.maximumf %add3A_35, %max3A_37 : vector<2000x128xf32>
    %swap3A = arith.constant 0 : index
    %swap3A_39 = arith.constant 0 : index
    %swap3A_40 = vector.load %arg6[%swap3A, %swap3A_39] : memref<2000x128xf32, #tpu.memory_space<vmem>>, vector<2000x128xf32>
    tpu.vector_store %arg6[%swap3A, %swap3A_39], %max3A_38 {strides = array<i32>} : memref<2000x128xf32, #tpu.memory_space<vmem>>, vector<2000x128xf32>,
    return
  }
  func.func @transform_0(%arg0: i32) -> (i32, i32, i32) {
    %c0_i32 = arith.constant 0 : i32
    %c0_i32_0 = arith.constant 0 : i32
    %c0_i32_1 = arith.constant 0 : i32
    return %c0_i32, %arg0, %c0_i32_0 : i32, i32, i32
  }
  func.func @transform_1(%arg0: i32) -> (i32, i32, i32) {
    %c0_i32 = arith.constant 0 : i32
    %c0_i32_0 = arith.constant 0 : i32
    %c0_i32_1 = arith.constant 0 : i32
    return %c0_i32, %arg0, %c0_i32_0 : i32, i32, i32
  }
  func.func @transform_2(%arg0: i32) -> (i32, i32) {
    %c0_i32 = arith.constant 0 : i32
    %c0_i32_0 = arith.constant 0 : i32
    return %arg0, %c0_i32 : i32, i32
  }
  func.func @transform_3(%arg0: i32) -> (i32, i32) {
    %c0_i32 = arith.constant 0 : i32
    %c0_i32_0 = arith.constant 0 : i32
    %c0_i32_1 = arith.constant 0 : i32
    return %c0_i32, %c0_i32_0 : i32, i32
  }
  func.func @transform_4(%arg0: i32) -> (i32, i32) {
    %c0_i32 = arith.constant 0 : i32
    %c0_i32_0 = arith.constant 0 : i32
    %c0_i32_1 = arith.constant 0 : i32
    return %c0_i32, %c0_i32_0 : i32, i32
  }
  func.func @transform_5(%arg0: i32) -> (i32, i32) {
    %c0_i32 = arith.constant 0 : i32
    %c0_i32_0 = arith.constant 0 : i32
    return %arg0, %c0_i32 : i32, i32
  }
}

</mosaic_0001>

<sc_bundles>
// kernel: kernel.4.cloned.1.call-start
scs
__scs_entry_jumppad:
0x0: {  	(pc) =	sbr.rel $0x88, $3  }
0x1: {  	(tag) =	ssettag $0x0;
	lr =	simm.s32 $0x1  }
0x2: {  	[smem:$0x3F9D] =	sst lr;
	_ =	strace $0xD0000000  }
0x3: {  	_ = 	snop  }
0x4: {  	_ = 	snop  }
0x5: {  	_ = 	snop  }
0x6: {  	_ = 	snop  }
0x7: {  	_ = 	snop  }
__scs_overlays_trampoline_lowered:
0x8: {  	[smem:$0x3FAC] =	sst s0  }
0x9: {  	[smem:$0x3FAD] =	sst s1  }
0xa: {  	[smem:$0x3FAE] =	sst s2  }
0xb: {  	[smem:$0x3FAF] =	sst s3  }
0xc: {  	[smem:$0x3FB0] =	sst s4  }
0xd: {  	[smem:$0x3FB1] =	sst s5  }
0xe: {  	[smem:$0x3FB2] =	sst s6  }
0xf: {  	[smem:$0x3FB3] =	sst s7  }
0x10: {  	[smem:$0x3FB4] =	sst s8  }
0x11: {  	[smem:$0x3FB5] =	sst s9;
	s0 =	simm.s32 @!p0 $0x0  }
0x12: {  	s1 =	sld [smem:$0x3F9B];
	s0 =	simm.s32 @p0 $0x1  }
0x13: {  	[smem:$0x3FB6] =	sst s0;
	s0 =	simm.s32 @!p1 $0x0  }
0x14: {  	s2 =	sld [smem:$0x3F9A];
	s0 =	simm.s32 @p1 $0x1  }
0x15: {  	[smem:$0x3FB7] =	sst s0;
	s0 =	simm.s32 @!p2 $0x0  }
0x16: {  	s3 =	sld [smem:$0x3FDB];
	s0 =	simm.s32 @p2 $0x1  }
0x17: {  	s4 =	simm.s32 $0x1BF5;
	[smem:$0x3FB9] =	sst s0  }
0x18: {  	s0 =	sld [smem:$0x3F9C];
	_ =	swait.ge [sflag:s4], $0x0  }
0x19: {  	s7 =	sld [smem:$0x3F9D]  }
0x1a: {  	s8 =	sadd.s32 $0xFFFFE003, lr  }
0x1b: {  	s9 =	sadd.s32 $0xFFFFFEF7, lr;
	s5 =	simm.s32 $0xFFFFFFFF;
	p2 =	slt.u32 s8, $0xFFFFF086  }
0x1c: {  	p1 =	slt.u32 s9, $0xF7A;
	s5 =	simm.s32 @!p2 $0x0  }
0x1d: {  	s5 =	simm.s32 @p1 $0x1;
	p0 =	seq.s32 s7, s2  }
0x1e: {  	s7 =	smul.u32 @!p0 $0xF7A, s2;
	p2 =	seq.s32 @!p0 s5, $0x0  }
0x1f: {  	s9 =	smul.u32 $0xF7A, s1;
	s8 =	simm.s32 @!p0 $0x1BF5;
	p2 =	por !p2, p0  }
0x20: {  	[sflag:s8] =	ssyncset.s32 @!p0 $0xFFFFF086;
	s6 =	sadd.s32 @!p0 s3, s7;
	s7 =	simm.s32 @!p0 $0x108  }
0x21: {  	s3 =	sadd.s32 s3, s9;
	s6 =	sadd.s32 @!p0 $0x88, s6;
	s7 =	simm.s32 @p2 $0x1082  }
0x22: {  	[simem:s7], [sflag:s8] =	dma.local @!p0 [hbm:s6], $0xF7A  }
0x23: {  	s9 =	sor.u32 $0xD0000000, s2;
	s6 =	simm.s32 $0x108;
	_ =	swait.ge @!p0 [sflag:s8], $0x0  }
0x24: {  	s3 =	sadd.s32 $0x88, s3;
	s6 =	simm.s32 @!p1 $0x1082;
	[sflag:s4] =	ssyncset.s32 $0xFFFFF086  }
0x25: {  	[simem:s6], [sflag:s4] =	dma.local [hbm:s3], $0xF7A  }
0x26: {  	[smem:$0x3F9D] =	sst s1;
	(tag) =	ssettag s2;
	_ =	strace s9  }
0x27: {  	s1 =	sld [smem:$0x3FAD]  }
0x28: {  	s2 =	sld [smem:$0x3FAE]  }
0x29: {  	s4 =	sld [smem:$0x3FB0]  }
0x2a: {  	p0 =	seq.s32 s5, $0x0;
	s5 =	sld [smem:$0x3FB1]  }
0x2b: {  	s6 =	sld [smem:$0x3FB2]  }
0x2c: {  	s7 =	sld [smem:$0x3FB3]  }
0x2d: {  	s3 =	simm.s32 $0x108;
	s8 =	sld [smem:$0x3FB4]  }
0x2e: {  	s3 =	simm.s32 @!p0 $0x1082;
	s9 =	sld [smem:$0x3FB5]  }
0x2f: {  	lr =	sadd.s32 s0, s3;
	s0 =	sld [smem:$0x3FAC]  }
0x30: {  	s3 =	sld [smem:$0x3FAF]  }
0x31: {  	[smem:$0x3FB8] =	sst s10  }
0x32: {  	s10 =	sld [smem:$0x3FB6];
	_ =	sdelay $0x3  }
0x33: {  	p0 =	seq.s32 s10, $0x1;
	s10 =	sld [smem:$0x3FB8];
	_ =	sdelay $0x3  }
0x34: {  	[smem:$0x3FB8] =	sst s10  }
0x35: {  	s10 =	sld [smem:$0x3FB7];
	_ =	sdelay $0x3  }
0x36: {  	p1 =	seq.s32 s10, $0x1;
	s10 =	sld [smem:$0x3FB8];
	_ =	sdelay $0x3  }
0x37: {  	[smem:$0x3FB8] =	sst s10  }
0x38: {  	s10 =	sld [smem:$0x3FB9]  }
0x39: {  	_ = 	snop;
	(pc) =	sbr.ind lr, $3  }
0x3a: {  	_ = 	snop  }
0x3b: {  	_ = 	snop  }
0x3c: {  	p2 =	seq.s32 s10, $0x1;
	s10 =	sld [smem:$0x3FB8]  }
0x3d: {  	_ =	shalt  }
0x3e: {  	_ =	shalt  }
0x3f: {  	_ =	shalt  }
0x40: {  	_ =	shalt  }
0x41: {  	_ =	shalt  }
0x42: {  	_ =	shalt  }
0x43: {  	_ =	shalt  }
0x44: {  	_ =	shalt  }
0x45: {  	_ =	shalt  }
0x46: {  	_ =	shalt  }
0x47: {  	_ =	shalt  }
0x48: {  	_ =	shalt  }
0x49: {  	_ =	shalt  }
0x4a: {  	_ =	shalt  }
0x4b: {  	_ =	shalt  }
0x4c: {  	_ =	shalt  }
0x4d: {  	_ =	shalt  }
0x4e: {  	_ =	shalt  }
0x4f: {  	_ =	shalt  }
0x50: {  	_ =	shalt  }
0x51: {  	_ =	shalt  }
0x52: {  	_ =	shalt  }
0x53: {  	_ =	shalt  }
0x54: {  	_ =	shalt  }
0x55: {  	_ =	shalt  }
0x56: {  	_ =	shalt  }
0x57: {  	_ =	shalt  }
0x58: {  	_ =	shalt  }
0x59: {  	_ =	shalt  }
0x5a: {  	_ =	shalt  }
0x5b: {  	_ =	shalt  }
0x5c: {  	_ =	shalt  }
0x5d: {  	_ =	shalt  }
0x5e: {  	_ =	shalt  }
0x5f: {  	_ =	shalt  }
0x60: {  	_ =	shalt  }
0x61: {  	_ =	shalt  }
0x62: {  	_ =	shalt  }
0x63: {  	_ =	shalt  }
0x64: {  	_ =	shalt  }
0x65: {  	_ =	shalt  }
0x66: {  	_ =	shalt  }
0x67: {  	_ =	shalt  }
0x68: {  	_ =	shalt  }
0x69: {  	_ =	shalt  }
0x6a: {  	_ =	shalt  }
0x6b: {  	_ =	shalt  }
0x6c: {  	_ =	shalt  }
0x6d: {  	_ =	shalt  }
0x6e: {  	_ =	shalt  }
0x6f: {  	_ =	shalt  }
0x70: {  	_ =	shalt  }
0x71: {  	_ =	shalt  }
0x72: {  	_ =	shalt  }
0x73: {  	_ =	shalt  }
0x74: {  	_ =	shalt  }
0x75: {  	_ =	shalt  }
0x76: {  	_ =	shalt  }
0x77: {  	_ =	shalt  }
0x78: {  	_ =	shalt  }
0x79: {  	_ =	shalt  }
0x7a: {  	_ =	shalt  }
0x7b: {  	_ =	shalt  }
0x7c: {  	_ =	shalt  }
0x7d: {  	_ =	shalt  }
0x7e: {  	_ =	shalt  }
0x7f: {  	_ =	shalt  }
0x80: {  	_ =	shalt  }
0x81: {  	_ =	shalt  }
0x82: {  	_ =	shalt  }
0x83: {  	_ =	shalt  }
0x84: {  	_ =	shalt  }
0x85: {  	_ =	shalt  }
0x86: {  	_ =	shalt  }
0x87: {  	_ =	shalt  }
.Lfunc_end0:
.L_simem_size_0:
called_computation_lowered:
.L_overlay_start_0:
0x88: {  	s2 =	sld [smem:$0x3FD9]  }
0x89: {  	s3 =	sld [smem:$0x3FFE];
	_ =	sdelay $0x1  }
0x8a: {  	s1 =	srdreg.scid  }
0x8b: {  	s0 =	sand.u32 $0x1, s1  }
0x8c: {  	s17 =	sshll.u32 s0, $0xA;
	s2 =	sadd.s32 s3, s2  }
0x8d: {  	s2 =	sadd.s32 s2, s17  }
0x8e: {  	[smem:$0x3FC4] =	sst s2  }
0x8f: {  	_ = 	snop  }
0x90: {  	s2 =	sld [smem:$0x3FC9]  }
0x91: {  	s18 =	sld [smem:$0x3FD0];
	(tm) =	ssettm $0x1  }
0x92: {  	s4 =	sld [smem:$0x3FFB];
	_ =	sdelay $0x3  }
0x93: {  	_ =	strace s4  }
0x94: {  	s4 =	sld [smem:$0x3FFC];
	_ =	sdelay $0x3  }
0x95: {  	_ =	strace s4  }
0x96: {  	s4 =	sld [smem:$0x3FFD];
	_ =	sdelay $0x3  }
0x97: {  	_ =	strace s4  }
0x98: {  	_ =	strace $0x8FFFFFFF  }
0x99: {  	s19 =	sld [smem:$0x3FDB];
	_ =	sdelay $0x1  }
0x9a: {  	s5 =	simm.s32 $_scs_section_size  }
0x9b: {  	s6 =	simm.s32 $_size__tile_overlayer_lowered;
	s7 =	simm.s32 $_tile_overlayer_lowered  }
0x9c: {  	s22 =	simm.s32 $0x1BFF;
	s21 =	sshll.u32 s7, $0x1;
	s4 =	sadd.s32 s5, s19  }
0x9d: {  	s8 =	simm.s32 $0x0;
	s20 =	sshll.u32 s6, $0x1;
	s6 =	sadd.s32 s21, s4  }
0x9e: {  	[timem:s8], [sflag:s22] =	dma.local [hbm:s6], s20  }
0x9f: {  	_ =	swait.ge [sflag:s22], s20  }
0xa0: {  	s5 =	ssub.s32 $0x0, s20;
	[sflag:s22] =	ssyncset.done $0x0  }
0xa1: {  	[sflag:s22] =	ssyncadd.s32 s5;
	_ =	sdelay $0x1  }
0xa2: {  	s23 =	simm.s32 $0x1B8B  }
0xa3: {  	_ =	swait.ge [sflag:s23], $0x1  }
0xa4: {  	[sflag:s23] =	ssyncset.done $0x0  }
0xa5: {  	s25 =	simm.s32 $0x1B8E;
	s24 =	sld [smem:$0x3FFE];
	[sflag:s23] =	ssyncadd.s32 $0xFFFFFFFF  }
0xa6: {  	s26 =	simm.s32 $execute0_lowered;
	[smem:$0x3FD2] =	sst s25  }
0xa7: {  	s6 =	sshll.u32 s26, $0x1;
	_ =	strace $0x80000046;
	[dreg:$0x1] =	wrdreg $0xFFFFFFFF  }
0xa8: {  	s28 =	simm.s32 $_size_execute0_lowered;
	s4 =	sadd.s32 s4, s6;
	[dreg:$0x0] =	wrdreg $0x0  }
0xa9: {  	s6 =	sshll.u32 s28, $0x1;
	[dreg:$0x2] =	wrdreg s4  }
0xaa: {  	[dreg:$0x3] =	wrdreg s6  }
0xab: {  	[dreg:$0x4] =	wrdreg $0xC0  }
0xac: {  	_ =	task [dreg:s8], $0x5FFFF  }
0xad: {  	[dreg:$0x1] =	wrdreg $0xFFFFFFFF  }
0xae: {  	[dreg:$0x0] =	wrdreg $0x60  }
0xaf: {  	[dreg:$0x2] =	wrdreg s2  }
0xb0: {  	[dreg:$0x3] =	wrdreg s18  }
0xb1: {  	[dreg:$0x4] =	wrdreg s24  }
0xb2: {  	[dreg:$0x5] =	wrdreg $0x9AB00  }
0xb3: {  	[dreg:$0x6] =	wrdreg $0x1D3300  }
0xb4: {  	[dreg:$0x7] =	wrdreg $0x9  }
0xb5: {  	_ =	task.clear_ibuf [dreg:s8], $0x8FFFF;
	_ =	strace $0x90000046  }
0xb6: {  	s29 =	simm.s32 $0x9;
	_ =	strace $0x80000048  }
0xb7: {  	_ =	swait.ge [sflag:s29], $0x1  }
0xb8: {  	[sflag:s29] =	ssyncadd.s32 $0xFFFFFFFF  }
0xb9: {  	_ =	strace $0x90000048  }
0xba: {  	_ =	sfence  }
0xbb: {  	s30 =	sld [smem:$0x0];
	_ =	sdelay $0x2  }
0xbc: {  	s31 =	sshll.u32 s1, $0xD;
	s1 =	sshrl.u32 s1, $0x2  }
0xbd: {  	s3 =	sand.u32 $0x4000, s31;
	s1 =	sadd.s32 s1, s30  }
0xbe: {  	s0 =	sor.u32 s3, s0;
	s1 =	sshll.u32 s1, $0x11  }
0xbf: {  	s0 =	sor.u32 s1, s0  }
0xc0: {  	s0 =	sadd.s32 $0x8F2B, s0  }
0xc1: {  	[sflag:s0] =	ssyncadd.remote.s32 $0x1  }
0xc2: {  	_ =	sfence.sel $0xFFFF  }
0xc3: {  	[dreg:$0x0] =	wrdreg $0xFFFFFFFF;
	(pc) =	sbr.abs _section_cstart, $3  }
0xc4: {  	[dreg:$0x1] =	wrdreg $0xFFFFFFFF  }
0xc5: {  	_ =	task.clear_ibuf [dreg:s8], $0x2FFFF;
	_ =	strace $0x9FFFFFFF  }
0xc6: {  	(tm) =	ssettm $0x7FFFFFFF  }
0xc7: {  	_ =	shalt  }
tec
execute0_lowered:
.L_overlay_start_1:
0x0: {  	(tag) =	ssettag $0x1  }
0x1: {  	s1 =	rddreg [dreg:$0x0]  }
0x2: {  	s5 =	rddreg [dreg:$0x1]  }
0x3: {  	s0 =	rddreg [dreg:$0x2]  }
0x4: {  	s2 =	rddreg [dreg:$0x3]  }
0x5: {  	s3 =	rddreg [dreg:$0x4]  }
0x6: {  	s6 =	srdreg.scid;
	s14 =	stileid.u32  }
0x7: {  	s4 =	simm.s32 $0x0;
	s6 =	sand.u32 $0x1, s6;
	s11 =	smul.u32 $0x271, s14  }
0x8: {  	[smem:$0x7FF] =	sst s4;
	s8 =	sadd.s32 $0x1600, s0;
	s13 =	smul.u32 $0x13880, s14  }
0x9: {  	s7 =	smul.u32 $0x27100, s6;
	_ =	strace $0x80000047;
	[dreg:$0x6] =	wrdreg s8  }
0xa: {  	s23 =	smul.u32 $0x4E20, s6;
	s9 =	ssub.s32 $0x2, s6;
	s6 =	sshll.u32 s6, $0x4  }
0xb: {  	s10 =	sshrl.u32 s9, $0x1;
	s6 =	sor.u32 s14, s6;
	s14 =	smul.u32 $0x2710, s14  }
0xc: {  	s15 =	sshrl.u32 s13, $0x3;
	s16 =	sadd.s32 $0x3E80, s13;
	s18 =	sadd.s32 $0x7D00, s13  }
0xd: {  	s19 =	sadd.s32 $0xBB80, s13;
	s22 =	sadd.s32 $0xFA00, s13;
	s7 =	sadd.s32 s7, s0  }
0xe: {  	s12 =	sadd.s32 s23, s0;
	s24 =	ssub.s32 s9, s10;
	s6 =	smul.u32 $0x4E2, s6  }
0xf: {  	s9 =	sadd.s32 $0x50, s11;
	s10 =	sadd.s32 $0xA0, s11;
	s17 =	sshrl.u32 s16, $0x3  }
0x10: {  	s20 =	sshrl.u32 s18, $0x3;
	s21 =	sshrl.u32 s19, $0x3;
	s25 =	sshrl.u32 s22, $0x3  }
0x11: {  	[dreg:$0x1b] =	wrdreg s24;
	s7 =	sadd.s32 $0xB600, s7;
	s26 =	sadd.s32 $0x1800, s12  }
0x12: {  	s23 =	sshrl.u32 s14, $0x3;
	s12 =	sadd.s32 $0x1E0, s11;
	s15 =	sadd.s32 s15, s7  }
0x13: {  	s24 =	sshll.u32 s9, $0x7;
	s17 =	sadd.s32 s17, s7;
	[dreg:$0x8] =	wrdreg s15  }
0x14: {  	s0 =	sadd.s32 s5, s6;
	s20 =	sadd.s32 s20, s7;
	[dreg:$0x9] =	wrdreg s17  }
0x15: {  	s5 =	sadd.s32 $0x9C40, s5;
	s21 =	sadd.s32 s21, s7;
	[dreg:$0xa] =	wrdreg s20  }
0x16: {  	s9 =	sshll.u32 s9, $0x4;
	s8 =	sadd.s32 s6, s5;
	[dreg:$0xb] =	wrdreg s21  }
0x17: {  	s5 =	sadd.s32 s25, s7;
	s6 =	sadd.s32 $0x140, s11;
	s7 =	sadd.s32 $0x190, s11  }
0x18: {  	s15 =	sadd.s32 s13, s2;
	s25 =	sshll.u32 s10, $0x7;
	[dreg:$0x7] =	wrdreg s0  }
0x19: {  	s13 =	sadd.s32 s24, s2;
	s24 =	sshll.u32 s12, $0x7;
	[dreg:$0xc] =	wrdreg s5  }
0x1a: {  	s12 =	sshll.u32 s12, $0x4;
	s5 =	sadd.s32 s23, s26;
	[dreg:$0xf] =	wrdreg s13  }
0x1b: {  	s26 =	sadd.s32 s25, s2;
	s20 =	sshll.u32 s6, $0x7;
	s21 =	sshll.u32 s7, $0x7  }
0x1c: {  	s6 =	sshll.u32 s6, $0x4;
	s30 =	sadd.s32 s12, s3;
	[dreg:$0xe] =	wrdreg s15  }
0x1d: {  	s12 =	simm.s32 $0xA;
	[dreg:$0xd] =	wrdreg s5;
	s5 =	sadd.s32 $0xF0, s11  }
0x1e: {  	s11 =	sadd.s32 $0x230, s11;
	[dreg:$0x10] =	wrdreg s26;
	s23 =	sadd.s32 s21, s2  }
0x1f: {  	s26 =	sshll.u32 s10, $0x4;
	s28 =	sadd.s32 s6, s3;
	s10 =	sshll.u32 s7, $0x4  }
0x20: {  	s17 =	sshll.u32 s5, $0x7;
	[dreg:$0x13] =	wrdreg s23;
	s23 =	sadd.s32 s14, s3  }
0x21: {  	s14 =	sadd.s32 s16, s2;
	s16 =	sadd.s32 s18, s2;
	s18 =	sadd.s32 s22, s2  }
0x22: {  	s13 =	sadd.s32 s17, s2;
	s17 =	sadd.s32 s19, s2;
	s19 =	rddreg [dreg:$0x1b]  }
0x23: {  	s25 =	sshll.u32 s11, $0x7;
	s22 =	sshrl.u32 s18, $0x3;
	[dreg:$0x11] =	wrdreg s13  }
0x24: {  	s5 =	sshll.u32 s5, $0x4;
	s13 =	sadd.s32 s20, s2;
	[dreg:$0x1a] =	wrdreg s22  }
0x25: {  	s29 =	sadd.s32 s10, s3;
	s10 =	smax.u32 s19, $0x1;
	[dreg:$0x12] =	wrdreg s13  }
0x26: {  	s20 =	sshrl.u32 s16, $0x3;
	s21 =	sshrl.u32 s17, $0x3;
	[dreg:$0x16] =	wrdreg s10  }
0x27: {  	s16 =	simm.s32 $0x50;
	s17 =	simm.s32 $0x4;
	[dreg:$0x18] =	wrdreg s20  }
0x28: {  	s13 =	sadd.s32 s24, s2;
	s24 =	sadd.s32 s9, s3;
	[dreg:$0x19] =	wrdreg s21  }
0x29: {  	s10 =	sadd.s32 $0x276, s0;
	s21 =	simm.s32 $0x1;
	s0 =	simm.s32 $0x0  }
0x2a: {  	[dreg:$0x14] =	wrdreg s13;
	s13 =	sadd.s32 s25, s2;
	s25 =	sadd.s32 s26, s3  }
0x2b: {  	s26 =	sadd.s32 s5, s3;
	s5 =	sshrl.u32 s14, $0x3;
	[dreg:$0x15] =	wrdreg s13  }
0x2c: {  	s14 =	simm.s32 $0x28;
	s13 =	sshll.u32 s11, $0x4;
	[dreg:$0x17] =	wrdreg s5  }
0x2d: {  	v0 =	vimm.f32 $0.0e+00;
	s11 =	simm.s32 $0x95B0;
	s31 =	sadd.s32 s13, s3;
	s13 =	simm.s32 $0x13B0  }
.LBB2_1:
0x2e: {  	s5 =	sand.u32 $0xFE00, s4  }
0x2f: {  	s6 =	sand.u32 $0x70, s4;
	s7 =	sshrl.u32 s5, $0x2  }
0x30: {  	s5 =	simm.s32 $0x40;
	s7 =	sor.u32 s6, s7;
	s6 =	simm.s32 $0x0  }
.LBB2_2:
0x31: {  	p0 =	sne.s32 s5, $0x9FC0  }
0x32: {  	[tilespmem:s7+$0x6DB0] =	vst v0;
	s6 =	sadd.s32 $0x10, s6;
	s7 =	smov.u32 s5;
	s5 =	sadd.s32 $0x40, s5  }
.Ltmp0:
0x33: {  	(pc) =	sbr.rel @p0 .LBB2_2-.Ltmp0, $4  }
0x34: {  	_ = 	snop  }
0x35: {  	s7 =	sand.u32 $0xFE00, s7  }
0x36: {  	s9 =	sand.u32 $0x70, s6;
	s7 =	sshrl.u32 s7, $0x2  }
0x37: {  	s7 =	sor.u32 s9, s7  }
0x38: {  	[tilespmem:s7+$0x6DB0] =	vst v0;
	s6 =	simm.s32 $0x6DB0  }
0x39: {  	[spmem:s15] =	stream.linear.scatter [tilespmem:s6], [sflag:$0x4], $0x2800, $0x38;
	[tilespmem:$0x1FA40] =	vst v63  }
0x3a: {  	s5 =	rddreg [dreg:$0xf]  }
0x3b: {  	[spmem:s5] =	stream.linear.scatter [tilespmem:s6], [sflag:$0x4], $0x2800, $0x38;
	[tilespmem:$0x1FA40] =	vst v63  }
0x3c: {  	s7 =	rddreg [dreg:$0x10]  }
0x3d: {  	[spmem:s7] =	stream.linear.scatter [tilespmem:s6], [sflag:$0x4], $0x2800, $0x38;
	[tilespmem:$0x1FA40] =	vst v63  }
0x3e: {  	s9 =	rddreg [dreg:$0x11]  }
0x3f: {  	[spmem:s9] =	stream.linear.scatter [tilespmem:s6], [sflag:$0x4], $0x2800, $0x38;
	[tilespmem:$0x1FA40] =	vst v63  }
0x40: {  	s15 =	rddreg [dreg:$0x12]  }
0x41: {  	[spmem:s15] =	stream.linear.scatter [tilespmem:s6], [sflag:$0x4], $0x2800, $0x38;
	[tilespmem:$0x1FA40] =	vst v63  }
0x42: {  	s18 =	rddreg [dreg:$0x13]  }
0x43: {  	[spmem:s18] =	stream.linear.scatter [tilespmem:s6], [sflag:$0x4], $0x2800, $0x38;
	[tilespmem:$0x1FA40] =	vst v63  }
0x44: {  	s19 =	rddreg [dreg:$0x14]  }
0x45: {  	[spmem:s19] =	stream.linear.scatter [tilespmem:s6], [sflag:$0x4], $0x2800, $0x38;
	[tilespmem:$0x1FA40] =	vst v63  }
0x46: {  	s20 =	rddreg [dreg:$0x15]  }
0x47: {  	[spmem:s20] =	stream.linear.scatter [tilespmem:s6], [sflag:$0x4], $0x2080, $0x38;
	[tilespmem:$0x1FA40] =	vst v63  }
0x48: {  	s22 =	sadd.s32 $0x0, s23;
	s5 =	simm.s32 $0x40;
	s7 =	simm.s32 $0x6DB0  }
0x49: {  	[spmem:s22] =	stream.linear.scatter [tilespmem:s6], [sflag:$0x4], $0x10, $0x38;
	[tilespmem:$0x1FA40] =	vst v63  }
.LBB2_4:
0x4a: {  	p0 =	sne.s32 s5, $0x13C0  }
.Ltmp1:
0x4b: {  	_ = 	snop;
	(pc) =	sbr.rel @p0 .LBB2_4-.Ltmp1, $4  }
0x4c: {  	_ = 	snop  }
0x4d: {  	s9 =	sshra.s32 s5, $0x2;
	s5 =	sadd.s32 $0x40, s5  }
0x4e: {  	s7 =	sadd.s32 $0x80, s7;
	s9 =	sadd.s32 s9, s23  }
0x4f: {  	[spmem:s9] =	stream.linear.scatter [tilespmem:s7], [sflag:$0x4], $0x10, $0x38;
	[tilespmem:$0x1FA40] =	vst v63  }
0x50: {  	s5 =	sadd.s32 $0x0, s24;
	s7 =	simm.s32 $0x40  }
0x51: {  	[spmem:s5] =	stream.linear.scatter [tilespmem:s6], [sflag:$0x4], $0x10, $0x38;
	[tilespmem:$0x1FA40] =	vst v63  }
.LBB2_6:
0x52: {  	p0 =	sne.s32 s7, $0x13C0  }
.Ltmp2:
0x53: {  	_ = 	snop;
	(pc) =	sbr.rel @p0 .LBB2_6-.Ltmp2, $4  }
0x54: {  	_ = 	snop  }
0x55: {  	s5 =	simm.s32 $0x6DB0;
	s9 =	sshra.s32 s7, $0x2  }
0x56: {  	s7 =	sadd.s32 $0x40, s7;
	s6 =	sadd.s32 $0x80, s6;
	s9 =	sadd.s32 s9, s24  }
0x57: {  	[spmem:s9] =	stream.linear.scatter [tilespmem:s6], [sflag:$0x4], $0x10, $0x38;
	[tilespmem:$0x1FA40] =	vst v63  }
0x58: {  	s6 =	sadd.s32 $0x0, s25  }
0x59: {  	[spmem:s6] =	stream.linear.scatter [tilespmem:s5], [sflag:$0x4], $0x10, $0x38;
	[tilespmem:$0x1FA40] =	vst v63  }
0x5a: {  	s7 =	simm.s32 $0x6DB0;
	s6 =	simm.s32 $0x40  }
.LBB2_8:
0x5b: {  	p0 =	sne.s32 s6, $0x13C0  }
.Ltmp3:
0x5c: {  	_ = 	snop;
	(pc) =	sbr.rel @p0 .LBB2_8-.Ltmp3, $4  }
0x5d: {  	_ = 	snop  }
0x5e: {  	s9 =	sshra.s32 s6, $0x2;
	s6 =	sadd.s32 $0x40, s6  }
0x5f: {  	s7 =	sadd.s32 $0x80, s7;
	s9 =	sadd.s32 s9, s25  }
0x60: {  	[spmem:s9] =	stream.linear.scatter [tilespmem:s7], [sflag:$0x4], $0x10, $0x38;
	[tilespmem:$0x1FA40] =	vst v63  }
0x61: {  	s6 =	sadd.s32 $0x0, s26;
	s7 =	simm.s32 $0x40  }
0x62: {  	[spmem:s6] =	stream.linear.scatter [tilespmem:s5], [sflag:$0x4], $0x10, $0x38;
	[tilespmem:$0x1FA40] =	vst v63  }
.LBB2_10:
0x63: {  	p0 =	sne.s32 s7, $0x13C0  }
.Ltmp4:
0x64: {  	_ = 	snop;
	(pc) =	sbr.rel @p0 .LBB2_10-.Ltmp4, $4  }
0x65: {  	_ = 	snop  }
0x66: {  	s6 =	simm.s32 $0x6DB0;
	s9 =	sshra.s32 s7, $0x2  }
0x67: {  	s7 =	sadd.s32 $0x40, s7;
	s5 =	sadd.s32 $0x80, s5;
	s9 =	sadd.s32 s9, s26  }
0x68: {  	[spmem:s9] =	stream.linear.scatter [tilespmem:s5], [sflag:$0x4], $0x10, $0x38;
	[tilespmem:$0x1FA40] =	vst v63  }
0x69: {  	s5 =	sadd.s32 $0x0, s28  }
0x6a: {  	[spmem:s5] =	stream.linear.scatter [tilespmem:s6], [sflag:$0x4], $0x10, $0x38;
	[tilespmem:$0x1FA40] =	vst v63  }
0x6b: {  	s7 =	simm.s32 $0x6DB0;
	s5 =	simm.s32 $0x40  }
.LBB2_12:
0x6c: {  	p0 =	sne.s32 s5, $0x13C0  }
.Ltmp5:
0x6d: {  	_ = 	snop;
	(pc) =	sbr.rel @p0 .LBB2_12-.Ltmp5, $4  }
0x6e: {  	_ = 	snop  }
0x6f: {  	s9 =	sshra.s32 s5, $0x2;
	s5 =	sadd.s32 $0x40, s5  }
0x70: {  	s7 =	sadd.s32 $0x80, s7;
	s9 =	sadd.s32 s9, s28  }
0x71: {  	[spmem:s9] =	stream.linear.scatter [tilespmem:s7], [sflag:$0x4], $0x10, $0x38;
	[tilespmem:$0x1FA40] =	vst v63  }
0x72: {  	s5 =	sadd.s32 $0x0, s29;
	s7 =	simm.s32 $0x40  }
0x73: {  	[spmem:s5] =	stream.linear.scatter [tilespmem:s6], [sflag:$0x4], $0x10, $0x38;
	[tilespmem:$0x1FA40] =	vst v63  }
.LBB2_14:
0x74: {  	p0 =	sne.s32 s7, $0x13C0  }
.Ltmp6:
0x75: {  	_ = 	snop;
	(pc) =	sbr.rel @p0 .LBB2_14-.Ltmp6, $4  }
0x76: {  	_ = 	snop  }
0x77: {  	s5 =	simm.s32 $0x6DB0;
	s9 =	sshra.s32 s7, $0x2  }
0x78: {  	s7 =	sadd.s32 $0x40, s7;
	s6 =	sadd.s32 $0x80, s6;
	s9 =	sadd.s32 s9, s29  }
0x79: {  	[spmem:s9] =	stream.linear.scatter [tilespmem:s6], [sflag:$0x4], $0x10, $0x38;
	[tilespmem:$0x1FA40] =	vst v63  }
0x7a: {  	s6 =	sadd.s32 $0x0, s30  }
0x7b: {  	[spmem:s6] =	stream.linear.scatter [tilespmem:s5], [sflag:$0x4], $0x10, $0x38;
	[tilespmem:$0x1FA40] =	vst v63  }
0x7c: {  	s7 =	simm.s32 $0x6DB0;
	s6 =	simm.s32 $0x40  }
.LBB2_16:
0x7d: {  	p0 =	sne.s32 s6, $0x13C0  }
.Ltmp7:
0x7e: {  	_ = 	snop;
	(pc) =	sbr.rel @p0 .LBB2_16-.Ltmp7, $4  }
0x7f: {  	_ = 	snop  }
0x80: {  	s9 =	sshra.s32 s6, $0x2;
	s6 =	sadd.s32 $0x40, s6  }
0x81: {  	s7 =	sadd.s32 $0x80, s7;
	s9 =	sadd.s32 s9, s30  }
0x82: {  	[spmem:s9] =	stream.linear.scatter [tilespmem:s7], [sflag:$0x4], $0x10, $0x38;
	[tilespmem:$0x1FA40] =	vst v63  }
0x83: {  	s6 =	sadd.s32 $0x0, s31  }
0x84: {  	[spmem:s6] =	stream.linear.scatter [tilespmem:s5], [sflag:$0x4], $0x10, $0x38;
	[tilespmem:$0x1FA40] =	vst v63  }
0x85: {  	s6 =	simm.s32 $0x40  }
.LBB2_18:
0x86: {  	p0 =	sne.s32 s6, $0x1000  }
.Ltmp8:
0x87: {  	_ = 	snop;
	(pc) =	sbr.rel @p0 .LBB2_18-.Ltmp8, $4  }
0x88: {  	_ = 	snop  }
0x89: {  	s7 =	sshra.s32 s6, $0x2;
	s6 =	sadd.s32 $0x40, s6  }
0x8a: {  	s5 =	sadd.s32 $0x80, s5;
	s7 =	sadd.s32 s7, s31  }
0x8b: {  	[spmem:s7] =	stream.linear.scatter [tilespmem:s5], [sflag:$0x4], $0x10, $0x38;
	[tilespmem:$0x1FA40] =	vst v63  }
0x8c: {  	s5 =	simm.s32 $0x0;
	s6 =	rddreg [dreg:$0x6]  }
0x8d: {  	[tilespmem:s11], [sflag:$0x6] =	stream.linear.gather [hbm4b:s6+s5], $0x500, $0x38;
	[tilespmem:$0x1FA40] =	vst v63  }
0x8e: {  	s9 =	rddreg [dreg:$0x7]  }
0x8f: {  	[tilespmem:s5], [sflag:$0xA] =	stream.linear.gather [hbm4b:s9+s5], $0x13B0, $0x38;
	[tilespmem:$0x1FA40] =	vst v63  }
0x90: {  	_ =	swait.ge [sflag:s12], $0x13B0  }
0x91: {  	[sflag:s12] =	ssyncset.done $0x0  }
0x92: {  	[sflag:s12] =	ssyncadd.s32 $0xFFFFEC50  }
0x93: {  	[tilespmem:s13], [sflag:$0xA] =	stream.linear.gather [hbm4b:s8+s5], $0xA00, $0x38;
	[tilespmem:$0x1FA40] =	vst v63  }
0x94: {  	_ =	swait.ge [sflag:s12], $0xA00  }
0x95: {  	[sflag:s12] =	ssyncset.done $0x0  }
0x96: {  	s15 =	simm.s32 $0x1DB0;
	[sflag:s12] =	ssyncadd.s32 $0xFFFFF600  }
0x97: {  	[tilespmem:s15], [sflag:$0x1] =	stream.indirect.gather [hbm4b:s1+s14], $0x80, s5, s14, $0xb8;
	[tilespmem:$0x1FA40] =	vst v63  }
0x98: {  	s18 =	simm.s32 $0x31B0  }
0x99: {  	[tilespmem:s18], [sflag:$0x1] =	stream.indirect.gather [hbm4b:s1+s14], $0x80, s14, s14, $0xb8;
	[tilespmem:$0x1FA40] =	vst v63  }
0x9a: {  	s19 =	simm.s32 $0x45B0  }
0x9b: {  	[tilespmem:s19], [sflag:$0x2] =	stream.indirect.gather [hbm4b:s1+s14], $0x80, s16, s14, $0xb8;
	[tilespmem:$0x1FA40] =	vst v63  }
0x9c: {  	s20 =	simm.s32 $0x78;
	s7 =	simm.s32 $0x59B0  }
0x9d: {  	[tilespmem:s7], [sflag:$0x2] =	stream.indirect.gather [hbm4b:s1+s14], $0x80, s20, s14, $0xb8;
	[tilespmem:$0x1FA40] =	vst v63  }
0x9e: {  	_ =	swait.ge [sflag:s17], $0x2800  }
0x9f: {  	[sflag:s17] =	ssyncset.done $0x0  }
0xa0: {  	[sflag:s17] =	ssyncadd.s32 $0xFFFFD800  }
0xa1: {  	_ =	swait.ge [sflag:s17], $0x2800  }
0xa2: {  	[sflag:s17] =	ssyncset.done $0x0  }
0xa3: {  	[sflag:s17] =	ssyncadd.s32 $0xFFFFD800  }
0xa4: {  	_ =	swait.ge [sflag:s17], $0x2800  }
0xa5: {  	[sflag:s17] =	ssyncset.done $0x0  }
0xa6: {  	[sflag:s17] =	ssyncadd.s32 $0xFFFFD800  }
0xa7: {  	_ =	swait.ge [sflag:s17], $0x2800  }
0xa8: {  	[sflag:s17] =	ssyncset.done $0x0  }
0xa9: {  	[sflag:s17] =	ssyncadd.s32 $0xFFFFD800  }
0xaa: {  	_ =	swait.ge [sflag:s17], $0x2800  }
0xab: {  	[sflag:s17] =	ssyncset.done $0x0  }
0xac: {  	[sflag:s17] =	ssyncadd.s32 $0xFFFFD800  }
0xad: {  	_ =	swait.ge [sflag:s17], $0x2800  }
0xae: {  	[sflag:s17] =	ssyncset.done $0x0  }
0xaf: {  	[sflag:s17] =	ssyncadd.s32 $0xFFFFD800  }
0xb0: {  	_ =	swait.ge [sflag:s17], $0x2800  }
0xb1: {  	[sflag:s17] =	ssyncset.done $0x0  }
0xb2: {  	[sflag:s17] =	ssyncadd.s32 $0xFFFFD800  }
0xb3: {  	_ =	swait.ge [sflag:s17], $0x2080  }
0xb4: {  	[sflag:s17] =	ssyncset.done $0x0  }
0xb5: {  	[sflag:s17] =	ssyncadd.s32 $0xFFFFDF80  }
0xb6: {  	_ =	swait.ge [sflag:s17], $0x500  }
0xb7: {  	[sflag:s17] =	ssyncset.done $0x0  }
0xb8: {  	[sflag:s17] =	ssyncadd.s32 $0xFFFFFB00  }
0xb9: {  	_ =	swait.ge [sflag:s17], $0x500  }
0xba: {  	[sflag:s17] =	ssyncset.done $0x0  }
0xbb: {  	[sflag:s17] =	ssyncadd.s32 $0xFFFFFB00  }
0xbc: {  	_ =	swait.ge [sflag:s17], $0x500  }
0xbd: {  	[sflag:s17] =	ssyncset.done $0x0  }
0xbe: {  	[sflag:s17] =	ssyncadd.s32 $0xFFFFFB00  }
0xbf: {  	_ =	swait.ge [sflag:s17], $0x500  }
0xc0: {  	[sflag:s17] =	ssyncset.done $0x0  }
0xc1: {  	[sflag:s17] =	ssyncadd.s32 $0xFFFFFB00  }
0xc2: {  	_ =	swait.ge [sflag:s17], $0x500  }
0xc3: {  	[sflag:s17] =	ssyncset.done $0x0  }
0xc4: {  	[sflag:s17] =	ssyncadd.s32 $0xFFFFFB00  }
0xc5: {  	_ =	swait.ge [sflag:s17], $0x500  }
0xc6: {  	[sflag:s17] =	ssyncset.done $0x0  }
0xc7: {  	[sflag:s17] =	ssyncadd.s32 $0xFFFFFB00  }
0xc8: {  	_ =	swait.ge [sflag:s17], $0x500  }
0xc9: {  	[sflag:s17] =	ssyncset.done $0x0  }
0xca: {  	[sflag:s17] =	ssyncadd.s32 $0xFFFFFB00  }
0xcb: {  	_ =	swait.ge [sflag:s17], $0x410  }
0xcc: {  	[sflag:s17] =	ssyncset.done $0x0  }
0xcd: {  	s22 =	simm.s32 $0x6;
	[sflag:s17] =	ssyncadd.s32 $0xFFFFFBF0  }
0xce: {  	_ =	swait.ge [sflag:s22], $0x500  }
0xcf: {  	[sflag:s22] =	ssyncset.done $0x0  }
0xd0: {  	s6 =	sadd.s32 $0x3C0, s8;
	[sflag:s22] =	ssyncadd.s32 $0xFFFFFB00  }
0xd1: {  	s9 =	sadd.s32 $0x280, s8;
	s7 =	sadd.s32 $0x140, s8;
	[bflag:$0x0] =	sbarrier.arrive $0xFFFF  }
.LBB2_20:
0xd2: {  	s18 =	smul.u32 $0xAB, s5;
	_ =	sdelay $0x1  }
0xd3: {  	s18 =	sshrl.u32 s18, $0x9  }
0xd4: {  	s18 =	sand.u32 $0x7F, s18  }
0xd5: {  	s18 =	smul.u32 $0x3, s18;
	_ =	sdelay $0x1  }
0xd6: {  	p0 =	seq.s32 s5, $0x0;
	s18 =	ssub.s32 s5, s18  }
.Ltmp9:
0xd7: {  	s18 =	sand.u32 $0xFF, s18;
	(pc) =	sbr.rel @p0 .LBB2_31-.Ltmp9, $4  }
0xd8: {  	s19 =	sadd.s32 $0x1, s18  }
0xd9: {  	_ =	swait.ge [sflag:s19], $0x2800  }
0xda: {  	[sflag:s19] =	ssyncset.done $0x0  }
0xdb: {  	[sflag:s19] =	ssyncadd.s32 $0xFFFFD800  }
0xdc: {  	s19 =	sadd.s32 $0xFFFFFFFF, s5  }
0xdd: {  	s20 =	sand.u32 $0xFF, s19  }
0xde: {  	s20 =	smul.u32 $0xAB, s20;
	_ =	sdelay $0x1  }
0xdf: {  	s20 =	sshrl.u32 s20, $0x9  }
0xe0: {  	s20 =	smul.u32 $0x3, s20;
	_ =	sdelay $0x1  }
0xe1: {  	s19 =	ssub.s32 s19, s20  }
0xe2: {  	s19 =	sand.u32 $0xFF, s19  }
0xe3: {  	s22 =	sor.u32 $0x4, s19  }
0xe4: {  	p0 =	sgt.s32 s5, $0x3F;
	_ =	swait.ge [sflag:s22], $0x2800  }
.Ltmp10:
0xe5: {  	[sflag:s22] =	ssyncset.done $0x0;
	(pc) =	sbr.rel @p0 .LBB2_25-.Ltmp10, $4  }
0xe6: {  	s19 =	sadd.s32 $0x7, s19;
	[sflag:s22] =	ssyncadd.s32 $0xFFFFD800  }
0xe7: {  	_ =	swait.ge [sflag:s19], $0x500  }
0xe8: {  	[sflag:s19] =	ssyncset.done $0x0  }
0xe9: {  	[sflag:s19] =	ssyncadd.s32 $0xFFFFFB00  }
0xea: {  	p0 =	seq.s32 s5, $0x20  }
.Ltmp11:
0xeb: {  	_ = 	snop;
	(pc) =	sbr.rel @p0 .LBB2_28-.Ltmp11, $1  }
0xec: {  	_ =	sdelay $0x3  }
0xed: {  	p0 =	seq.s32 s5, $0x3D  }
.Ltmp12:
0xee: {  	_ = 	snop;
	(pc) =	sbr.rel @!p0 .LBB2_30-.Ltmp12, $1  }
0xef: {  	_ =	sdelay $0x3  }
.Ltmp13:
0xf0: {  	(pc) =	sbr.rel .LBB2_31-.Ltmp13, $4  }
0xf1: {  	[tilespmem:s4], [sflag:$0xA] =	stream.linear.gather [hbm4b:s10+s4], $0x1360, $0x38;
	[tilespmem:$0x1FA40] =	vst v63  }
0xf2: {  	_ =	swait.ge [sflag:s12], $0x1360  }
0xf3: {  	[sflag:s12] =	ssyncset.done $0x0  }
0xf4: {  	[sflag:s12] =	ssyncadd.s32 $0xFFFFECA0  }
.LBB2_25:
0xf5: {  	p0 =	seq.s32 s5, $0x40  }
.Ltmp14:
0xf6: {  	_ = 	snop;
	(pc) =	sbr.rel @p0 .LBB2_29-.Ltmp14, $1  }
0xf7: {  	_ =	sdelay $0x3  }
0xf8: {  	p0 =	seq.s32 s5, $0x60  }
.Ltmp15:
0xf9: {  	_ = 	snop;
	(pc) =	sbr.rel @!p0 .LBB2_30-.Ltmp15, $1  }
0xfa: {  	_ =	sdelay $0x3  }
.Ltmp16:
0xfb: {  	(pc) =	sbr.rel .LBB2_31-.Ltmp16, $4  }
0xfc: {  	[tilespmem:s13], [sflag:$0xA] =	stream.linear.gather [hbm4b:s6+s4], $0x910, $0x38;
	[tilespmem:$0x1FA40] =	vst v63  }
0xfd: {  	_ =	swait.ge [sflag:s12], $0x910  }
0xfe: {  	[sflag:s12] =	ssyncset.done $0x0  }
0xff: {  	[sflag:s12] =	ssyncadd.s32 $0xFFFFF6F0  }
.LBB2_30:
0x100: {  	p0 =	sgt.u32 s5, $0x7A  }
.Ltmp17:
0x101: {  	_ = 	snop;
	(pc) =	sbr.rel @p0 .LBB2_32-.Ltmp17, $4  }
.Ltmp18:
0x102: {  	_ = 	snop;
	(pc) =	sbr.rel @!p0 .LBB2_31-.Ltmp18, $4  }
0x103: {  	_ = 	snop  }
0x104: {  	_ = 	snop  }
0x105: {  	_ = 	snop  }
0x106: {  	_ = 	snop  }
.LBB2_28:
.Ltmp19:
0x107: {  	(pc) =	sbr.rel .LBB2_31-.Ltmp19, $4  }
0x108: {  	[tilespmem:s13], [sflag:$0xA] =	stream.linear.gather [hbm4b:s7+s4], $0xA00, $0x38;
	[tilespmem:$0x1FA40] =	vst v63  }
0x109: {  	_ =	swait.ge [sflag:s12], $0xA00  }
0x10a: {  	[sflag:s12] =	ssyncset.done $0x0  }
0x10b: {  	[sflag:s12] =	ssyncadd.s32 $0xFFFFF600  }
.LBB2_29:
0x10c: {  	[tilespmem:s13], [sflag:$0xA] =	stream.linear.gather [hbm4b:s9+s4], $0xA00, $0x38;
	[tilespmem:$0x1FA40] =	vst v63  }
0x10d: {  	_ =	swait.ge [sflag:s12], $0xA00  }
0x10e: {  	[sflag:s12] =	ssyncset.done $0x0  }
0x10f: {  	[sflag:s12] =	ssyncadd.s32 $0xFFFFF600  }
.LBB2_31:
0x110: {  	s19 =	sadd.s32 $0x2, s5  }
0x111: {  	s20 =	smul.u32 $0xAB, s19;
	_ =	sdelay $0x1  }
0x112: {  	s20 =	sshrl.u32 s20, $0x9  }
0x113: {  	s20 =	sand.u32 $0x7F, s20  }
0x114: {  	s20 =	smul.u32 $0x3, s20;
	_ =	sdelay $0x1  }
0x115: {  	s20 =	ssub.s32 s19, s20  }
0x116: {  	p0 =	slt.u32 s5, $0x3D;
	s22 =	sadd.s32 $0xFFFFFFC3, s5;
	s20 =	sand.u32 $0xFF, s20  }
0x117: {  	s22 =	smov.u32 @p0 s19;
	s15 =	smul.u32 $0xA000, s20  }
0x118: {  	s22 =	smul.u32 $0x140, s22  }
0x119: {  	s19 =	sshrl.u32 s15, $0x2  }
0x11a: {  	s22 =	sshra.s32 s22, $0x2;
	s20 =	sadd.s32 $0x1, s20;
	s15 =	sadd.s32 $0x1DB0, s19  }
0x11b: {  	[tilespmem:s15], [sflag:s20] =	stream.indirect.gather [hbm4b:s1+s14], $0x80, s22, s14, $0xb8;
	[tilespmem:$0x1FA40] =	vst v63  }
0x11c: {  	s19 =	sadd.s32 $0x31B0, s19;
	s22 =	sadd.s32 $0x28, s22  }
0x11d: {  	[tilespmem:s19], [sflag:s20] =	stream.indirect.gather [hbm4b:s1+s14], $0x80, s22, s14, $0xb8;
	[tilespmem:$0x1FA40] =	vst v63  }
.LBB2_32:
0x11e: {  	s15 =	smul.u32 $0xA000, s18;
	s19 =	sand.u32 $0x1F, s5  }
0x11f: {  	s5 =	sadd.s32 $0x1, s5;
	s19 =	smul.u32 $0x140, s19  }
0x120: {  	p0 =	sne.s32 s5, $0x7D  }
.Ltmp20:
0x121: {  	s15 =	sshrl.u32 s15, $0x2;
	s19 =	sshrl.u32 s19, $0x2;
	(pc) =	sbr.rel @p0 .LBB2_20-.Ltmp20, $4  }
0x122: {  	s20 =	sadd.s32 $0x4, s18;
	s15 =	sadd.s32 $0x1DB0, s15;
	s19 =	sadd.s32 $0x13B0, s19  }
0x123: {  	[spmem:s2] =	stream.indirect.scatter.add.f32 [tilespmem:s15], [sflag:s20], $0x80, s19, s16, $0xb8;
	[tilespmem:$0x1FA40] =	vst v63  }
0x124: {  	s22 =	sadd.s32 $0x7, s18  }
0x125: {  	[spmem:s3] =	stream.indirect.scatter.add.f32 [tilespmem:s11], [sflag:s22], $0x10, s19, s16, $0xb8;
	[tilespmem:$0x1FA40] =	vst v63  }
0x126: {  	s5 =	simm.s32 $0x5  }
0x127: {  	_ =	swait.ge [sflag:s5], $0x2800  }
0x128: {  	[sflag:s5] =	ssyncset.done $0x0  }
0x129: {  	s15 =	simm.s32 $0x8;
	[sflag:s5] =	ssyncadd.s32 $0xFFFFD800  }
0x12a: {  	_ =	swait.ge [sflag:s15], $0x500  }
0x12b: {  	[sflag:s15] =	ssyncset.done $0x0  }
0x12c: {  	[sflag:s15] =	ssyncadd.s32 $0xFFFFFB00  }
0x12d: {  	s18 =	stileid.u32;
	[bflag:$0x0] =	sbarrier.arrive $0xFFFF  }
0x12e: {  	s5 =	sshll.u32 s18, $0x6;
	s15 =	rddreg [dreg:$0xe]  }
0x12f: {  	s6 =	sor.u32 $0x1C01, s5;
	s9 =	rddreg [dreg:$0x8];
	s7 =	sshrl.u32 s15, $0x3  }
0x130: {  	[hbm:s9], [sflag:s6] =	dma.local [spmem:s7], $0x7D0  }
0x131: {  	s7 =	rddreg [dreg:$0x9]  }
0x132: {  	s9 =	rddreg [dreg:$0x17]  }
0x133: {  	[hbm:s7], [sflag:s6] =	dma.local [spmem:s9], $0x7D0  }
0x134: {  	s7 =	rddreg [dreg:$0xa]  }
0x135: {  	s9 =	rddreg [dreg:$0x18]  }
0x136: {  	[hbm:s7], [sflag:s6] =	dma.local [spmem:s9], $0x7D0  }
0x137: {  	s7 =	rddreg [dreg:$0xb]  }
0x138: {  	s9 =	rddreg [dreg:$0x19]  }
0x139: {  	[hbm:s7], [sflag:s6] =	dma.local [spmem:s9], $0x7D0  }
0x13a: {  	s7 =	rddreg [dreg:$0xc]  }
0x13b: {  	s9 =	rddreg [dreg:$0x1a]  }
0x13c: {  	[hbm:s7], [sflag:s6] =	dma.local [spmem:s9], $0x7D0  }
0x13d: {  	s19 =	sshrl.u32 s23, $0x3;
	s5 =	sor.u32 $0x1C02, s5;
	s7 =	rddreg [dreg:$0xd]  }
0x13e: {  	[hbm:s7], [sflag:s5] =	dma.local [spmem:s19], $0x4E2  }
0x13f: {  	_ =	swait.ge [sflag:s21], $0x7D0  }
0x140: {  	[sflag:s21] =	ssyncset.done $0x0  }
0x141: {  	[sflag:s21] =	ssyncadd.s32 $0xFFFFF830  }
0x142: {  	_ =	swait.ge [sflag:s21], $0x7D0  }
0x143: {  	[sflag:s21] =	ssyncset.done $0x0  }
0x144: {  	[sflag:s21] =	ssyncadd.s32 $0xFFFFF830  }
0x145: {  	_ =	swait.ge [sflag:s21], $0x7D0  }
0x146: {  	[sflag:s21] =	ssyncset.done $0x0  }
0x147: {  	[sflag:s21] =	ssyncadd.s32 $0xFFFFF830  }
0x148: {  	_ =	swait.ge [sflag:s21], $0x7D0  }
0x149: {  	[sflag:s21] =	ssyncset.done $0x0  }
0x14a: {  	[sflag:s21] =	ssyncadd.s32 $0xFFFFF830  }
0x14b: {  	_ =	swait.ge [sflag:s21], $0x7D0  }
0x14c: {  	[sflag:s21] =	ssyncset.done $0x0  }
0x14d: {  	s20 =	simm.s32 $0x2;
	[sflag:s21] =	ssyncadd.s32 $0xFFFFF830  }
0x14e: {  	_ =	swait.ge [sflag:s20], $0x4E2  }
0x14f: {  	s0 =	sadd.s32 $0x1, s0;
	s22 =	rddreg [dreg:$0x16]  }
0x150: {  	p0 =	sne.s32 s0, s22  }
.Ltmp21:
0x151: {  	_ = 	snop;
	(pc) =	sbr.rel @p0 .LBB2_1-.Ltmp21, $3  }
0x152: {  	_ =	sdelay $0x1  }
0x153: {  	[sflag:s20] =	ssyncset.done $0x0  }
0x154: {  	[sflag:s20] =	ssyncadd.s32 $0xFFFFFB1E  }
0x155: {  	_ =	sfence.sel $0x180000  }
0x156: {  	[bflag:$0x0] =	sbarrier.arrive $0xFFFF  }
0x157: {  	_ =	strace $0x90000047  }
0x158: {  	s0 =	stileid.u32;
	[bflag:$0x2] =	sbarrier.arrive $0xFFFF  }
0x159: {  	p0 =	sne.s32 s0, $0x0;
	s0 =	rddreg [dreg:$0x5]  }
0x15a: {  	s0 =	sadd.s32 @!p0 $0x100000, s0  }
0x15b: {  	[sflag:s0] =	ssyncadd.tile.s32 @!p0 $0x1;
	_ =	shalt  }
.Lfunc_end2:
_tile_overlayer_lowered:
.L_overlay_start_2:
0x15c: {  	(tag) =	ssettag $0x2  }
0x15d: {  	s0 =	rddreg [dreg:$0x0];
	s2 =	stileid.u32  }
0x15e: {  	s1 =	rddreg [dreg:$0x1];
	p0 =	sne.s32 s2, $0x0  }
0x15f: {  	s3 =	rddreg [dreg:$0x2];
	[bflag:$0x3] =	sbarrier.arrive $0xFFFF;
	s2 =	simm.s32 @!p0 $0x1C0A  }
0x160: {  	[timem:s3], [sflag:s2] =	dma.local @!p0 [hbm:s0], s1  }
0x161: {  	s0 =	simm.s32 @!p0 $0xA  }
0x162: {  	_ =	swait.ge @!p0 [sflag:s0], s1  }
0x163: {  	s1 =	ssub.s32 @!p0 $0x0, s1;
	[sflag:s0] =	ssyncset.done @!p0 $0x0  }
0x164: {  	[sflag:s0] =	ssyncadd.s32 @!p0 s1  }
0x165: {  	[bflag:$0x3] =	sbarrier.arrive $0xFFFF  }
0x166: {  	_ =	shalt  }

</sc_bundles>
